<compile_context>
chip_gen: v7x
topology: tpu7x:2x2x1
jax: 0.10.2.dev20260603
libtpu: 0.0.44.dev20260713+nightly
codegen_flags: <defaults>
</compile_context>

<pallas_src>
import functools

import jax
import jax.numpy as jnp
from jax import lax
from jax.experimental import pallas as pl
from jax.experimental.pallas import tpu as pltpu
from jax.experimental.pallas import tpu_sc as plsc

ROWS = 64
V = 1_000_000
NC = 2
NS = 16
NW = NC * NS
L = 16
K = 10

C = 16_128
NCHUNK = 62
TAIL = V - NCHUNK * C
NBUF = 5
G = 24
NVEC = C // L
NGROUP = NVEC // G
GPS = 6
NSUPER = NGROUP // GPS

_NEG_INF = float("-inf")


def _sc_topk_body(llm_hbm, slm_hbm, lt_hbm, st_hbm, out_hbm,
                  buf, cand_ref, tvec_ref, gmax_ref, smax_ref, *sems):
    wid = lax.axis_index("s") * NC + lax.axis_index("c")

    def any_gt(vec, tvec):
        cnt = plsc.all_reduce_population_count(vec > tvec)
        return lax.squeeze(lax.slice(cnt, (0,), (1,)), (0,)) > 0

    def merge_vec(v):
        cand = cand_ref[...]
        vs, _ = plsc.sort_key_val(v, v, descending=True)
        merged = jnp.maximum(cand, lax.rev(vs, (0,)))
        c2, _ = plsc.sort_key_val(merged, merged, descending=True)
        cand_ref[...] = c2
        tvec_ref[...] = c2.at[jnp.full((L,), K - 1, jnp.int32)
                              ].get(mode="promise_in_bounds")

    def group_max(off):
        acc = [buf[pl.ds(off + a * L, L)] for a in range(4)]
        for j in range(4, G):
            acc[j % 4] = jnp.maximum(acc[j % 4], buf[pl.ds(off + j * L, L)])
        return jnp.maximum(jnp.maximum(acc[0], acc[1]),
                           jnp.maximum(acc[2], acc[3]))

    def scan_block(off, n):
        acc = [buf[pl.ds(off + a * L, L)] for a in range(4)]
        for j in range(4, n):
            acc[j % 4] = jnp.maximum(acc[j % 4], buf[pl.ds(off + j * L, L)])
        m = jnp.maximum(jnp.maximum(acc[0], acc[1]),
                        jnp.maximum(acc[2], acc[3]))

        @pl.when(any_gt(m, tvec_ref[...]))
        def _rescan():
            def scan_one(j, carry):
                merge_vec(buf[pl.ds(off + j * L, L)])
                return carry

            lax.fori_loop(0, n, scan_one, 0)

    def process_chunk(chunk_off, gmax_ref, smax_ref):
        def phase1(sg, cmax):
            gms = []
            for gg in range(GPS):
                g = sg * GPS + gg
                gm = group_max(chunk_off + g * (G * L))
                gmax_ref[pl.ds(g * L, L)] = gm
                gms.append(gm)
            sm = gms[0]
            for gm in gms[1:]:
                sm = jnp.maximum(sm, gm)
            smax_ref[pl.ds(sg * L, L)] = sm
            return jnp.maximum(cmax, sm)

        cmax = plsc.parallel_loop(
            0, NSUPER, unroll=7,
            carry=jnp.full((L,), _NEG_INF, jnp.float32))(phase1)

        @pl.when(any_gt(cmax, tvec_ref[...]))
        def _walk_supers():
            def super_body(sg, carry):
                @pl.when(any_gt(smax_ref[pl.ds(sg * L, L)], tvec_ref[...]))
                def _walk_groups():
                    def group_body(gg, carry2):
                        g = sg * GPS + gg

                        @pl.when(any_gt(gmax_ref[pl.ds(g * L, L)],
                                        tvec_ref[...]))
                        def _merge_all():
                            def sub(sb, carry3):
                                soff = chunk_off + g * (G * L) + sb * (6 * L)
                                sm = buf[pl.ds(soff, L)]
                                for j in range(1, 6):
                                    sm = jnp.maximum(
                                        sm, buf[pl.ds(soff + j * L, L)])

                                @pl.when(any_gt(sm, tvec_ref[...]))
                                def _merge_sub():
                                    def one(j, carry4):
                                        merge_vec(buf[pl.ds(soff + j * L, L)])
                                        return carry4

                                    lax.fori_loop(0, 6, one, 0)
                                return carry3

                            lax.fori_loop(0, G // 6, sub, 0)
                        return carry2

                    lax.fori_loop(0, GPS, group_body, 0)
                return carry

            lax.fori_loop(0, NSUPER, super_body, 0)

    def task_loop(t, carry):
        row = wid * 2 + (t % 2)
        is_llm = t < 2
        cand_ref[...] = jnp.full((L,), _NEG_INF, jnp.float32)
        tvec_ref[...] = jnp.full((L,), _NEG_INF, jnp.float32)

        def issue(src, chunk, bb):
            pltpu.async_copy(src.at[row, pl.ds(chunk * C, C)],
                             buf.at[pl.ds(bb * C, C)], sems[bb])

        for bb in range(NBUF):
            @pl.when(is_llm)
            def _pl(bb=bb):
                issue(llm_hbm, bb, bb)

            @pl.when(jnp.logical_not(is_llm))
            def _ps(bb=bb):
                issue(slm_hbm, bb, bb)

        def chunk_loop(c, carry):
            b = c % NBUF
            for bb in range(NBUF):
                @pl.when(b == bb)
                def _wait(bb=bb):
                    pltpu.make_async_copy(
                        llm_hbm.at[0, pl.ds(0, C)],
                        buf.at[pl.ds(bb * C, C)], sems[bb]).wait()

            process_chunk(b * C, gmax_ref, smax_ref)

            @pl.when(c + NBUF < NCHUNK)
            def _refill():
                for bb in range(NBUF):
                    @pl.when(b == bb)
                    def _r(bb=bb):
                        @pl.when(is_llm)
                        def _rl(bb=bb):
                            issue(llm_hbm, c + NBUF, bb)

                        @pl.when(jnp.logical_not(is_llm))
                        def _rs(bb=bb):
                            issue(slm_hbm, c + NBUF, bb)
            return carry

        lax.fori_loop(0, NCHUNK, chunk_loop, 0)

        @pl.when(is_llm)
        def _tl():
            pltpu.async_copy(lt_hbm.at[row, pl.ds(0, 2 * L * 4)],
                             buf.at[pl.ds(0, 2 * L * 4)], sems[0])

        @pl.when(jnp.logical_not(is_llm))
        def _ts():
            pltpu.async_copy(st_hbm.at[row, pl.ds(0, 2 * L * 4)],
                             buf.at[pl.ds(0, 2 * L * 4)], sems[0])

        pltpu.make_async_copy(llm_hbm.at[0, pl.ds(0, 2 * L * 4)],
                              buf.at[pl.ds(0, 2 * L * 4)], sems[0]).wait()
        scan_block(0, 8)

        out_off = row * (2 * L) + jnp.where(is_llm, 0, L)
        pltpu.sync_copy(cand_ref, out_hbm.at[pl.ds(out_off, L)])
        return carry

    lax.fori_loop(0, 4, task_loop, 0)


_sc_topk = pl.kernel(
    _sc_topk_body,
    out_type=jax.ShapeDtypeStruct((ROWS * 2 * L,), jnp.float32),
    mesh=plsc.VectorSubcoreMesh(core_axis_name="c", subcore_axis_name="s"),
    compiler_params=pltpu.CompilerParams(
        needs_layout_passes=False, use_tc_tiling_on_sc=True),
    scratch_types=(
        [pltpu.VMEM((NBUF * C,), jnp.float32),
         pltpu.VMEM((L,), jnp.float32),
         pltpu.VMEM((L,), jnp.float32),
         pltpu.VMEM((NGROUP * L,), jnp.float32),
         pltpu.VMEM((NSUPER * L,), jnp.float32)]
        + [pltpu.SemaphoreType.DMA] * NBUF
    ),
)


def _mlp_body(x_ref, w1_ref, b1_ref, w2_ref, b2_ref, w3_ref, b3_ref, o_ref):
    x = x_ref[...]
    h = jnp.dot(x, w1_ref[...],
                preferred_element_type=jnp.float32) + b1_ref[...]
    h = jnp.maximum(h, 0.0)
    h = jnp.dot(h, w2_ref[...],
                preferred_element_type=jnp.float32) + b2_ref[...]
    h = jnp.maximum(h, 0.0)
    logits = jnp.dot(h, w3_ref[...],
                     preferred_element_type=jnp.float32) + b3_ref[...]
    m = jnp.max(logits, axis=-1, keepdims=True)
    e = jnp.exp(logits - m)
    p = e / jnp.sum(e, axis=-1, keepdims=True)
    o_ref[...] = p / jnp.sum(p, axis=-1, keepdims=True)


def _mlp(x, w1p, b1, w2t, b2, w3t, b3):
    return pl.pallas_call(
        _mlp_body,
        out_shape=jax.ShapeDtypeStruct((ROWS, 2), jnp.float32),
    )(x, w1p, b1, w2t, b2, w3t, b3)


def kernel(llm_logits, slm_logits, W1, b1, W2, b2, W3, b3):
    pad = ((0, 0), (0, 2 * L * 4 - TAIL))
    lt = jnp.pad(llm_logits[:, NCHUNK * C:], pad, constant_values=_NEG_INF)
    st = jnp.pad(slm_logits[:, NCHUNK * C:], pad, constant_values=_NEG_INF)
    sc_out = _sc_topk(llm_logits, slm_logits, lt, st)
    x = sc_out.reshape(ROWS, 2 * L)

    w1t = W1.T
    w1p = jnp.zeros((2 * L, w1t.shape[1]), jnp.float32)
    w1p = w1p.at[0:K].set(w1t[0:K]).at[L:L + K].set(w1t[K:2 * K])

    return _mlp(x, w1p, b1.reshape(1, -1), W2.T, b2.reshape(1, -1),
                W3.T, b3.reshape(1, -1))

# --- scband reference (transcript-rebuilt; emitter-appended) ---
"""Pipeline reference for scband-weight-network-69733089018291 (READ-ONLY COPY).

The authoritative reference and input builder live on the scoring server;
editing this copy changes nothing except your own understanding.
"""

import jax, jax.numpy as jnp
import numpy as np

LOGIT_DIM = 10
HIDDEN = [512, 16]
BATCH = 64
VOCAB = 1000000


def setup_inputs(seed: int = 0) -> dict:
    key = jax.random.key(seed)
    k1, k2, kw1, kb1, kw2, kb2, kw3 = jax.random.split(key, 7)
    llm_logits = jax.random.normal(k1, (BATCH, VOCAB), dtype=jnp.float32)
    slm_logits = jax.random.normal(k2, (BATCH, VOCAB), dtype=jnp.float32)
    # kaiming_normal_(fan_in, relu): std = sqrt(2 / fan_in)
    in0 = 2 * LOGIT_DIM
    W1 = jax.random.normal(kw1, (HIDDEN[0], in0), dtype=jnp.float32) * jnp.sqrt(2.0 / in0)
    b1 = jnp.full((HIDDEN[0],), 0.1, dtype=jnp.float32)
    W2 = jax.random.normal(kw2, (HIDDEN[1], HIDDEN[0]), dtype=jnp.float32) * jnp.sqrt(2.0 / HIDDEN[0])
    b2 = jnp.full((HIDDEN[1],), 0.1, dtype=jnp.float32)
    W3 = jax.random.normal(kw3, (2, HIDDEN[1]), dtype=jnp.float32) * jnp.sqrt(2.0 / HIDDEN[1])
    b3 = jnp.array([0.5, 0.5], dtype=jnp.float32)
    return {"llm_logits": llm_logits, "slm_logits": slm_logits,
            "W1": W1, "b1": b1, "W2": W2, "b2": b2, "W3": W3, "b3": b3}


def reference(llm_logits, slm_logits, W1, b1, W2, b2, W3, b3):
    topk_llm, _ = jax.lax.top_k(llm_logits, LOGIT_DIM)
    topk_slm, _ = jax.lax.top_k(slm_logits, LOGIT_DIM)
    combined = jnp.concatenate([topk_llm, topk_slm], axis=-1)
    h = jax.nn.relu(combined @ W1.T + b1)
    h = jax.nn.relu(h @ W2.T + b2)
    logits = h @ W3.T + b3
    raw_weights = jax.nn.softmax(logits, axis=-1)
    normalized_weights = raw_weights / jnp.sum(raw_weights, axis=-1, keepdims=True)
    return normalized_weights

if __name__ == "__main__":
    import jax
    _d = setup_inputs()
    print(jax.jit(kernel)(*tuple(_d.values())))

</pallas_src>

<mosaic_0001>
#map = affine_map<(d0, d1) -> (0, 0)>
#map1 = affine_map<(d0, d1) -> (0)>
module attributes {stable_mosaic.version = 14 : i64} {
  func.func @_sc_topk_body(%arg0: i32, %arg1: i32, %arg2: memref<64x1000000xf32, #tpu.memory_space<hbm>>, %arg3: memref<64x1000000xf32, #tpu.memory_space<hbm>>, %arg4: memref<64x128xf32, #tpu.memory_space<hbm>>, %arg5: memref<64x128xf32, #tpu.memory_space<hbm>>, %arg6: memref<2048xf32, #tpu.memory_space<hbm>>, %arg7: memref<80640xf32, #tpu.memory_space<vmem>>, %arg8: memref<16xf32, #tpu.memory_space<vmem>>, %arg9: memref<16xf32, #tpu.memory_space<vmem>>, %arg10: memref<672xf32, #tpu.memory_space<vmem>>, %arg11: memref<112xf32, #tpu.memory_space<vmem>>, %arg12: memref<!tpu.dma_semaphore, #tpu.memory_space<semaphore_mem>>, %arg13: memref<!tpu.dma_semaphore, #tpu.memory_space<semaphore_mem>>, %arg14: memref<!tpu.dma_semaphore, #tpu.memory_space<semaphore_mem>>, %arg15: memref<!tpu.dma_semaphore, #tpu.memory_space<semaphore_mem>>, %arg16: memref<!tpu.dma_semaphore, #tpu.memory_space<semaphore_mem>>) attributes {dimension_semantics = [#tpu.dimension_semantics<core_parallel>, #tpu.dimension_semantics<subcore_parallel>], iteration_bounds = array<i64: 2, 16>, scalar_prefetch = 0 : i64, scratch_operands = 10 : i64, tpu.core_type = #tpu.core_type<sc_vector_subcore>, window_params = [{transform_indices = #map}, {transform_indices = #map}, {transform_indices = #map}, {transform_indices = #map}, {transform_indices = #map1}]} {
    %mul3A = arith.constant 2 : i32
    %mul3A_0 = arith.muli %arg1, %mul3A : i32
    %add3A = arith.addi %mul3A_0, %arg0 : i32
    %scan3A = arith.constant 0 : i32
    %scan3A_1 = arith.constant 0 : i32
    %scan3A_2 = arith.constant 4 : i32
    %scan3A_3 = arith.addi %scan3A_1, %scan3A_2 : i32
    %scan3A_4 = arith.constant 1 : i32
    scf.for %scan3A_6 = %scan3A_1 to %scan3A_3 step %scan3A_4  : i32 {
      %mul3A_7 = arith.constant 2 : i32
      %mul3A_8 = arith.muli %add3A, %mul3A_7 : i32
      %jit3A = arith.constant 2 : i32
      %eq3A = arith.constant 0 : i32
      %eq3A_9 = arith.cmpi eq, %jit3A, %eq3A : i32
      %jit3A_10 = arith.constant 1 : i32
      %select_n3A = arith.select %eq3A_9, %jit3A_10, %jit3A : i32
      %rem3A = arith.remsi %scan3A_6, %select_n3A : i32
      %ne3A = arith.constant 0 : i32
      %ne3A_11 = arith.cmpi ne, %rem3A, %ne3A : i32
      %lt3A = arith.constant 0 : i32
      %lt3A_12 = arith.cmpi slt, %rem3A, %lt3A : i32
      %lt3A_13 = arith.constant 0 : i32
      %lt3A_14 = arith.cmpi slt, %select_n3A, %lt3A_13 : i32
      %ne3A_15 = arith.xori %lt3A_12, %lt3A_14 : i1
      %and3A = arith.andi %ne3A_15, %ne3A_11 : i1
      %add3A_16 = arith.addi %rem3A, %select_n3A : i32
      %select_n3A_17 = arith.select %and3A, %add3A_16, %rem3A : i32
      %add3A_18 = arith.addi %mul3A_8, %select_n3A_17 : i32
      %lt3A_19 = arith.constant 2 : i32
      %lt3A_20 = arith.cmpi slt, %scan3A_6, %lt3A_19 : i32
      %broadcast_in_dim3A = arith.constant 0xFF800000 : f32
      %broadcast_in_dim3A_21 = vector.broadcast %broadcast_in_dim3A : f32 to vector<16xf32>
      %swap3A = arith.constant 0 : index
      %swap3A_22 = tpu.vector_load %arg8[%swap3A] {strides = array<i32>} : memref<16xf32, #tpu.memory_space<vmem>>, vector<16xf32>,
      tpu.vector_store %arg8[%swap3A], %broadcast_in_dim3A_21 {strides = array<i32>} : memref<16xf32, #tpu.memory_space<vmem>>, vector<16xf32>,
      %broadcast_in_dim3A_23 = arith.constant 0xFF800000 : f32
      %broadcast_in_dim3A_24 = vector.broadcast %broadcast_in_dim3A_23 : f32 to vector<16xf32>
      %swap3A_25 = arith.constant 0 : index
      %swap3A_26 = tpu.vector_load %arg9[%swap3A_25] {strides = array<i32>} : memref<16xf32, #tpu.memory_space<vmem>>, vector<16xf32>,
      tpu.vector_store %arg9[%swap3A_25], %broadcast_in_dim3A_24 {strides = array<i32>} : memref<16xf32, #tpu.memory_space<vmem>>, vector<16xf32>,
      %convert_element_type3A = arith.extui %lt3A_20 : i1 to i32
      %cond3A = arith.constant 0 : i32
      %cond3A_27 = arith.cmpi ne, %convert_element_type3A, %cond3A : i32
      scf.if %cond3A_27 {
        %dma_start3A = arith.constant 0 : i32
        %dma_start3A_122 = tpu.memref_slice %arg7[%dma_start3A] : memref<80640xf32, #tpu.memory_space<vmem>> -> memref<16128xf32, #tpu.memory_space<vmem>>
        %dma_start3A_123 = arith.constant 0 : i32
        %dma_start3A_124 = tpu.memref_slice %arg2[%add3A_18, %dma_start3A_123] : memref<64x1000000xf32, #tpu.memory_space<hbm>> -> memref<1x16128xf32, #tpu.memory_space<hbm>>
        %dma_start3A_125 = tpu.memref_squeeze %dma_start3A_124 : memref<1x16128xf32, #tpu.memory_space<hbm>> -> memref<16128xf32, #tpu.memory_space<hbm>>
        %dma_start3A_126 = arith.constant 0 : i32
        %dma_start3A_127 = tpu.memref_slice %arg7[%dma_start3A_126] : memref<80640xf32, #tpu.memory_space<vmem>> -> memref<16128xf32, #tpu.memory_space<vmem>>
        %dma_start3A_128 = arith.constant 0 : i32
        %dma_start3A_129 = tpu.memref_slice %arg2[%add3A_18, %dma_start3A_128] : memref<64x1000000xf32, #tpu.memory_space<hbm>> -> memref<1x16128xf32, #tpu.memory_space<hbm>>
        %dma_start3A_130 = tpu.memref_squeeze %dma_start3A_129 : memref<1x16128xf32, #tpu.memory_space<hbm>> -> memref<16128xf32, #tpu.memory_space<hbm>>
        tpu.enqueue_dma source(%dma_start3A_130 : memref<16128xf32, #tpu.memory_space<hbm>>) target(%dma_start3A_127 : memref<16128xf32, #tpu.memory_space<vmem>>) target_semaphore(%arg12 : memref<!tpu.dma_semaphore, #tpu.memory_space<semaphore_mem>>)
      } else {
      }
      %not3A = arith.constant true
      %not3A_28 = arith.xori %lt3A_20, %not3A : i1
      %convert_element_type3A_29 = arith.extui %not3A_28 : i1 to i32
      %cond3A_30 = arith.constant 0 : i32
      %cond3A_31 = arith.cmpi ne, %convert_element_type3A_29, %cond3A_30 : i32
      scf.if %cond3A_31 {
        %dma_start3A = arith.constant 0 : i32
        %dma_start3A_122 = tpu.memref_slice %arg7[%dma_start3A] : memref<80640xf32, #tpu.memory_space<vmem>> -> memref<16128xf32, #tpu.memory_space<vmem>>
        %dma_start3A_123 = arith.constant 0 : i32
        %dma_start3A_124 = tpu.memref_slice %arg3[%add3A_18, %dma_start3A_123] : memref<64x1000000xf32, #tpu.memory_space<hbm>> -> memref<1x16128xf32, #tpu.memory_space<hbm>>
        %dma_start3A_125 = tpu.memref_squeeze %dma_start3A_124 : memref<1x16128xf32, #tpu.memory_space<hbm>> -> memref<16128xf32, #tpu.memory_space<hbm>>
        %dma_start3A_126 = arith.constant 0 : i32
        %dma_start3A_127 = tpu.memref_slice %arg7[%dma_start3A_126] : memref<80640xf32, #tpu.memory_space<vmem>> -> memref<16128xf32, #tpu.memory_space<vmem>>
        %dma_start3A_128 = arith.constant 0 : i32
        %dma_start3A_129 = tpu.memref_slice %arg3[%add3A_18, %dma_start3A_128] : memref<64x1000000xf32, #tpu.memory_space<hbm>> -> memref<1x16128xf32, #tpu.memory_space<hbm>>
        %dma_start3A_130 = tpu.memref_squeeze %dma_start3A_129 : memref<1x16128xf32, #tpu.memory_space<hbm>> -> memref<16128xf32, #tpu.memory_space<hbm>>
        tpu.enqueue_dma source(%dma_start3A_130 : memref<16128xf32, #tpu.memory_space<hbm>>) target(%dma_start3A_127 : memref<16128xf32, #tpu.memory_space<vmem>>) target_semaphore(%arg12 : memref<!tpu.dma_semaphore, #tpu.memory_space<semaphore_mem>>)
      } else {
      }
      %convert_element_type3A_32 = arith.extui %lt3A_20 : i1 to i32
      %cond3A_33 = arith.constant 0 : i32
      %cond3A_34 = arith.cmpi ne, %convert_element_type3A_32, %cond3A_33 : i32
      scf.if %cond3A_34 {
        %dma_start3A = arith.constant 16128 : i32
        %dma_start3A_122 = tpu.memref_slice %arg7[%dma_start3A] : memref<80640xf32, #tpu.memory_space<vmem>> -> memref<16128xf32, #tpu.memory_space<vmem>>
        %dma_start3A_123 = arith.constant 16128 : i32
        %dma_start3A_124 = tpu.memref_slice %arg2[%add3A_18, %dma_start3A_123] : memref<64x1000000xf32, #tpu.memory_space<hbm>> -> memref<1x16128xf32, #tpu.memory_space<hbm>>
        %dma_start3A_125 = tpu.memref_squeeze %dma_start3A_124 : memref<1x16128xf32, #tpu.memory_space<hbm>> -> memref<16128xf32, #tpu.memory_space<hbm>>
        %dma_start3A_126 = arith.constant 16128 : i32
        %dma_start3A_127 = tpu.memref_slice %arg7[%dma_start3A_126] : memref<80640xf32, #tpu.memory_space<vmem>> -> memref<16128xf32, #tpu.memory_space<vmem>>
        %dma_start3A_128 = arith.constant 16128 : i32
        %dma_start3A_129 = tpu.memref_slice %arg2[%add3A_18, %dma_start3A_128] : memref<64x1000000xf32, #tpu.memory_space<hbm>> -> memref<1x16128xf32, #tpu.memory_space<hbm>>
        %dma_start3A_130 = tpu.memref_squeeze %dma_start3A_129 : memref<1x16128xf32, #tpu.memory_space<hbm>> -> memref<16128xf32, #tpu.memory_space<hbm>>
        tpu.enqueue_dma source(%dma_start3A_130 : memref<16128xf32, #tpu.memory_space<hbm>>) target(%dma_start3A_127 : memref<16128xf32, #tpu.memory_space<vmem>>) target_semaphore(%arg13 : memref<!tpu.dma_semaphore, #tpu.memory_space<semaphore_mem>>)
      } else {
      }
      %not3A_35 = arith.constant true
      %not3A_36 = arith.xori %lt3A_20, %not3A_35 : i1
      %convert_element_type3A_37 = arith.extui %not3A_36 : i1 to i32
      %cond3A_38 = arith.constant 0 : i32
      %cond3A_39 = arith.cmpi ne, %convert_element_type3A_37, %cond3A_38 : i32
      scf.if %cond3A_39 {
        %dma_start3A = arith.constant 16128 : i32
        %dma_start3A_122 = tpu.memref_slice %arg7[%dma_start3A] : memref<80640xf32, #tpu.memory_space<vmem>> -> memref<16128xf32, #tpu.memory_space<vmem>>
        %dma_start3A_123 = arith.constant 16128 : i32
        %dma_start3A_124 = tpu.memref_slice %arg3[%add3A_18, %dma_start3A_123] : memref<64x1000000xf32, #tpu.memory_space<hbm>> -> memref<1x16128xf32, #tpu.memory_space<hbm>>
        %dma_start3A_125 = tpu.memref_squeeze %dma_start3A_124 : memref<1x16128xf32, #tpu.memory_space<hbm>> -> memref<16128xf32, #tpu.memory_space<hbm>>
        %dma_start3A_126 = arith.constant 16128 : i32
        %dma_start3A_127 = tpu.memref_slice %arg7[%dma_start3A_126] : memref<80640xf32, #tpu.memory_space<vmem>> -> memref<16128xf32, #tpu.memory_space<vmem>>
        %dma_start3A_128 = arith.constant 16128 : i32
        %dma_start3A_129 = tpu.memref_slice %arg3[%add3A_18, %dma_start3A_128] : memref<64x1000000xf32, #tpu.memory_space<hbm>> -> memref<1x16128xf32, #tpu.memory_space<hbm>>
        %dma_start3A_130 = tpu.memref_squeeze %dma_start3A_129 : memref<1x16128xf32, #tpu.memory_space<hbm>> -> memref<16128xf32, #tpu.memory_space<hbm>>
        tpu.enqueue_dma source(%dma_start3A_130 : memref<16128xf32, #tpu.memory_space<hbm>>) target(%dma_start3A_127 : memref<16128xf32, #tpu.memory_space<vmem>>) target_semaphore(%arg13 : memref<!tpu.dma_semaphore, #tpu.memory_space<semaphore_mem>>)
      } else {
      }
      %convert_element_type3A_40 = arith.extui %lt3A_20 : i1 to i32
      %cond3A_41 = arith.constant 0 : i32
      %cond3A_42 = arith.cmpi ne, %convert_element_type3A_40, %cond3A_41 : i32
      scf.if %cond3A_42 {
        %dma_start3A = arith.constant 32256 : i32
        %dma_start3A_122 = tpu.memref_slice %arg7[%dma_start3A] : memref<80640xf32, #tpu.memory_space<vmem>> -> memref<16128xf32, #tpu.memory_space<vmem>>
        %dma_start3A_123 = arith.constant 32256 : i32
        %dma_start3A_124 = tpu.memref_slice %arg2[%add3A_18, %dma_start3A_123] : memref<64x1000000xf32, #tpu.memory_space<hbm>> -> memref<1x16128xf32, #tpu.memory_space<hbm>>
        %dma_start3A_125 = tpu.memref_squeeze %dma_start3A_124 : memref<1x16128xf32, #tpu.memory_space<hbm>> -> memref<16128xf32, #tpu.memory_space<hbm>>
        %dma_start3A_126 = arith.constant 32256 : i32
        %dma_start3A_127 = tpu.memref_slice %arg7[%dma_start3A_126] : memref<80640xf32, #tpu.memory_space<vmem>> -> memref<16128xf32, #tpu.memory_space<vmem>>
        %dma_start3A_128 = arith.constant 32256 : i32
        %dma_start3A_129 = tpu.memref_slice %arg2[%add3A_18, %dma_start3A_128] : memref<64x1000000xf32, #tpu.memory_space<hbm>> -> memref<1x16128xf32, #tpu.memory_space<hbm>>
        %dma_start3A_130 = tpu.memref_squeeze %dma_start3A_129 : memref<1x16128xf32, #tpu.memory_space<hbm>> -> memref<16128xf32, #tpu.memory_space<hbm>>
        tpu.enqueue_dma source(%dma_start3A_130 : memref<16128xf32, #tpu.memory_space<hbm>>) target(%dma_start3A_127 : memref<16128xf32, #tpu.memory_space<vmem>>) target_semaphore(%arg14 : memref<!tpu.dma_semaphore, #tpu.memory_space<semaphore_mem>>)
      } else {
      }
      %not3A_43 = arith.constant true
      %not3A_44 = arith.xori %lt3A_20, %not3A_43 : i1
      %convert_element_type3A_45 = arith.extui %not3A_44 : i1 to i32
      %cond3A_46 = arith.constant 0 : i32
      %cond3A_47 = arith.cmpi ne, %convert_element_type3A_45, %cond3A_46 : i32
      scf.if %cond3A_47 {
        %dma_start3A = arith.constant 32256 : i32
        %dma_start3A_122 = tpu.memref_slice %arg7[%dma_start3A] : memref<80640xf32, #tpu.memory_space<vmem>> -> memref<16128xf32, #tpu.memory_space<vmem>>
        %dma_start3A_123 = arith.constant 32256 : i32
        %dma_start3A_124 = tpu.memref_slice %arg3[%add3A_18, %dma_start3A_123] : memref<64x1000000xf32, #tpu.memory_space<hbm>> -> memref<1x16128xf32, #tpu.memory_space<hbm>>
        %dma_start3A_125 = tpu.memref_squeeze %dma_start3A_124 : memref<1x16128xf32, #tpu.memory_space<hbm>> -> memref<16128xf32, #tpu.memory_space<hbm>>
        %dma_start3A_126 = arith.constant 32256 : i32
        %dma_start3A_127 = tpu.memref_slice %arg7[%dma_start3A_126] : memref<80640xf32, #tpu.memory_space<vmem>> -> memref<16128xf32, #tpu.memory_space<vmem>>
        %dma_start3A_128 = arith.constant 32256 : i32
        %dma_start3A_129 = tpu.memref_slice %arg3[%add3A_18, %dma_start3A_128] : memref<64x1000000xf32, #tpu.memory_space<hbm>> -> memref<1x16128xf32, #tpu.memory_space<hbm>>
        %dma_start3A_130 = tpu.memref_squeeze %dma_start3A_129 : memref<1x16128xf32, #tpu.memory_space<hbm>> -> memref<16128xf32, #tpu.memory_space<hbm>>
        tpu.enqueue_dma source(%dma_start3A_130 : memref<16128xf32, #tpu.memory_space<hbm>>) target(%dma_start3A_127 : memref<16128xf32, #tpu.memory_space<vmem>>) target_semaphore(%arg14 : memref<!tpu.dma_semaphore, #tpu.memory_space<semaphore_mem>>)
      } else {
      }
      %convert_element_type3A_48 = arith.extui %lt3A_20 : i1 to i32
      %cond3A_49 = arith.constant 0 : i32
      %cond3A_50 = arith.cmpi ne, %convert_element_type3A_48, %cond3A_49 : i32
      scf.if %cond3A_50 {
        %dma_start3A = arith.constant 48384 : i32
        %dma_start3A_122 = tpu.memref_slice %arg7[%dma_start3A] : memref<80640xf32, #tpu.memory_space<vmem>> -> memref<16128xf32, #tpu.memory_space<vmem>>
        %dma_start3A_123 = arith.constant 48384 : i32
        %dma_start3A_124 = tpu.memref_slice %arg2[%add3A_18, %dma_start3A_123] : memref<64x1000000xf32, #tpu.memory_space<hbm>> -> memref<1x16128xf32, #tpu.memory_space<hbm>>
        %dma_start3A_125 = tpu.memref_squeeze %dma_start3A_124 : memref<1x16128xf32, #tpu.memory_space<hbm>> -> memref<16128xf32, #tpu.memory_space<hbm>>
        %dma_start3A_126 = arith.constant 48384 : i32
        %dma_start3A_127 = tpu.memref_slice %arg7[%dma_start3A_126] : memref<80640xf32, #tpu.memory_space<vmem>> -> memref<16128xf32, #tpu.memory_space<vmem>>
        %dma_start3A_128 = arith.constant 48384 : i32
        %dma_start3A_129 = tpu.memref_slice %arg2[%add3A_18, %dma_start3A_128] : memref<64x1000000xf32, #tpu.memory_space<hbm>> -> memref<1x16128xf32, #tpu.memory_space<hbm>>
        %dma_start3A_130 = tpu.memref_squeeze %dma_start3A_129 : memref<1x16128xf32, #tpu.memory_space<hbm>> -> memref<16128xf32, #tpu.memory_space<hbm>>
        tpu.enqueue_dma source(%dma_start3A_130 : memref<16128xf32, #tpu.memory_space<hbm>>) target(%dma_start3A_127 : memref<16128xf32, #tpu.memory_space<vmem>>) target_semaphore(%arg15 : memref<!tpu.dma_semaphore, #tpu.memory_space<semaphore_mem>>)
      } else {
      }
      %not3A_51 = arith.constant true
      %not3A_52 = arith.xori %lt3A_20, %not3A_51 : i1
      %convert_element_type3A_53 = arith.extui %not3A_52 : i1 to i32
      %cond3A_54 = arith.constant 0 : i32
      %cond3A_55 = arith.cmpi ne, %convert_element_type3A_53, %cond3A_54 : i32
      scf.if %cond3A_55 {
        %dma_start3A = arith.constant 48384 : i32
        %dma_start3A_122 = tpu.memref_slice %arg7[%dma_start3A] : memref<80640xf32, #tpu.memory_space<vmem>> -> memref<16128xf32, #tpu.memory_space<vmem>>
        %dma_start3A_123 = arith.constant 48384 : i32
        %dma_start3A_124 = tpu.memref_slice %arg3[%add3A_18, %dma_start3A_123] : memref<64x1000000xf32, #tpu.memory_space<hbm>> -> memref<1x16128xf32, #tpu.memory_space<hbm>>
        %dma_start3A_125 = tpu.memref_squeeze %dma_start3A_124 : memref<1x16128xf32, #tpu.memory_space<hbm>> -> memref<16128xf32, #tpu.memory_space<hbm>>
        %dma_start3A_126 = arith.constant 48384 : i32
        %dma_start3A_127 = tpu.memref_slice %arg7[%dma_start3A_126] : memref<80640xf32, #tpu.memory_space<vmem>> -> memref<16128xf32, #tpu.memory_space<vmem>>
        %dma_start3A_128 = arith.constant 48384 : i32
        %dma_start3A_129 = tpu.memref_slice %arg3[%add3A_18, %dma_start3A_128] : memref<64x1000000xf32, #tpu.memory_space<hbm>> -> memref<1x16128xf32, #tpu.memory_space<hbm>>
        %dma_start3A_130 = tpu.memref_squeeze %dma_start3A_129 : memref<1x16128xf32, #tpu.memory_space<hbm>> -> memref<16128xf32, #tpu.memory_space<hbm>>
        tpu.enqueue_dma source(%dma_start3A_130 : memref<16128xf32, #tpu.memory_space<hbm>>) target(%dma_start3A_127 : memref<16128xf32, #tpu.memory_space<vmem>>) target_semaphore(%arg15 : memref<!tpu.dma_semaphore, #tpu.memory_space<semaphore_mem>>)
      } else {
      }
      %convert_element_type3A_56 = arith.extui %lt3A_20 : i1 to i32
      %cond3A_57 = arith.constant 0 : i32
      %cond3A_58 = arith.cmpi ne, %convert_element_type3A_56, %cond3A_57 : i32
      scf.if %cond3A_58 {
        %dma_start3A = arith.constant 64512 : i32
        %dma_start3A_122 = tpu.memref_slice %arg7[%dma_start3A] : memref<80640xf32, #tpu.memory_space<vmem>> -> memref<16128xf32, #tpu.memory_space<vmem>>
        %dma_start3A_123 = arith.constant 64512 : i32
        %dma_start3A_124 = tpu.memref_slice %arg2[%add3A_18, %dma_start3A_123] : memref<64x1000000xf32, #tpu.memory_space<hbm>> -> memref<1x16128xf32, #tpu.memory_space<hbm>>
        %dma_start3A_125 = tpu.memref_squeeze %dma_start3A_124 : memref<1x16128xf32, #tpu.memory_space<hbm>> -> memref<16128xf32, #tpu.memory_space<hbm>>
        %dma_start3A_126 = arith.constant 64512 : i32
        %dma_start3A_127 = tpu.memref_slice %arg7[%dma_start3A_126] : memref<80640xf32, #tpu.memory_space<vmem>> -> memref<16128xf32, #tpu.memory_space<vmem>>
        %dma_start3A_128 = arith.constant 64512 : i32
        %dma_start3A_129 = tpu.memref_slice %arg2[%add3A_18, %dma_start3A_128] : memref<64x1000000xf32, #tpu.memory_space<hbm>> -> memref<1x16128xf32, #tpu.memory_space<hbm>>
        %dma_start3A_130 = tpu.memref_squeeze %dma_start3A_129 : memref<1x16128xf32, #tpu.memory_space<hbm>> -> memref<16128xf32, #tpu.memory_space<hbm>>
        tpu.enqueue_dma source(%dma_start3A_130 : memref<16128xf32, #tpu.memory_space<hbm>>) target(%dma_start3A_127 : memref<16128xf32, #tpu.memory_space<vmem>>) target_semaphore(%arg16 : memref<!tpu.dma_semaphore, #tpu.memory_space<semaphore_mem>>)
      } else {
      }
      %not3A_59 = arith.constant true
      %not3A_60 = arith.xori %lt3A_20, %not3A_59 : i1
      %convert_element_type3A_61 = arith.extui %not3A_60 : i1 to i32
      %cond3A_62 = arith.constant 0 : i32
      %cond3A_63 = arith.cmpi ne, %convert_element_type3A_61, %cond3A_62 : i32
      scf.if %cond3A_63 {
        %dma_start3A = arith.constant 64512 : i32
        %dma_start3A_122 = tpu.memref_slice %arg7[%dma_start3A] : memref<80640xf32, #tpu.memory_space<vmem>> -> memref<16128xf32, #tpu.memory_space<vmem>>
        %dma_start3A_123 = arith.constant 64512 : i32
        %dma_start3A_124 = tpu.memref_slice %arg3[%add3A_18, %dma_start3A_123] : memref<64x1000000xf32, #tpu.memory_space<hbm>> -> memref<1x16128xf32, #tpu.memory_space<hbm>>
        %dma_start3A_125 = tpu.memref_squeeze %dma_start3A_124 : memref<1x16128xf32, #tpu.memory_space<hbm>> -> memref<16128xf32, #tpu.memory_space<hbm>>
        %dma_start3A_126 = arith.constant 64512 : i32
        %dma_start3A_127 = tpu.memref_slice %arg7[%dma_start3A_126] : memref<80640xf32, #tpu.memory_space<vmem>> -> memref<16128xf32, #tpu.memory_space<vmem>>
        %dma_start3A_128 = arith.constant 64512 : i32
        %dma_start3A_129 = tpu.memref_slice %arg3[%add3A_18, %dma_start3A_128] : memref<64x1000000xf32, #tpu.memory_space<hbm>> -> memref<1x16128xf32, #tpu.memory_space<hbm>>
        %dma_start3A_130 = tpu.memref_squeeze %dma_start3A_129 : memref<1x16128xf32, #tpu.memory_space<hbm>> -> memref<16128xf32, #tpu.memory_space<hbm>>
        tpu.enqueue_dma source(%dma_start3A_130 : memref<16128xf32, #tpu.memory_space<hbm>>) target(%dma_start3A_127 : memref<16128xf32, #tpu.memory_space<vmem>>) target_semaphore(%arg16 : memref<!tpu.dma_semaphore, #tpu.memory_space<semaphore_mem>>)
      } else {
      }
      %scan3A_64 = arith.constant 0 : i32
      %scan3A_65 = arith.constant 0 : i32
      %scan3A_66 = arith.constant 62 : i32
      %scan3A_67 = arith.addi %scan3A_65, %scan3A_66 : i32
      %scan3A_68 = arith.constant 1 : i32
      scf.for %scan3A_122 = %scan3A_65 to %scan3A_67 step %scan3A_68  : i32 {
        %jit3A_123 = arith.constant 5 : i32
        %eq3A_124 = arith.constant 0 : i32
        %eq3A_125 = arith.cmpi eq, %jit3A_123, %eq3A_124 : i32
        %jit3A_126 = arith.constant 1 : i32
        %select_n3A_127 = arith.select %eq3A_125, %jit3A_126, %jit3A_123 : i32
        %rem3A_128 = arith.remsi %scan3A_122, %select_n3A_127 : i32
        %ne3A_129 = arith.constant 0 : i32
        %ne3A_130 = arith.cmpi ne, %rem3A_128, %ne3A_129 : i32
        %lt3A_131 = arith.constant 0 : i32
        %lt3A_132 = arith.cmpi slt, %rem3A_128, %lt3A_131 : i32
        %lt3A_133 = arith.constant 0 : i32
        %lt3A_134 = arith.cmpi slt, %select_n3A_127, %lt3A_133 : i32
        %ne3A_135 = arith.xori %lt3A_132, %lt3A_134 : i1
        %and3A_136 = arith.andi %ne3A_135, %ne3A_130 : i1
        %add3A_137 = arith.addi %rem3A_128, %select_n3A_127 : i32
        %select_n3A_138 = arith.select %and3A_136, %add3A_137, %rem3A_128 : i32
        %eq3A_139 = arith.constant 0 : i32
        %eq3A_140 = arith.cmpi eq, %select_n3A_138, %eq3A_139 : i32
        %convert_element_type3A_141 = arith.extui %eq3A_140 : i1 to i32
        %cond3A_142 = arith.constant 0 : i32
        %cond3A_143 = arith.cmpi ne, %convert_element_type3A_141, %cond3A_142 : i32
        scf.if %cond3A_143 {
          %dma_wait3A_189 = arith.constant 0 : i32
          %dma_wait3A_190 = arith.constant 0 : i32
          %dma_wait3A_191 = tpu.memref_slice %arg7[%dma_wait3A_190] : memref<80640xf32, #tpu.memory_space<vmem>> -> memref<16128xf32, #tpu.memory_space<vmem>>
          %dma_wait3A_192 = arith.constant 0 : i32
          %dma_wait3A_193 = tpu.memref_slice %arg2[%dma_wait3A_189, %dma_wait3A_192] : memref<64x1000000xf32, #tpu.memory_space<hbm>> -> memref<1x16128xf32, #tpu.memory_space<hbm>>
          %dma_wait3A_194 = tpu.memref_squeeze %dma_wait3A_193 : memref<1x16128xf32, #tpu.memory_space<hbm>> -> memref<16128xf32, #tpu.memory_space<hbm>>
          %dma_wait3A_195 = arith.constant 0 : i32
          %dma_wait3A_196 = tpu.memref_slice %arg7[%dma_wait3A_195] : memref<80640xf32, #tpu.memory_space<vmem>> -> memref<16128xf32, #tpu.memory_space<vmem>>
          %dma_wait3A_197 = arith.constant 0 : i32
          %dma_wait3A_198 = tpu.memref_slice %arg2[%dma_wait3A_189, %dma_wait3A_197] : memref<64x1000000xf32, #tpu.memory_space<hbm>> -> memref<1x16128xf32, #tpu.memory_space<hbm>>
          %dma_wait3A_199 = tpu.memref_squeeze %dma_wait3A_198 : memref<1x16128xf32, #tpu.memory_space<hbm>> -> memref<16128xf32, #tpu.memory_space<hbm>>
          tpu.wait_dma2 semaphore(%arg12 : memref<!tpu.dma_semaphore, #tpu.memory_space<semaphore_mem>>) src(%dma_wait3A_199 : memref<16128xf32, #tpu.memory_space<hbm>>) dst(%dma_wait3A_196 : memref<16128xf32, #tpu.memory_space<vmem>>)
        } else {
        }
        %eq3A_144 = arith.constant 1 : i32
        %eq3A_145 = arith.cmpi eq, %select_n3A_138, %eq3A_144 : i32
        %convert_element_type3A_146 = arith.extui %eq3A_145 : i1 to i32
        %cond3A_147 = arith.constant 0 : i32
        %cond3A_148 = arith.cmpi ne, %convert_element_type3A_146, %cond3A_147 : i32
        scf.if %cond3A_148 {
          %dma_wait3A_189 = arith.constant 0 : i32
          %dma_wait3A_190 = arith.constant 16128 : i32
          %dma_wait3A_191 = tpu.memref_slice %arg7[%dma_wait3A_190] : memref<80640xf32, #tpu.memory_space<vmem>> -> memref<16128xf32, #tpu.memory_space<vmem>>
          %dma_wait3A_192 = arith.constant 0 : i32
          %dma_wait3A_193 = tpu.memref_slice %arg2[%dma_wait3A_189, %dma_wait3A_192] : memref<64x1000000xf32, #tpu.memory_space<hbm>> -> memref<1x16128xf32, #tpu.memory_space<hbm>>
          %dma_wait3A_194 = tpu.memref_squeeze %dma_wait3A_193 : memref<1x16128xf32, #tpu.memory_space<hbm>> -> memref<16128xf32, #tpu.memory_space<hbm>>
          %dma_wait3A_195 = arith.constant 16128 : i32
          %dma_wait3A_196 = tpu.memref_slice %arg7[%dma_wait3A_195] : memref<80640xf32, #tpu.memory_space<vmem>> -> memref<16128xf32, #tpu.memory_space<vmem>>
          %dma_wait3A_197 = arith.constant 0 : i32
          %dma_wait3A_198 = tpu.memref_slice %arg2[%dma_wait3A_189, %dma_wait3A_197] : memref<64x1000000xf32, #tpu.memory_space<hbm>> -> memref<1x16128xf32, #tpu.memory_space<hbm>>
          %dma_wait3A_199 = tpu.memref_squeeze %dma_wait3A_198 : memref<1x16128xf32, #tpu.memory_space<hbm>> -> memref<16128xf32, #tpu.memory_space<hbm>>
          tpu.wait_dma2 semaphore(%arg13 : memref<!tpu.dma_semaphore, #tpu.memory_space<semaphore_mem>>) src(%dma_wait3A_199 : memref<16128xf32, #tpu.memory_space<hbm>>) dst(%dma_wait3A_196 : memref<16128xf32, #tpu.memory_space<vmem>>)
        } else {
        }
        %eq3A_149 = arith.constant 2 : i32
        %eq3A_150 = arith.cmpi eq, %select_n3A_138, %eq3A_149 : i32
        %convert_element_type3A_151 = arith.extui %eq3A_150 : i1 to i32
        %cond3A_152 = arith.constant 0 : i32
        %cond3A_153 = arith.cmpi ne, %convert_element_type3A_151, %cond3A_152 : i32
        scf.if %cond3A_153 {
          %dma_wait3A_189 = arith.constant 0 : i32
          %dma_wait3A_190 = arith.constant 32256 : i32
          %dma_wait3A_191 = tpu.memref_slice %arg7[%dma_wait3A_190] : memref<80640xf32, #tpu.memory_space<vmem>> -> memref<16128xf32, #tpu.memory_space<vmem>>
          %dma_wait3A_192 = arith.constant 0 : i32
          %dma_wait3A_193 = tpu.memref_slice %arg2[%dma_wait3A_189, %dma_wait3A_192] : memref<64x1000000xf32, #tpu.memory_space<hbm>> -> memref<1x16128xf32, #tpu.memory_space<hbm>>
          %dma_wait3A_194 = tpu.memref_squeeze %dma_wait3A_193 : memref<1x16128xf32, #tpu.memory_space<hbm>> -> memref<16128xf32, #tpu.memory_space<hbm>>
          %dma_wait3A_195 = arith.constant 32256 : i32
          %dma_wait3A_196 = tpu.memref_slice %arg7[%dma_wait3A_195] : memref<80640xf32, #tpu.memory_space<vmem>> -> memref<16128xf32, #tpu.memory_space<vmem>>
          %dma_wait3A_197 = arith.constant 0 : i32
          %dma_wait3A_198 = tpu.memref_slice %arg2[%dma_wait3A_189, %dma_wait3A_197] : memref<64x1000000xf32, #tpu.memory_space<hbm>> -> memref<1x16128xf32, #tpu.memory_space<hbm>>
          %dma_wait3A_199 = tpu.memref_squeeze %dma_wait3A_198 : memref<1x16128xf32, #tpu.memory_space<hbm>> -> memref<16128xf32, #tpu.memory_space<hbm>>
          tpu.wait_dma2 semaphore(%arg14 : memref<!tpu.dma_semaphore, #tpu.memory_space<semaphore_mem>>) src(%dma_wait3A_199 : memref<16128xf32, #tpu.memory_space<hbm>>) dst(%dma_wait3A_196 : memref<16128xf32, #tpu.memory_space<vmem>>)
        } else {
        }
        %eq3A_154 = arith.constant 3 : i32
        %eq3A_155 = arith.cmpi eq, %select_n3A_138, %eq3A_154 : i32
        %convert_element_type3A_156 = arith.extui %eq3A_155 : i1 to i32
        %cond3A_157 = arith.constant 0 : i32
        %cond3A_158 = arith.cmpi ne, %convert_element_type3A_156, %cond3A_157 : i32
        scf.if %cond3A_158 {
          %dma_wait3A_189 = arith.constant 0 : i32
          %dma_wait3A_190 = arith.constant 48384 : i32
          %dma_wait3A_191 = tpu.memref_slice %arg7[%dma_wait3A_190] : memref<80640xf32, #tpu.memory_space<vmem>> -> memref<16128xf32, #tpu.memory_space<vmem>>
          %dma_wait3A_192 = arith.constant 0 : i32
          %dma_wait3A_193 = tpu.memref_slice %arg2[%dma_wait3A_189, %dma_wait3A_192] : memref<64x1000000xf32, #tpu.memory_space<hbm>> -> memref<1x16128xf32, #tpu.memory_space<hbm>>
          %dma_wait3A_194 = tpu.memref_squeeze %dma_wait3A_193 : memref<1x16128xf32, #tpu.memory_space<hbm>> -> memref<16128xf32, #tpu.memory_space<hbm>>
          %dma_wait3A_195 = arith.constant 48384 : i32
          %dma_wait3A_196 = tpu.memref_slice %arg7[%dma_wait3A_195] : memref<80640xf32, #tpu.memory_space<vmem>> -> memref<16128xf32, #tpu.memory_space<vmem>>
          %dma_wait3A_197 = arith.constant 0 : i32
          %dma_wait3A_198 = tpu.memref_slice %arg2[%dma_wait3A_189, %dma_wait3A_197] : memref<64x1000000xf32, #tpu.memory_space<hbm>> -> memref<1x16128xf32, #tpu.memory_space<hbm>>
          %dma_wait3A_199 = tpu.memref_squeeze %dma_wait3A_198 : memref<1x16128xf32, #tpu.memory_space<hbm>> -> memref<16128xf32, #tpu.memory_space<hbm>>
          tpu.wait_dma2 semaphore(%arg15 : memref<!tpu.dma_semaphore, #tpu.memory_space<semaphore_mem>>) src(%dma_wait3A_199 : memref<16128xf32, #tpu.memory_space<hbm>>) dst(%dma_wait3A_196 : memref<16128xf32, #tpu.memory_space<vmem>>)
        } else {
        }
        %eq3A_159 = arith.constant 4 : i32
        %eq3A_160 = arith.cmpi eq, %select_n3A_138, %eq3A_159 : i32
        %convert_element_type3A_161 = arith.extui %eq3A_160 : i1 to i32
        %cond3A_162 = arith.constant 0 : i32
        %cond3A_163 = arith.cmpi ne, %convert_element_type3A_161, %cond3A_162 : i32
        scf.if %cond3A_163 {
          %dma_wait3A_189 = arith.constant 0 : i32
          %dma_wait3A_190 = arith.constant 64512 : i32
          %dma_wait3A_191 = tpu.memref_slice %arg7[%dma_wait3A_190] : memref<80640xf32, #tpu.memory_space<vmem>> -> memref<16128xf32, #tpu.memory_space<vmem>>
          %dma_wait3A_192 = arith.constant 0 : i32
          %dma_wait3A_193 = tpu.memref_slice %arg2[%dma_wait3A_189, %dma_wait3A_192] : memref<64x1000000xf32, #tpu.memory_space<hbm>> -> memref<1x16128xf32, #tpu.memory_space<hbm>>
          %dma_wait3A_194 = tpu.memref_squeeze %dma_wait3A_193 : memref<1x16128xf32, #tpu.memory_space<hbm>> -> memref<16128xf32, #tpu.memory_space<hbm>>
          %dma_wait3A_195 = arith.constant 64512 : i32
          %dma_wait3A_196 = tpu.memref_slice %arg7[%dma_wait3A_195] : memref<80640xf32, #tpu.memory_space<vmem>> -> memref<16128xf32, #tpu.memory_space<vmem>>
          %dma_wait3A_197 = arith.constant 0 : i32
          %dma_wait3A_198 = tpu.memref_slice %arg2[%dma_wait3A_189, %dma_wait3A_197] : memref<64x1000000xf32, #tpu.memory_space<hbm>> -> memref<1x16128xf32, #tpu.memory_space<hbm>>
          %dma_wait3A_199 = tpu.memref_squeeze %dma_wait3A_198 : memref<1x16128xf32, #tpu.memory_space<hbm>> -> memref<16128xf32, #tpu.memory_space<hbm>>
          tpu.wait_dma2 semaphore(%arg16 : memref<!tpu.dma_semaphore, #tpu.memory_space<semaphore_mem>>) src(%dma_wait3A_199 : memref<16128xf32, #tpu.memory_space<hbm>>) dst(%dma_wait3A_196 : memref<16128xf32, #tpu.memory_space<vmem>>)
        } else {
        }
        %mul3A_164 = arith.constant 16128 : i32
        %mul3A_165 = arith.muli %select_n3A_138, %mul3A_164 : i32
        %broadcast_in_dim3A_166 = arith.constant 0xFF800000 : f32
        %broadcast_in_dim3A_167 = vector.broadcast %broadcast_in_dim3A_166 : f32 to vector<16xf32>
        %parallel_loop3A = arith.constant 0 : i32
        %parallel_loop3A_168 = arith.constant 7 : i32
        %parallel_loop3A_169 = arith.constant 1 : i32
        %parallel_loop3A_170 = scf.for %parallel_loop3A_189 = %parallel_loop3A to %parallel_loop3A_168 step %parallel_loop3A_169 iter_args(%parallel_loop3A_190 = %broadcast_in_dim3A_167) -> (vector<16xf32>)  : i32 {
          %parallel_loop3A_191 = arith.constant 6 : i32
          %parallel_loop3A_192 = arith.muli %parallel_loop3A_189, %parallel_loop3A_191 : i32
          %parallel_loop3A_193 = arith.constant 0 : i32
          %parallel_loop3A_194 = arith.addi %parallel_loop3A_192, %parallel_loop3A_193 : i32
          %parallel_loop3A_195 = arith.constant 384 : i32
          %parallel_loop3A_196 = arith.muli %parallel_loop3A_194, %parallel_loop3A_195 : i32
          %parallel_loop3A_197 = arith.addi %mul3A_165, %parallel_loop3A_196 : i32
          %parallel_loop3A_198 = arith.constant 0 : i32
          %parallel_loop3A_199 = arith.addi %parallel_loop3A_197, %parallel_loop3A_198 : i32
          %parallel_loop3A_200 = arith.index_cast %parallel_loop3A_199 : i32 to index
          %parallel_loop3A_201 = tpu.vector_load %arg7[%parallel_loop3A_200] {strides = array<i32>} : memref<80640xf32, #tpu.memory_space<vmem>>, vector<16xf32>,
          %parallel_loop3A_202 = arith.constant 16 : i32
          %parallel_loop3A_203 = arith.addi %parallel_loop3A_197, %parallel_loop3A_202 : i32
          %parallel_loop3A_204 = arith.index_cast %parallel_loop3A_203 : i32 to index
          %parallel_loop3A_205 = tpu.vector_load %arg7[%parallel_loop3A_204] {strides = array<i32>} : memref<80640xf32, #tpu.memory_space<vmem>>, vector<16xf32>,
          %parallel_loop3A_206 = arith.constant 32 : i32
          %parallel_loop3A_207 = arith.addi %parallel_loop3A_197, %parallel_loop3A_206 : i32
          %parallel_loop3A_208 = arith.index_cast %parallel_loop3A_207 : i32 to index
          %parallel_loop3A_209 = tpu.vector_load %arg7[%parallel_loop3A_208] {strides = array<i32>} : memref<80640xf32, #tpu.memory_space<vmem>>, vector<16xf32>,
          %parallel_loop3A_210 = arith.constant 48 : i32
          %parallel_loop3A_211 = arith.addi %parallel_loop3A_197, %parallel_loop3A_210 : i32
          %parallel_loop3A_212 = arith.index_cast %parallel_loop3A_211 : i32 to index
          %parallel_loop3A_213 = tpu.vector_load %arg7[%parallel_loop3A_212] {strides = array<i32>} : memref<80640xf32, #tpu.memory_space<vmem>>, vector<16xf32>,
          %parallel_loop3A_214 = arith.constant 64 : i32
          %parallel_loop3A_215 = arith.addi %parallel_loop3A_197, %parallel_loop3A_214 : i32
          %parallel_loop3A_216 = arith.index_cast %parallel_loop3A_215 : i32 to index
          %parallel_loop3A_217 = tpu.vector_load %arg7[%parallel_loop3A_216] {strides = array<i32>} : memref<80640xf32, #tpu.memory_space<vmem>>, vector<16xf32>,
          %parallel_loop3A_218 = arith.maximumf %parallel_loop3A_201, %parallel_loop3A_217 : vector<16xf32>
          %parallel_loop3A_219 = arith.constant 80 : i32
          %parallel_loop3A_220 = arith.addi %parallel_loop3A_197, %parallel_loop3A_219 : i32
          %parallel_loop3A_221 = arith.index_cast %parallel_loop3A_220 : i32 to index
          %parallel_loop3A_222 = tpu.vector_load %arg7[%parallel_loop3A_221] {strides = array<i32>} : memref<80640xf32, #tpu.memory_space<vmem>>, vector<16xf32>,
          %parallel_loop3A_223 = arith.maximumf %parallel_loop3A_205, %parallel_loop3A_222 : vector<16xf32>
          %parallel_loop3A_224 = arith.constant 96 : i32
          %parallel_loop3A_225 = arith.addi %parallel_loop3A_197, %parallel_loop3A_224 : i32
          %parallel_loop3A_226 = arith.index_cast %parallel_loop3A_225 : i32 to index
          %parallel_loop3A_227 = tpu.vector_load %arg7[%parallel_loop3A_226] {strides = array<i32>} : memref<80640xf32, #tpu.memory_space<vmem>>, vector<16xf32>,
          %parallel_loop3A_228 = arith.maximumf %parallel_loop3A_209, %parallel_loop3A_227 : vector<16xf32>
          %parallel_loop3A_229 = arith.constant 112 : i32
          %parallel_loop3A_230 = arith.addi %parallel_loop3A_197, %parallel_loop3A_229 : i32
          %parallel_loop3A_231 = arith.index_cast %parallel_loop3A_230 : i32 to index
          %parallel_loop3A_232 = tpu.vector_load %arg7[%parallel_loop3A_231] {strides = array<i32>} : memref<80640xf32, #tpu.memory_space<vmem>>, vector<16xf32>,
          %parallel_loop3A_233 = arith.maximumf %parallel_loop3A_213, %parallel_loop3A_232 : vector<16xf32>
          %parallel_loop3A_234 = arith.constant 128 : i32
          %parallel_loop3A_235 = arith.addi %parallel_loop3A_197, %parallel_loop3A_234 : i32
          %parallel_loop3A_236 = arith.index_cast %parallel_loop3A_235 : i32 to index
          %parallel_loop3A_237 = tpu.vector_load %arg7[%parallel_loop3A_236] {strides = array<i32>} : memref<80640xf32, #tpu.memory_space<vmem>>, vector<16xf32>,
          %parallel_loop3A_238 = arith.maximumf %parallel_loop3A_218, %parallel_loop3A_237 : vector<16xf32>
          %parallel_loop3A_239 = arith.constant 144 : i32
          %parallel_loop3A_240 = arith.addi %parallel_loop3A_197, %parallel_loop3A_239 : i32
          %parallel_loop3A_241 = arith.index_cast %parallel_loop3A_240 : i32 to index
          %parallel_loop3A_242 = tpu.vector_load %arg7[%parallel_loop3A_241] {strides = array<i32>} : memref<80640xf32, #tpu.memory_space<vmem>>, vector<16xf32>,
          %parallel_loop3A_243 = arith.maximumf %parallel_loop3A_223, %parallel_loop3A_242 : vector<16xf32>
          %parallel_loop3A_244 = arith.constant 160 : i32
          %parallel_loop3A_245 = arith.addi %parallel_loop3A_197, %parallel_loop3A_244 : i32
          %parallel_loop3A_246 = arith.index_cast %parallel_loop3A_245 : i32 to index
          %parallel_loop3A_247 = tpu.vector_load %arg7[%parallel_loop3A_246] {strides = array<i32>} : memref<80640xf32, #tpu.memory_space<vmem>>, vector<16xf32>,
          %parallel_loop3A_248 = arith.maximumf %parallel_loop3A_228, %parallel_loop3A_247 : vector<16xf32>
          %parallel_loop3A_249 = arith.constant 176 : i32
          %parallel_loop3A_250 = arith.addi %parallel_loop3A_197, %parallel_loop3A_249 : i32
          %parallel_loop3A_251 = arith.index_cast %parallel_loop3A_250 : i32 to index
          %parallel_loop3A_252 = tpu.vector_load %arg7[%parallel_loop3A_251] {strides = array<i32>} : memref<80640xf32, #tpu.memory_space<vmem>>, vector<16xf32>,
          %parallel_loop3A_253 = arith.maximumf %parallel_loop3A_233, %parallel_loop3A_252 : vector<16xf32>
          %parallel_loop3A_254 = arith.constant 192 : i32
          %parallel_loop3A_255 = arith.addi %parallel_loop3A_197, %parallel_loop3A_254 : i32
          %parallel_loop3A_256 = arith.index_cast %parallel_loop3A_255 : i32 to index
          %parallel_loop3A_257 = tpu.vector_load %arg7[%parallel_loop3A_256] {strides = array<i32>} : memref<80640xf32, #tpu.memory_space<vmem>>, vector<16xf32>,
          %parallel_loop3A_258 = arith.maximumf %parallel_loop3A_238, %parallel_loop3A_257 : vector<16xf32>
          %parallel_loop3A_259 = arith.constant 208 : i32
          %parallel_loop3A_260 = arith.addi %parallel_loop3A_197, %parallel_loop3A_259 : i32
          %parallel_loop3A_261 = arith.index_cast %parallel_loop3A_260 : i32 to index
          %parallel_loop3A_262 = tpu.vector_load %arg7[%parallel_loop3A_261] {strides = array<i32>} : memref<80640xf32, #tpu.memory_space<vmem>>, vector<16xf32>,
          %parallel_loop3A_263 = arith.maximumf %parallel_loop3A_243, %parallel_loop3A_262 : vector<16xf32>
          %parallel_loop3A_264 = arith.constant 224 : i32
          %parallel_loop3A_265 = arith.addi %parallel_loop3A_197, %parallel_loop3A_264 : i32
          %parallel_loop3A_266 = arith.index_cast %parallel_loop3A_265 : i32 to index
          %parallel_loop3A_267 = tpu.vector_load %arg7[%parallel_loop3A_266] {strides = array<i32>} : memref<80640xf32, #tpu.memory_space<vmem>>, vector<16xf32>,
          %parallel_loop3A_268 = arith.maximumf %parallel_loop3A_248, %parallel_loop3A_267 : vector<16xf32>
          %parallel_loop3A_269 = arith.constant 240 : i32
          %parallel_loop3A_270 = arith.addi %parallel_loop3A_197, %parallel_loop3A_269 : i32
          %parallel_loop3A_271 = arith.index_cast %parallel_loop3A_270 : i32 to index
          %parallel_loop3A_272 = tpu.vector_load %arg7[%parallel_loop3A_271] {strides = array<i32>} : memref<80640xf32, #tpu.memory_space<vmem>>, vector<16xf32>,
          %parallel_loop3A_273 = arith.maximumf %parallel_loop3A_253, %parallel_loop3A_272 : vector<16xf32>
          %parallel_loop3A_274 = arith.constant 256 : i32
          %parallel_loop3A_275 = arith.addi %parallel_loop3A_197, %parallel_loop3A_274 : i32
          %parallel_loop3A_276 = arith.index_cast %parallel_loop3A_275 : i32 to index
          %parallel_loop3A_277 = tpu.vector_load %arg7[%parallel_loop3A_276] {strides = array<i32>} : memref<80640xf32, #tpu.memory_space<vmem>>, vector<16xf32>,
          %parallel_loop3A_278 = arith.maximumf %parallel_loop3A_258, %parallel_loop3A_277 : vector<16xf32>
          %parallel_loop3A_279 = arith.constant 272 : i32
          %parallel_loop3A_280 = arith.addi %parallel_loop3A_197, %parallel_loop3A_279 : i32
          %parallel_loop3A_281 = arith.index_cast %parallel_loop3A_280 : i32 to index
          %parallel_loop3A_282 = tpu.vector_load %arg7[%parallel_loop3A_281] {strides = array<i32>} : memref<80640xf32, #tpu.memory_space<vmem>>, vector<16xf32>,
          %parallel_loop3A_283 = arith.maximumf %parallel_loop3A_263, %parallel_loop3A_282 : vector<16xf32>
          %parallel_loop3A_284 = arith.constant 288 : i32
          %parallel_loop3A_285 = arith.addi %parallel_loop3A_197, %parallel_loop3A_284 : i32
          %parallel_loop3A_286 = arith.index_cast %parallel_loop3A_285 : i32 to index
          %parallel_loop3A_287 = tpu.vector_load %arg7[%parallel_loop3A_286] {strides = array<i32>} : memref<80640xf32, #tpu.memory_space<vmem>>, vector<16xf32>,
          %parallel_loop3A_288 = arith.maximumf %parallel_loop3A_268, %parallel_loop3A_287 : vector<16xf32>
          %parallel_loop3A_289 = arith.constant 304 : i32
          %parallel_loop3A_290 = arith.addi %parallel_loop3A_197, %parallel_loop3A_289 : i32
          %parallel_loop3A_291 = arith.index_cast %parallel_loop3A_290 : i32 to index
          %parallel_loop3A_292 = tpu.vector_load %arg7[%parallel_loop3A_291] {strides = array<i32>} : memref<80640xf32, #tpu.memory_space<vmem>>, vector<16xf32>,
          %parallel_loop3A_293 = arith.maximumf %parallel_loop3A_273, %parallel_loop3A_292 : vector<16xf32>
          %parallel_loop3A_294 = arith.constant 320 : i32
          %parallel_loop3A_295 = arith.addi %parallel_loop3A_197, %parallel_loop3A_294 : i32
          %parallel_loop3A_296 = arith.index_cast %parallel_loop3A_295 : i32 to index
          %parallel_loop3A_297 = tpu.vector_load %arg7[%parallel_loop3A_296] {strides = array<i32>} : memref<80640xf32, #tpu.memory_space<vmem>>, vector<16xf32>,
          %parallel_loop3A_298 = arith.maximumf %parallel_loop3A_278, %parallel_loop3A_297 : vector<16xf32>
          %parallel_loop3A_299 = arith.constant 336 : i32
          %parallel_loop3A_300 = arith.addi %parallel_loop3A_197, %parallel_loop3A_299 : i32
          %parallel_loop3A_301 = arith.index_cast %parallel_loop3A_300 : i32 to index
          %parallel_loop3A_302 = tpu.vector_load %arg7[%parallel_loop3A_301] {strides = array<i32>} : memref<80640xf32, #tpu.memory_space<vmem>>, vector<16xf32>,
          %parallel_loop3A_303 = arith.maximumf %parallel_loop3A_283, %parallel_loop3A_302 : vector<16xf32>
          %parallel_loop3A_304 = arith.constant 352 : i32
          %parallel_loop3A_305 = arith.addi %parallel_loop3A_197, %parallel_loop3A_304 : i32
          %parallel_loop3A_306 = arith.index_cast %parallel_loop3A_305 : i32 to index
          %parallel_loop3A_307 = tpu.vector_load %arg7[%parallel_loop3A_306] {strides = array<i32>} : memref<80640xf32, #tpu.memory_space<vmem>>, vector<16xf32>,
          %parallel_loop3A_308 = arith.maximumf %parallel_loop3A_288, %parallel_loop3A_307 : vector<16xf32>
          %parallel_loop3A_309 = arith.constant 368 : i32
          %parallel_loop3A_310 = arith.addi %parallel_loop3A_197, %parallel_loop3A_309 : i32
          %parallel_loop3A_311 = arith.index_cast %parallel_loop3A_310 : i32 to index
          %parallel_loop3A_312 = tpu.vector_load %arg7[%parallel_loop3A_311] {strides = array<i32>} : memref<80640xf32, #tpu.memory_space<vmem>>, vector<16xf32>,
          %parallel_loop3A_313 = arith.maximumf %parallel_loop3A_293, %parallel_loop3A_312 : vector<16xf32>
          %parallel_loop3A_314 = arith.maximumf %parallel_loop3A_298, %parallel_loop3A_303 : vector<16xf32>
          %parallel_loop3A_315 = arith.maximumf %parallel_loop3A_308, %parallel_loop3A_313 : vector<16xf32>
          %parallel_loop3A_316 = arith.maximumf %parallel_loop3A_314, %parallel_loop3A_315 : vector<16xf32>
          %parallel_loop3A_317 = arith.constant 16 : i32
          %parallel_loop3A_318 = arith.muli %parallel_loop3A_194, %parallel_loop3A_317 : i32
          %parallel_loop3A_319 = arith.index_cast %parallel_loop3A_318 : i32 to index
          %parallel_loop3A_320 = tpu.vector_load %arg10[%parallel_loop3A_319] {strides = array<i32>} : memref<672xf32, #tpu.memory_space<vmem>>, vector<16xf32>,
          tpu.vector_store %arg10[%parallel_loop3A_319], %parallel_loop3A_316 {strides = array<i32>} : memref<672xf32, #tpu.memory_space<vmem>>, vector<16xf32>,
          %parallel_loop3A_321 = arith.constant 6 : i32
          %parallel_loop3A_322 = arith.muli %parallel_loop3A_189, %parallel_loop3A_321 : i32
          %parallel_loop3A_323 = arith.constant 1 : i32
          %parallel_loop3A_324 = arith.addi %parallel_loop3A_322, %parallel_loop3A_323 : i32
          %parallel_loop3A_325 = arith.constant 384 : i32
          %parallel_loop3A_326 = arith.muli %parallel_loop3A_324, %parallel_loop3A_325 : i32
          %parallel_loop3A_327 = arith.addi %mul3A_165, %parallel_loop3A_326 : i32
          %parallel_loop3A_328 = arith.constant 0 : i32
          %parallel_loop3A_329 = arith.addi %parallel_loop3A_327, %parallel_loop3A_328 : i32
          %parallel_loop3A_330 = arith.index_cast %parallel_loop3A_329 : i32 to index
          %parallel_loop3A_331 = tpu.vector_load %arg7[%parallel_loop3A_330] {strides = array<i32>} : memref<80640xf32, #tpu.memory_space<vmem>>, vector<16xf32>,
          %parallel_loop3A_332 = arith.constant 16 : i32
          %parallel_loop3A_333 = arith.addi %parallel_loop3A_327, %parallel_loop3A_332 : i32
          %parallel_loop3A_334 = arith.index_cast %parallel_loop3A_333 : i32 to index
          %parallel_loop3A_335 = tpu.vector_load %arg7[%parallel_loop3A_334] {strides = array<i32>} : memref<80640xf32, #tpu.memory_space<vmem>>, vector<16xf32>,
          %parallel_loop3A_336 = arith.constant 32 : i32
          %parallel_loop3A_337 = arith.addi %parallel_loop3A_327, %parallel_loop3A_336 : i32
          %parallel_loop3A_338 = arith.index_cast %parallel_loop3A_337 : i32 to index
          %parallel_loop3A_339 = tpu.vector_load %arg7[%parallel_loop3A_338] {strides = array<i32>} : memref<80640xf32, #tpu.memory_space<vmem>>, vector<16xf32>,
          %parallel_loop3A_340 = arith.constant 48 : i32
          %parallel_loop3A_341 = arith.addi %parallel_loop3A_327, %parallel_loop3A_340 : i32
          %parallel_loop3A_342 = arith.index_cast %parallel_loop3A_341 : i32 to index
          %parallel_loop3A_343 = tpu.vector_load %arg7[%parallel_loop3A_342] {strides = array<i32>} : memref<80640xf32, #tpu.memory_space<vmem>>, vector<16xf32>,
          %parallel_loop3A_344 = arith.constant 64 : i32
          %parallel_loop3A_345 = arith.addi %parallel_loop3A_327, %parallel_loop3A_344 : i32
          %parallel_loop3A_346 = arith.index_cast %parallel_loop3A_345 : i32 to index
          %parallel_loop3A_347 = tpu.vector_load %arg7[%parallel_loop3A_346] {strides = array<i32>} : memref<80640xf32, #tpu.memory_space<vmem>>, vector<16xf32>,
          %parallel_loop3A_348 = arith.maximumf %parallel_loop3A_331, %parallel_loop3A_347 : vector<16xf32>
          %parallel_loop3A_349 = arith.constant 80 : i32
          %parallel_loop3A_350 = arith.addi %parallel_loop3A_327, %parallel_loop3A_349 : i32
          %parallel_loop3A_351 = arith.index_cast %parallel_loop3A_350 : i32 to index
          %parallel_loop3A_352 = tpu.vector_load %arg7[%parallel_loop3A_351] {strides = array<i32>} : memref<80640xf32, #tpu.memory_space<vmem>>, vector<16xf32>,
          %parallel_loop3A_353 = arith.maximumf %parallel_loop3A_335, %parallel_loop3A_352 : vector<16xf32>
          %parallel_loop3A_354 = arith.constant 96 : i32
          %parallel_loop3A_355 = arith.addi %parallel_loop3A_327, %parallel_loop3A_354 : i32
          %parallel_loop3A_356 = arith.index_cast %parallel_loop3A_355 : i32 to index
          %parallel_loop3A_357 = tpu.vector_load %arg7[%parallel_loop3A_356] {strides = array<i32>} : memref<80640xf32, #tpu.memory_space<vmem>>, vector<16xf32>,
          %parallel_loop3A_358 = arith.maximumf %parallel_loop3A_339, %parallel_loop3A_357 : vector<16xf32>
          %parallel_loop3A_359 = arith.constant 112 : i32
          %parallel_loop3A_360 = arith.addi %parallel_loop3A_327, %parallel_loop3A_359 : i32
          %parallel_loop3A_361 = arith.index_cast %parallel_loop3A_360 : i32 to index
          %parallel_loop3A_362 = tpu.vector_load %arg7[%parallel_loop3A_361] {strides = array<i32>} : memref<80640xf32, #tpu.memory_space<vmem>>, vector<16xf32>,
          %parallel_loop3A_363 = arith.maximumf %parallel_loop3A_343, %parallel_loop3A_362 : vector<16xf32>
          %parallel_loop3A_364 = arith.constant 128 : i32
          %parallel_loop3A_365 = arith.addi %parallel_loop3A_327, %parallel_loop3A_364 : i32
          %parallel_loop3A_366 = arith.index_cast %parallel_loop3A_365 : i32 to index
          %parallel_loop3A_367 = tpu.vector_load %arg7[%parallel_loop3A_366] {strides = array<i32>} : memref<80640xf32, #tpu.memory_space<vmem>>, vector<16xf32>,
          %parallel_loop3A_368 = arith.maximumf %parallel_loop3A_348, %parallel_loop3A_367 : vector<16xf32>
          %parallel_loop3A_369 = arith.constant 144 : i32
          %parallel_loop3A_370 = arith.addi %parallel_loop3A_327, %parallel_loop3A_369 : i32
          %parallel_loop3A_371 = arith.index_cast %parallel_loop3A_370 : i32 to index
          %parallel_loop3A_372 = tpu.vector_load %arg7[%parallel_loop3A_371] {strides = array<i32>} : memref<80640xf32, #tpu.memory_space<vmem>>, vector<16xf32>,
          %parallel_loop3A_373 = arith.maximumf %parallel_loop3A_353, %parallel_loop3A_372 : vector<16xf32>
          %parallel_loop3A_374 = arith.constant 160 : i32
          %parallel_loop3A_375 = arith.addi %parallel_loop3A_327, %parallel_loop3A_374 : i32
          %parallel_loop3A_376 = arith.index_cast %parallel_loop3A_375 : i32 to index
          %parallel_loop3A_377 = tpu.vector_load %arg7[%parallel_loop3A_376] {strides = array<i32>} : memref<80640xf32, #tpu.memory_space<vmem>>, vector<16xf32>,
          %parallel_loop3A_378 = arith.maximumf %parallel_loop3A_358, %parallel_loop3A_377 : vector<16xf32>
          %parallel_loop3A_379 = arith.constant 176 : i32
          %parallel_loop3A_380 = arith.addi %parallel_loop3A_327, %parallel_loop3A_379 : i32
          %parallel_loop3A_381 = arith.index_cast %parallel_loop3A_380 : i32 to index
          %parallel_loop3A_382 = tpu.vector_load %arg7[%parallel_loop3A_381] {strides = array<i32>} : memref<80640xf32, #tpu.memory_space<vmem>>, vector<16xf32>,
          %parallel_loop3A_383 = arith.maximumf %parallel_loop3A_363, %parallel_loop3A_382 : vector<16xf32>
          %parallel_loop3A_384 = arith.constant 192 : i32
          %parallel_loop3A_385 = arith.addi %parallel_loop3A_327, %parallel_loop3A_384 : i32
          %parallel_loop3A_386 = arith.index_cast %parallel_loop3A_385 : i32 to index
          %parallel_loop3A_387 = tpu.vector_load %arg7[%parallel_loop3A_386] {strides = array<i32>} : memref<80640xf32, #tpu.memory_space<vmem>>, vector<16xf32>,
          %parallel_loop3A_388 = arith.maximumf %parallel_loop3A_368, %parallel_loop3A_387 : vector<16xf32>
          %parallel_loop3A_389 = arith.constant 208 : i32
          %parallel_loop3A_390 = arith.addi %parallel_loop3A_327, %parallel_loop3A_389 : i32
          %parallel_loop3A_391 = arith.index_cast %parallel_loop3A_390 : i32 to index
          %parallel_loop3A_392 = tpu.vector_load %arg7[%parallel_loop3A_391] {strides = array<i32>} : memref<80640xf32, #tpu.memory_space<vmem>>, vector<16xf32>,
          %parallel_loop3A_393 = arith.maximumf %parallel_loop3A_373, %parallel_loop3A_392 : vector<16xf32>
          %parallel_loop3A_394 = arith.constant 224 : i32
          %parallel_loop3A_395 = arith.addi %parallel_loop3A_327, %parallel_loop3A_394 : i32
          %parallel_loop3A_396 = arith.index_cast %parallel_loop3A_395 : i32 to index
          %parallel_loop3A_397 = tpu.vector_load %arg7[%parallel_loop3A_396] {strides = array<i32>} : memref<80640xf32, #tpu.memory_space<vmem>>, vector<16xf32>,
          %parallel_loop3A_398 = arith.maximumf %parallel_loop3A_378, %parallel_loop3A_397 : vector<16xf32>
          %parallel_loop3A_399 = arith.constant 240 : i32
          %parallel_loop3A_400 = arith.addi %parallel_loop3A_327, %parallel_loop3A_399 : i32
          %parallel_loop3A_401 = arith.index_cast %parallel_loop3A_400 : i32 to index
          %parallel_loop3A_402 = tpu.vector_load %arg7[%parallel_loop3A_401] {strides = array<i32>} : memref<80640xf32, #tpu.memory_space<vmem>>, vector<16xf32>,
          %parallel_loop3A_403 = arith.maximumf %parallel_loop3A_383, %parallel_loop3A_402 : vector<16xf32>
          %parallel_loop3A_404 = arith.constant 256 : i32
          %parallel_loop3A_405 = arith.addi %parallel_loop3A_327, %parallel_loop3A_404 : i32
          %parallel_loop3A_406 = arith.index_cast %parallel_loop3A_405 : i32 to index
          %parallel_loop3A_407 = tpu.vector_load %arg7[%parallel_loop3A_406] {strides = array<i32>} : memref<80640xf32, #tpu.memory_space<vmem>>, vector<16xf32>,
          %parallel_loop3A_408 = arith.maximumf %parallel_loop3A_388, %parallel_loop3A_407 : vector<16xf32>
          %parallel_loop3A_409 = arith.constant 272 : i32
          %parallel_loop3A_410 = arith.addi %parallel_loop3A_327, %parallel_loop3A_409 : i32
          %parallel_loop3A_411 = arith.index_cast %parallel_loop3A_410 : i32 to index
          %parallel_loop3A_412 = tpu.vector_load %arg7[%parallel_loop3A_411] {strides = array<i32>} : memref<80640xf32, #tpu.memory_space<vmem>>, vector<16xf32>,
          %parallel_loop3A_413 = arith.maximumf %parallel_loop3A_393, %parallel_loop3A_412 : vector<16xf32>
          %parallel_loop3A_414 = arith.constant 288 : i32
          %parallel_loop3A_415 = arith.addi %parallel_loop3A_327, %parallel_loop3A_414 : i32
          %parallel_loop3A_416 = arith.index_cast %parallel_loop3A_415 : i32 to index
          %parallel_loop3A_417 = tpu.vector_load %arg7[%parallel_loop3A_416] {strides = array<i32>} : memref<80640xf32, #tpu.memory_space<vmem>>, vector<16xf32>,
          %parallel_loop3A_418 = arith.maximumf %parallel_loop3A_398, %parallel_loop3A_417 : vector<16xf32>
          %parallel_loop3A_419 = arith.constant 304 : i32
          %parallel_loop3A_420 = arith.addi %parallel_loop3A_327, %parallel_loop3A_419 : i32
          %parallel_loop3A_421 = arith.index_cast %parallel_loop3A_420 : i32 to index
          %parallel_loop3A_422 = tpu.vector_load %arg7[%parallel_loop3A_421] {strides = array<i32>} : memref<80640xf32, #tpu.memory_space<vmem>>, vector<16xf32>,
          %parallel_loop3A_423 = arith.maximumf %parallel_loop3A_403, %parallel_loop3A_422 : vector<16xf32>
          %parallel_loop3A_424 = arith.constant 320 : i32
          %parallel_loop3A_425 = arith.addi %parallel_loop3A_327, %parallel_loop3A_424 : i32
          %parallel_loop3A_426 = arith.index_cast %parallel_loop3A_425 : i32 to index
          %parallel_loop3A_427 = tpu.vector_load %arg7[%parallel_loop3A_426] {strides = array<i32>} : memref<80640xf32, #tpu.memory_space<vmem>>, vector<16xf32>,
          %parallel_loop3A_428 = arith.maximumf %parallel_loop3A_408, %parallel_loop3A_427 : vector<16xf32>
          %parallel_loop3A_429 = arith.constant 336 : i32
          %parallel_loop3A_430 = arith.addi %parallel_loop3A_327, %parallel_loop3A_429 : i32
          %parallel_loop3A_431 = arith.index_cast %parallel_loop3A_430 : i32 to index
          %parallel_loop3A_432 = tpu.vector_load %arg7[%parallel_loop3A_431] {strides = array<i32>} : memref<80640xf32, #tpu.memory_space<vmem>>, vector<16xf32>,
          %parallel_loop3A_433 = arith.maximumf %parallel_loop3A_413, %parallel_loop3A_432 : vector<16xf32>
          %parallel_loop3A_434 = arith.constant 352 : i32
          %parallel_loop3A_435 = arith.addi %parallel_loop3A_327, %parallel_loop3A_434 : i32
          %parallel_loop3A_436 = arith.index_cast %parallel_loop3A_435 : i32 to index
          %parallel_loop3A_437 = tpu.vector_load %arg7[%parallel_loop3A_436] {strides = array<i32>} : memref<80640xf32, #tpu.memory_space<vmem>>, vector<16xf32>,
          %parallel_loop3A_438 = arith.maximumf %parallel_loop3A_418, %parallel_loop3A_437 : vector<16xf32>
          %parallel_loop3A_439 = arith.constant 368 : i32
          %parallel_loop3A_440 = arith.addi %parallel_loop3A_327, %parallel_loop3A_439 : i32
          %parallel_loop3A_441 = arith.index_cast %parallel_loop3A_440 : i32 to index
          %parallel_loop3A_442 = tpu.vector_load %arg7[%parallel_loop3A_441] {strides = array<i32>} : memref<80640xf32, #tpu.memory_space<vmem>>, vector<16xf32>,
          %parallel_loop3A_443 = arith.maximumf %parallel_loop3A_423, %parallel_loop3A_442 : vector<16xf32>
          %parallel_loop3A_444 = arith.maximumf %parallel_loop3A_428, %parallel_loop3A_433 : vector<16xf32>
          %parallel_loop3A_445 = arith.maximumf %parallel_loop3A_438, %parallel_loop3A_443 : vector<16xf32>
          %parallel_loop3A_446 = arith.maximumf %parallel_loop3A_444, %parallel_loop3A_445 : vector<16xf32>
          %parallel_loop3A_447 = arith.constant 16 : i32
          %parallel_loop3A_448 = arith.muli %parallel_loop3A_324, %parallel_loop3A_447 : i32
          %parallel_loop3A_449 = arith.index_cast %parallel_loop3A_448 : i32 to index
          %parallel_loop3A_450 = tpu.vector_load %arg10[%parallel_loop3A_449] {strides = array<i32>} : memref<672xf32, #tpu.memory_space<vmem>>, vector<16xf32>,
          tpu.vector_store %arg10[%parallel_loop3A_449], %parallel_loop3A_446 {strides = array<i32>} : memref<672xf32, #tpu.memory_space<vmem>>, vector<16xf32>,
          %parallel_loop3A_451 = arith.constant 6 : i32
          %parallel_loop3A_452 = arith.muli %parallel_loop3A_189, %parallel_loop3A_451 : i32
          %parallel_loop3A_453 = arith.constant 2 : i32
          %parallel_loop3A_454 = arith.addi %parallel_loop3A_452, %parallel_loop3A_453 : i32
          %parallel_loop3A_455 = arith.constant 384 : i32
          %parallel_loop3A_456 = arith.muli %parallel_loop3A_454, %parallel_loop3A_455 : i32
          %parallel_loop3A_457 = arith.addi %mul3A_165, %parallel_loop3A_456 : i32
          %parallel_loop3A_458 = arith.constant 0 : i32
          %parallel_loop3A_459 = arith.addi %parallel_loop3A_457, %parallel_loop3A_458 : i32
          %parallel_loop3A_460 = arith.index_cast %parallel_loop3A_459 : i32 to index
          %parallel_loop3A_461 = tpu.vector_load %arg7[%parallel_loop3A_460] {strides = array<i32>} : memref<80640xf32, #tpu.memory_space<vmem>>, vector<16xf32>,
          %parallel_loop3A_462 = arith.constant 16 : i32
          %parallel_loop3A_463 = arith.addi %parallel_loop3A_457, %parallel_loop3A_462 : i32
          %parallel_loop3A_464 = arith.index_cast %parallel_loop3A_463 : i32 to index
          %parallel_loop3A_465 = tpu.vector_load %arg7[%parallel_loop3A_464] {strides = array<i32>} : memref<80640xf32, #tpu.memory_space<vmem>>, vector<16xf32>,
          %parallel_loop3A_466 = arith.constant 32 : i32
          %parallel_loop3A_467 = arith.addi %parallel_loop3A_457, %parallel_loop3A_466 : i32
          %parallel_loop3A_468 = arith.index_cast %parallel_loop3A_467 : i32 to index
          %parallel_loop3A_469 = tpu.vector_load %arg7[%parallel_loop3A_468] {strides = array<i32>} : memref<80640xf32, #tpu.memory_space<vmem>>, vector<16xf32>,
          %parallel_loop3A_470 = arith.constant 48 : i32
          %parallel_loop3A_471 = arith.addi %parallel_loop3A_457, %parallel_loop3A_470 : i32
          %parallel_loop3A_472 = arith.index_cast %parallel_loop3A_471 : i32 to index
          %parallel_loop3A_473 = tpu.vector_load %arg7[%parallel_loop3A_472] {strides = array<i32>} : memref<80640xf32, #tpu.memory_space<vmem>>, vector<16xf32>,
          %parallel_loop3A_474 = arith.constant 64 : i32
          %parallel_loop3A_475 = arith.addi %parallel_loop3A_457, %parallel_loop3A_474 : i32
          %parallel_loop3A_476 = arith.index_cast %parallel_loop3A_475 : i32 to index
          %parallel_loop3A_477 = tpu.vector_load %arg7[%parallel_loop3A_476] {strides = array<i32>} : memref<80640xf32, #tpu.memory_space<vmem>>, vector<16xf32>,
          %parallel_loop3A_478 = arith.maximumf %parallel_loop3A_461, %parallel_loop3A_477 : vector<16xf32>
          %parallel_loop3A_479 = arith.constant 80 : i32
          %parallel_loop3A_480 = arith.addi %parallel_loop3A_457, %parallel_loop3A_479 : i32
          %parallel_loop3A_481 = arith.index_cast %parallel_loop3A_480 : i32 to index
          %parallel_loop3A_482 = tpu.vector_load %arg7[%parallel_loop3A_481] {strides = array<i32>} : memref<80640xf32, #tpu.memory_space<vmem>>, vector<16xf32>,
          %parallel_loop3A_483 = arith.maximumf %parallel_loop3A_465, %parallel_loop3A_482 : vector<16xf32>
          %parallel_loop3A_484 = arith.constant 96 : i32
          %parallel_loop3A_485 = arith.addi %parallel_loop3A_457, %parallel_loop3A_484 : i32
          %parallel_loop3A_486 = arith.index_cast %parallel_loop3A_485 : i32 to index
          %parallel_loop3A_487 = tpu.vector_load %arg7[%parallel_loop3A_486] {strides = array<i32>} : memref<80640xf32, #tpu.memory_space<vmem>>, vector<16xf32>,
          %parallel_loop3A_488 = arith.maximumf %parallel_loop3A_469, %parallel_loop3A_487 : vector<16xf32>
          %parallel_loop3A_489 = arith.constant 112 : i32
          %parallel_loop3A_490 = arith.addi %parallel_loop3A_457, %parallel_loop3A_489 : i32
          %parallel_loop3A_491 = arith.index_cast %parallel_loop3A_490 : i32 to index
          %parallel_loop3A_492 = tpu.vector_load %arg7[%parallel_loop3A_491] {strides = array<i32>} : memref<80640xf32, #tpu.memory_space<vmem>>, vector<16xf32>,
          %parallel_loop3A_493 = arith.maximumf %parallel_loop3A_473, %parallel_loop3A_492 : vector<16xf32>
          %parallel_loop3A_494 = arith.constant 128 : i32
          %parallel_loop3A_495 = arith.addi %parallel_loop3A_457, %parallel_loop3A_494 : i32
          %parallel_loop3A_496 = arith.index_cast %parallel_loop3A_495 : i32 to index
          %parallel_loop3A_497 = tpu.vector_load %arg7[%parallel_loop3A_496] {strides = array<i32>} : memref<80640xf32, #tpu.memory_space<vmem>>, vector<16xf32>,
          %parallel_loop3A_498 = arith.maximumf %parallel_loop3A_478, %parallel_loop3A_497 : vector<16xf32>
          %parallel_loop3A_499 = arith.constant 144 : i32
          %parallel_loop3A_500 = arith.addi %parallel_loop3A_457, %parallel_loop3A_499 : i32
          %parallel_loop3A_501 = arith.index_cast %parallel_loop3A_500 : i32 to index
          %parallel_loop3A_502 = tpu.vector_load %arg7[%parallel_loop3A_501] {strides = array<i32>} : memref<80640xf32, #tpu.memory_space<vmem>>, vector<16xf32>,
          %parallel_loop3A_503 = arith.maximumf %parallel_loop3A_483, %parallel_loop3A_502 : vector<16xf32>
          %parallel_loop3A_504 = arith.constant 160 : i32
          %parallel_loop3A_505 = arith.addi %parallel_loop3A_457, %parallel_loop3A_504 : i32
          %parallel_loop3A_506 = arith.index_cast %parallel_loop3A_505 : i32 to index
          %parallel_loop3A_507 = tpu.vector_load %arg7[%parallel_loop3A_506] {strides = array<i32>} : memref<80640xf32, #tpu.memory_space<vmem>>, vector<16xf32>,
          %parallel_loop3A_508 = arith.maximumf %parallel_loop3A_488, %parallel_loop3A_507 : vector<16xf32>
          %parallel_loop3A_509 = arith.constant 176 : i32
          %parallel_loop3A_510 = arith.addi %parallel_loop3A_457, %parallel_loop3A_509 : i32
          %parallel_loop3A_511 = arith.index_cast %parallel_loop3A_510 : i32 to index
          %parallel_loop3A_512 = tpu.vector_load %arg7[%parallel_loop3A_511] {strides = array<i32>} : memref<80640xf32, #tpu.memory_space<vmem>>, vector<16xf32>,
          %parallel_loop3A_513 = arith.maximumf %parallel_loop3A_493, %parallel_loop3A_512 : vector<16xf32>
          %parallel_loop3A_514 = arith.constant 192 : i32
          %parallel_loop3A_515 = arith.addi %parallel_loop3A_457, %parallel_loop3A_514 : i32
          %parallel_loop3A_516 = arith.index_cast %parallel_loop3A_515 : i32 to index
          %parallel_loop3A_517 = tpu.vector_load %arg7[%parallel_loop3A_516] {strides = array<i32>} : memref<80640xf32, #tpu.memory_space<vmem>>, vector<16xf32>,
          %parallel_loop3A_518 = arith.maximumf %parallel_loop3A_498, %parallel_loop3A_517 : vector<16xf32>
          %parallel_loop3A_519 = arith.constant 208 : i32
          %parallel_loop3A_520 = arith.addi %parallel_loop3A_457, %parallel_loop3A_519 : i32
          %parallel_loop3A_521 = arith.index_cast %parallel_loop3A_520 : i32 to index
          %parallel_loop3A_522 = tpu.vector_load %arg7[%parallel_loop3A_521] {strides = array<i32>} : memref<80640xf32, #tpu.memory_space<vmem>>, vector<16xf32>,
          %parallel_loop3A_523 = arith.maximumf %parallel_loop3A_503, %parallel_loop3A_522 : vector<16xf32>
          %parallel_loop3A_524 = arith.constant 224 : i32
          %parallel_loop3A_525 = arith.addi %parallel_loop3A_457, %parallel_loop3A_524 : i32
          %parallel_loop3A_526 = arith.index_cast %parallel_loop3A_525 : i32 to index
          %parallel_loop3A_527 = tpu.vector_load %arg7[%parallel_loop3A_526] {strides = array<i32>} : memref<80640xf32, #tpu.memory_space<vmem>>, vector<16xf32>,
          %parallel_loop3A_528 = arith.maximumf %parallel_loop3A_508, %parallel_loop3A_527 : vector<16xf32>
          %parallel_loop3A_529 = arith.constant 240 : i32
          %parallel_loop3A_530 = arith.addi %parallel_loop3A_457, %parallel_loop3A_529 : i32
          %parallel_loop3A_531 = arith.index_cast %parallel_loop3A_530 : i32 to index
          %parallel_loop3A_532 = tpu.vector_load %arg7[%parallel_loop3A_531] {strides = array<i32>} : memref<80640xf32, #tpu.memory_space<vmem>>, vector<16xf32>,
          %parallel_loop3A_533 = arith.maximumf %parallel_loop3A_513, %parallel_loop3A_532 : vector<16xf32>
          %parallel_loop3A_534 = arith.constant 256 : i32
          %parallel_loop3A_535 = arith.addi %parallel_loop3A_457, %parallel_loop3A_534 : i32
          %parallel_loop3A_536 = arith.index_cast %parallel_loop3A_535 : i32 to index
          %parallel_loop3A_537 = tpu.vector_load %arg7[%parallel_loop3A_536] {strides = array<i32>} : memref<80640xf32, #tpu.memory_space<vmem>>, vector<16xf32>,
          %parallel_loop3A_538 = arith.maximumf %parallel_loop3A_518, %parallel_loop3A_537 : vector<16xf32>
          %parallel_loop3A_539 = arith.constant 272 : i32
          %parallel_loop3A_540 = arith.addi %parallel_loop3A_457, %parallel_loop3A_539 : i32
          %parallel_loop3A_541 = arith.index_cast %parallel_loop3A_540 : i32 to index
          %parallel_loop3A_542 = tpu.vector_load %arg7[%parallel_loop3A_541] {strides = array<i32>} : memref<80640xf32, #tpu.memory_space<vmem>>, vector<16xf32>,
          %parallel_loop3A_543 = arith.maximumf %parallel_loop3A_523, %parallel_loop3A_542 : vector<16xf32>
          %parallel_loop3A_544 = arith.constant 288 : i32
          %parallel_loop3A_545 = arith.addi %parallel_loop3A_457, %parallel_loop3A_544 : i32
          %parallel_loop3A_546 = arith.index_cast %parallel_loop3A_545 : i32 to index
          %parallel_loop3A_547 = tpu.vector_load %arg7[%parallel_loop3A_546] {strides = array<i32>} : memref<80640xf32, #tpu.memory_space<vmem>>, vector<16xf32>,
          %parallel_loop3A_548 = arith.maximumf %parallel_loop3A_528, %parallel_loop3A_547 : vector<16xf32>
          %parallel_loop3A_549 = arith.constant 304 : i32
          %parallel_loop3A_550 = arith.addi %parallel_loop3A_457, %parallel_loop3A_549 : i32
          %parallel_loop3A_551 = arith.index_cast %parallel_loop3A_550 : i32 to index
          %parallel_loop3A_552 = tpu.vector_load %arg7[%parallel_loop3A_551] {strides = array<i32>} : memref<80640xf32, #tpu.memory_space<vmem>>, vector<16xf32>,
          %parallel_loop3A_553 = arith.maximumf %parallel_loop3A_533, %parallel_loop3A_552 : vector<16xf32>
          %parallel_loop3A_554 = arith.constant 320 : i32
          %parallel_loop3A_555 = arith.addi %parallel_loop3A_457, %parallel_loop3A_554 : i32
          %parallel_loop3A_556 = arith.index_cast %parallel_loop3A_555 : i32 to index
          %parallel_loop3A_557 = tpu.vector_load %arg7[%parallel_loop3A_556] {strides = array<i32>} : memref<80640xf32, #tpu.memory_space<vmem>>, vector<16xf32>,
          %parallel_loop3A_558 = arith.maximumf %parallel_loop3A_538, %parallel_loop3A_557 : vector<16xf32>
          %parallel_loop3A_559 = arith.constant 336 : i32
          %parallel_loop3A_560 = arith.addi %parallel_loop3A_457, %parallel_loop3A_559 : i32
          %parallel_loop3A_561 = arith.index_cast %parallel_loop3A_560 : i32 to index
          %parallel_loop3A_562 = tpu.vector_load %arg7[%parallel_loop3A_561] {strides = array<i32>} : memref<80640xf32, #tpu.memory_space<vmem>>, vector<16xf32>,
          %parallel_loop3A_563 = arith.maximumf %parallel_loop3A_543, %parallel_loop3A_562 : vector<16xf32>
          %parallel_loop3A_564 = arith.constant 352 : i32
          %parallel_loop3A_565 = arith.addi %parallel_loop3A_457, %parallel_loop3A_564 : i32
          %parallel_loop3A_566 = arith.index_cast %parallel_loop3A_565 : i32 to index
          %parallel_loop3A_567 = tpu.vector_load %arg7[%parallel_loop3A_566] {strides = array<i32>} : memref<80640xf32, #tpu.memory_space<vmem>>, vector<16xf32>,
          %parallel_loop3A_568 = arith.maximumf %parallel_loop3A_548, %parallel_loop3A_567 : vector<16xf32>
          %parallel_loop3A_569 = arith.constant 368 : i32
          %parallel_loop3A_570 = arith.addi %parallel_loop3A_457, %parallel_loop3A_569 : i32
          %parallel_loop3A_571 = arith.index_cast %parallel_loop3A_570 : i32 to index
          %parallel_loop3A_572 = tpu.vector_load %arg7[%parallel_loop3A_571] {strides = array<i32>} : memref<80640xf32, #tpu.memory_space<vmem>>, vector<16xf32>,
          %parallel_loop3A_573 = arith.maximumf %parallel_loop3A_553, %parallel_loop3A_572 : vector<16xf32>
          %parallel_loop3A_574 = arith.maximumf %parallel_loop3A_558, %parallel_loop3A_563 : vector<16xf32>
          %parallel_loop3A_575 = arith.maximumf %parallel_loop3A_568, %parallel_loop3A_573 : vector<16xf32>
          %parallel_loop3A_576 = arith.maximumf %parallel_loop3A_574, %parallel_loop3A_575 : vector<16xf32>
          %parallel_loop3A_577 = arith.constant 16 : i32
          %parallel_loop3A_578 = arith.muli %parallel_loop3A_454, %parallel_loop3A_577 : i32
          %parallel_loop3A_579 = arith.index_cast %parallel_loop3A_578 : i32 to index
          %parallel_loop3A_580 = tpu.vector_load %arg10[%parallel_loop3A_579] {strides = array<i32>} : memref<672xf32, #tpu.memory_space<vmem>>, vector<16xf32>,
          tpu.vector_store %arg10[%parallel_loop3A_579], %parallel_loop3A_576 {strides = array<i32>} : memref<672xf32, #tpu.memory_space<vmem>>, vector<16xf32>,
          %parallel_loop3A_581 = arith.constant 6 : i32
          %parallel_loop3A_582 = arith.muli %parallel_loop3A_189, %parallel_loop3A_581 : i32
          %parallel_loop3A_583 = arith.constant 3 : i32
          %parallel_loop3A_584 = arith.addi %parallel_loop3A_582, %parallel_loop3A_583 : i32
          %parallel_loop3A_585 = arith.constant 384 : i32
          %parallel_loop3A_586 = arith.muli %parallel_loop3A_584, %parallel_loop3A_585 : i32
          %parallel_loop3A_587 = arith.addi %mul3A_165, %parallel_loop3A_586 : i32
          %parallel_loop3A_588 = arith.constant 0 : i32
          %parallel_loop3A_589 = arith.addi %parallel_loop3A_587, %parallel_loop3A_588 : i32
          %parallel_loop3A_590 = arith.index_cast %parallel_loop3A_589 : i32 to index
          %parallel_loop3A_591 = tpu.vector_load %arg7[%parallel_loop3A_590] {strides = array<i32>} : memref<80640xf32, #tpu.memory_space<vmem>>, vector<16xf32>,
          %parallel_loop3A_592 = arith.constant 16 : i32
          %parallel_loop3A_593 = arith.addi %parallel_loop3A_587, %parallel_loop3A_592 : i32
          %parallel_loop3A_594 = arith.index_cast %parallel_loop3A_593 : i32 to index
          %parallel_loop3A_595 = tpu.vector_load %arg7[%parallel_loop3A_594] {strides = array<i32>} : memref<80640xf32, #tpu.memory_space<vmem>>, vector<16xf32>,
          %parallel_loop3A_596 = arith.constant 32 : i32
          %parallel_loop3A_597 = arith.addi %parallel_loop3A_587, %parallel_loop3A_596 : i32
          %parallel_loop3A_598 = arith.index_cast %parallel_loop3A_597 : i32 to index
          %parallel_loop3A_599 = tpu.vector_load %arg7[%parallel_loop3A_598] {strides = array<i32>} : memref<80640xf32, #tpu.memory_space<vmem>>, vector<16xf32>,
          %parallel_loop3A_600 = arith.constant 48 : i32
          %parallel_loop3A_601 = arith.addi %parallel_loop3A_587, %parallel_loop3A_600 : i32
          %parallel_loop3A_602 = arith.index_cast %parallel_loop3A_601 : i32 to index
          %parallel_loop3A_603 = tpu.vector_load %arg7[%parallel_loop3A_602] {strides = array<i32>} : memref<80640xf32, #tpu.memory_space<vmem>>, vector<16xf32>,
          %parallel_loop3A_604 = arith.constant 64 : i32
          %parallel_loop3A_605 = arith.addi %parallel_loop3A_587, %parallel_loop3A_604 : i32
          %parallel_loop3A_606 = arith.index_cast %parallel_loop3A_605 : i32 to index
          %parallel_loop3A_607 = tpu.vector_load %arg7[%parallel_loop3A_606] {strides = array<i32>} : memref<80640xf32, #tpu.memory_space<vmem>>, vector<16xf32>,
          %parallel_loop3A_608 = arith.maximumf %parallel_loop3A_591, %parallel_loop3A_607 : vector<16xf32>
          %parallel_loop3A_609 = arith.constant 80 : i32
          %parallel_loop3A_610 = arith.addi %parallel_loop3A_587, %parallel_loop3A_609 : i32
          %parallel_loop3A_611 = arith.index_cast %parallel_loop3A_610 : i32 to index
          %parallel_loop3A_612 = tpu.vector_load %arg7[%parallel_loop3A_611] {strides = array<i32>} : memref<80640xf32, #tpu.memory_space<vmem>>, vector<16xf32>,
          %parallel_loop3A_613 = arith.maximumf %parallel_loop3A_595, %parallel_loop3A_612 : vector<16xf32>
          %parallel_loop3A_614 = arith.constant 96 : i32
          %parallel_loop3A_615 = arith.addi %parallel_loop3A_587, %parallel_loop3A_614 : i32
          %parallel_loop3A_616 = arith.index_cast %parallel_loop3A_615 : i32 to index
          %parallel_loop3A_617 = tpu.vector_load %arg7[%parallel_loop3A_616] {strides = array<i32>} : memref<80640xf32, #tpu.memory_space<vmem>>, vector<16xf32>,
          %parallel_loop3A_618 = arith.maximumf %parallel_loop3A_599, %parallel_loop3A_617 : vector<16xf32>
          %parallel_loop3A_619 = arith.constant 112 : i32
          %parallel_loop3A_620 = arith.addi %parallel_loop3A_587, %parallel_loop3A_619 : i32
          %parallel_loop3A_621 = arith.index_cast %parallel_loop3A_620 : i32 to index
          %parallel_loop3A_622 = tpu.vector_load %arg7[%parallel_loop3A_621] {strides = array<i32>} : memref<80640xf32, #tpu.memory_space<vmem>>, vector<16xf32>,
          %parallel_loop3A_623 = arith.maximumf %parallel_loop3A_603, %parallel_loop3A_622 : vector<16xf32>
          %parallel_loop3A_624 = arith.constant 128 : i32
          %parallel_loop3A_625 = arith.addi %parallel_loop3A_587, %parallel_loop3A_624 : i32
          %parallel_loop3A_626 = arith.index_cast %parallel_loop3A_625 : i32 to index
          %parallel_loop3A_627 = tpu.vector_load %arg7[%parallel_loop3A_626] {strides = array<i32>} : memref<80640xf32, #tpu.memory_space<vmem>>, vector<16xf32>,
          %parallel_loop3A_628 = arith.maximumf %parallel_loop3A_608, %parallel_loop3A_627 : vector<16xf32>
          %parallel_loop3A_629 = arith.constant 144 : i32
          %parallel_loop3A_630 = arith.addi %parallel_loop3A_587, %parallel_loop3A_629 : i32
          %parallel_loop3A_631 = arith.index_cast %parallel_loop3A_630 : i32 to index
          %parallel_loop3A_632 = tpu.vector_load %arg7[%parallel_loop3A_631] {strides = array<i32>} : memref<80640xf32, #tpu.memory_space<vmem>>, vector<16xf32>,
          %parallel_loop3A_633 = arith.maximumf %parallel_loop3A_613, %parallel_loop3A_632 : vector<16xf32>
          %parallel_loop3A_634 = arith.constant 160 : i32
          %parallel_loop3A_635 = arith.addi %parallel_loop3A_587, %parallel_loop3A_634 : i32
          %parallel_loop3A_636 = arith.index_cast %parallel_loop3A_635 : i32 to index
          %parallel_loop3A_637 = tpu.vector_load %arg7[%parallel_loop3A_636] {strides = array<i32>} : memref<80640xf32, #tpu.memory_space<vmem>>, vector<16xf32>,
          %parallel_loop3A_638 = arith.maximumf %parallel_loop3A_618, %parallel_loop3A_637 : vector<16xf32>
          %parallel_loop3A_639 = arith.constant 176 : i32
          %parallel_loop3A_640 = arith.addi %parallel_loop3A_587, %parallel_loop3A_639 : i32
          %parallel_loop3A_641 = arith.index_cast %parallel_loop3A_640 : i32 to index
          %parallel_loop3A_642 = tpu.vector_load %arg7[%parallel_loop3A_641] {strides = array<i32>} : memref<80640xf32, #tpu.memory_space<vmem>>, vector<16xf32>,
          %parallel_loop3A_643 = arith.maximumf %parallel_loop3A_623, %parallel_loop3A_642 : vector<16xf32>
          %parallel_loop3A_644 = arith.constant 192 : i32
          %parallel_loop3A_645 = arith.addi %parallel_loop3A_587, %parallel_loop3A_644 : i32
          %parallel_loop3A_646 = arith.index_cast %parallel_loop3A_645 : i32 to index
          %parallel_loop3A_647 = tpu.vector_load %arg7[%parallel_loop3A_646] {strides = array<i32>} : memref<80640xf32, #tpu.memory_space<vmem>>, vector<16xf32>,
          %parallel_loop3A_648 = arith.maximumf %parallel_loop3A_628, %parallel_loop3A_647 : vector<16xf32>
          %parallel_loop3A_649 = arith.constant 208 : i32
          %parallel_loop3A_650 = arith.addi %parallel_loop3A_587, %parallel_loop3A_649 : i32
          %parallel_loop3A_651 = arith.index_cast %parallel_loop3A_650 : i32 to index
          %parallel_loop3A_652 = tpu.vector_load %arg7[%parallel_loop3A_651] {strides = array<i32>} : memref<80640xf32, #tpu.memory_space<vmem>>, vector<16xf32>,
          %parallel_loop3A_653 = arith.maximumf %parallel_loop3A_633, %parallel_loop3A_652 : vector<16xf32>
          %parallel_loop3A_654 = arith.constant 224 : i32
          %parallel_loop3A_655 = arith.addi %parallel_loop3A_587, %parallel_loop3A_654 : i32
          %parallel_loop3A_656 = arith.index_cast %parallel_loop3A_655 : i32 to index
          %parallel_loop3A_657 = tpu.vector_load %arg7[%parallel_loop3A_656] {strides = array<i32>} : memref<80640xf32, #tpu.memory_space<vmem>>, vector<16xf32>,
          %parallel_loop3A_658 = arith.maximumf %parallel_loop3A_638, %parallel_loop3A_657 : vector<16xf32>
          %parallel_loop3A_659 = arith.constant 240 : i32
          %parallel_loop3A_660 = arith.addi %parallel_loop3A_587, %parallel_loop3A_659 : i32
          %parallel_loop3A_661 = arith.index_cast %parallel_loop3A_660 : i32 to index
          %parallel_loop3A_662 = tpu.vector_load %arg7[%parallel_loop3A_661] {strides = array<i32>} : memref<80640xf32, #tpu.memory_space<vmem>>, vector<16xf32>,
          %parallel_loop3A_663 = arith.maximumf %parallel_loop3A_643, %parallel_loop3A_662 : vector<16xf32>
          %parallel_loop3A_664 = arith.constant 256 : i32
          %parallel_loop3A_665 = arith.addi %parallel_loop3A_587, %parallel_loop3A_664 : i32
          %parallel_loop3A_666 = arith.index_cast %parallel_loop3A_665 : i32 to index
          %parallel_loop3A_667 = tpu.vector_load %arg7[%parallel_loop3A_666] {strides = array<i32>} : memref<80640xf32, #tpu.memory_space<vmem>>, vector<16xf32>,
          %parallel_loop3A_668 = arith.maximumf %parallel_loop3A_648, %parallel_loop3A_667 : vector<16xf32>
          %parallel_loop3A_669 = arith.constant 272 : i32
          %parallel_loop3A_670 = arith.addi %parallel_loop3A_587, %parallel_loop3A_669 : i32
          %parallel_loop3A_671 = arith.index_cast %parallel_loop3A_670 : i32 to index
          %parallel_loop3A_672 = tpu.vector_load %arg7[%parallel_loop3A_671] {strides = array<i32>} : memref<80640xf32, #tpu.memory_space<vmem>>, vector<16xf32>,
          %parallel_loop3A_673 = arith.maximumf %parallel_loop3A_653, %parallel_loop3A_672 : vector<16xf32>
          %parallel_loop3A_674 = arith.constant 288 : i32
          %parallel_loop3A_675 = arith.addi %parallel_loop3A_587, %parallel_loop3A_674 : i32
          %parallel_loop3A_676 = arith.index_cast %parallel_loop3A_675 : i32 to index
          %parallel_loop3A_677 = tpu.vector_load %arg7[%parallel_loop3A_676] {strides = array<i32>} : memref<80640xf32, #tpu.memory_space<vmem>>, vector<16xf32>,
          %parallel_loop3A_678 = arith.maximumf %parallel_loop3A_658, %parallel_loop3A_677 : vector<16xf32>
          %parallel_loop3A_679 = arith.constant 304 : i32
          %parallel_loop3A_680 = arith.addi %parallel_loop3A_587, %parallel_loop3A_679 : i32
          %parallel_loop3A_681 = arith.index_cast %parallel_loop3A_680 : i32 to index
          %parallel_loop3A_682 = tpu.vector_load %arg7[%parallel_loop3A_681] {strides = array<i32>} : memref<80640xf32, #tpu.memory_space<vmem>>, vector<16xf32>,
          %parallel_loop3A_683 = arith.maximumf %parallel_loop3A_663, %parallel_loop3A_682 : vector<16xf32>
          %parallel_loop3A_684 = arith.constant 320 : i32
          %parallel_loop3A_685 = arith.addi %parallel_loop3A_587, %parallel_loop3A_684 : i32
          %parallel_loop3A_686 = arith.index_cast %parallel_loop3A_685 : i32 to index
          %parallel_loop3A_687 = tpu.vector_load %arg7[%parallel_loop3A_686] {strides = array<i32>} : memref<80640xf32, #tpu.memory_space<vmem>>, vector<16xf32>,
          %parallel_loop3A_688 = arith.maximumf %parallel_loop3A_668, %parallel_loop3A_687 : vector<16xf32>
          %parallel_loop3A_689 = arith.constant 336 : i32
          %parallel_loop3A_690 = arith.addi %parallel_loop3A_587, %parallel_loop3A_689 : i32
          %parallel_loop3A_691 = arith.index_cast %parallel_loop3A_690 : i32 to index
          %parallel_loop3A_692 = tpu.vector_load %arg7[%parallel_loop3A_691] {strides = array<i32>} : memref<80640xf32, #tpu.memory_space<vmem>>, vector<16xf32>,
          %parallel_loop3A_693 = arith.maximumf %parallel_loop3A_673, %parallel_loop3A_692 : vector<16xf32>
          %parallel_loop3A_694 = arith.constant 352 : i32
          %parallel_loop3A_695 = arith.addi %parallel_loop3A_587, %parallel_loop3A_694 : i32
          %parallel_loop3A_696 = arith.index_cast %parallel_loop3A_695 : i32 to index
          %parallel_loop3A_697 = tpu.vector_load %arg7[%parallel_loop3A_696] {strides = array<i32>} : memref<80640xf32, #tpu.memory_space<vmem>>, vector<16xf32>,
          %parallel_loop3A_698 = arith.maximumf %parallel_loop3A_678, %parallel_loop3A_697 : vector<16xf32>
          %parallel_loop3A_699 = arith.constant 368 : i32
          %parallel_loop3A_700 = arith.addi %parallel_loop3A_587, %parallel_loop3A_699 : i32
          %parallel_loop3A_701 = arith.index_cast %parallel_loop3A_700 : i32 to index
          %parallel_loop3A_702 = tpu.vector_load %arg7[%parallel_loop3A_701] {strides = array<i32>} : memref<80640xf32, #tpu.memory_space<vmem>>, vector<16xf32>,
          %parallel_loop3A_703 = arith.maximumf %parallel_loop3A_683, %parallel_loop3A_702 : vector<16xf32>
          %parallel_loop3A_704 = arith.maximumf %parallel_loop3A_688, %parallel_loop3A_693 : vector<16xf32>
          %parallel_loop3A_705 = arith.maximumf %parallel_loop3A_698, %parallel_loop3A_703 : vector<16xf32>
          %parallel_loop3A_706 = arith.maximumf %parallel_loop3A_704, %parallel_loop3A_705 : vector<16xf32>
          %parallel_loop3A_707 = arith.constant 16 : i32
          %parallel_loop3A_708 = arith.muli %parallel_loop3A_584, %parallel_loop3A_707 : i32
          %parallel_loop3A_709 = arith.index_cast %parallel_loop3A_708 : i32 to index
          %parallel_loop3A_710 = tpu.vector_load %arg10[%parallel_loop3A_709] {strides = array<i32>} : memref<672xf32, #tpu.memory_space<vmem>>, vector<16xf32>,
          tpu.vector_store %arg10[%parallel_loop3A_709], %parallel_loop3A_706 {strides = array<i32>} : memref<672xf32, #tpu.memory_space<vmem>>, vector<16xf32>,
          %parallel_loop3A_711 = arith.constant 6 : i32
          %parallel_loop3A_712 = arith.muli %parallel_loop3A_189, %parallel_loop3A_711 : i32
          %parallel_loop3A_713 = arith.constant 4 : i32
          %parallel_loop3A_714 = arith.addi %parallel_loop3A_712, %parallel_loop3A_713 : i32
          %parallel_loop3A_715 = arith.constant 384 : i32
          %parallel_loop3A_716 = arith.muli %parallel_loop3A_714, %parallel_loop3A_715 : i32
          %parallel_loop3A_717 = arith.addi %mul3A_165, %parallel_loop3A_716 : i32
          %parallel_loop3A_718 = arith.constant 0 : i32
          %parallel_loop3A_719 = arith.addi %parallel_loop3A_717, %parallel_loop3A_718 : i32
          %parallel_loop3A_720 = arith.index_cast %parallel_loop3A_719 : i32 to index
          %parallel_loop3A_721 = tpu.vector_load %arg7[%parallel_loop3A_720] {strides = array<i32>} : memref<80640xf32, #tpu.memory_space<vmem>>, vector<16xf32>,
          %parallel_loop3A_722 = arith.constant 16 : i32
          %parallel_loop3A_723 = arith.addi %parallel_loop3A_717, %parallel_loop3A_722 : i32
          %parallel_loop3A_724 = arith.index_cast %parallel_loop3A_723 : i32 to index
          %parallel_loop3A_725 = tpu.vector_load %arg7[%parallel_loop3A_724] {strides = array<i32>} : memref<80640xf32, #tpu.memory_space<vmem>>, vector<16xf32>,
          %parallel_loop3A_726 = arith.constant 32 : i32
          %parallel_loop3A_727 = arith.addi %parallel_loop3A_717, %parallel_loop3A_726 : i32
          %parallel_loop3A_728 = arith.index_cast %parallel_loop3A_727 : i32 to index
          %parallel_loop3A_729 = tpu.vector_load %arg7[%parallel_loop3A_728] {strides = array<i32>} : memref<80640xf32, #tpu.memory_space<vmem>>, vector<16xf32>,
          %parallel_loop3A_730 = arith.constant 48 : i32
          %parallel_loop3A_731 = arith.addi %parallel_loop3A_717, %parallel_loop3A_730 : i32
          %parallel_loop3A_732 = arith.index_cast %parallel_loop3A_731 : i32 to index
          %parallel_loop3A_733 = tpu.vector_load %arg7[%parallel_loop3A_732] {strides = array<i32>} : memref<80640xf32, #tpu.memory_space<vmem>>, vector<16xf32>,
          %parallel_loop3A_734 = arith.constant 64 : i32
          %parallel_loop3A_735 = arith.addi %parallel_loop3A_717, %parallel_loop3A_734 : i32
          %parallel_loop3A_736 = arith.index_cast %parallel_loop3A_735 : i32 to index
          %parallel_loop3A_737 = tpu.vector_load %arg7[%parallel_loop3A_736] {strides = array<i32>} : memref<80640xf32, #tpu.memory_space<vmem>>, vector<16xf32>,
          %parallel_loop3A_738 = arith.maximumf %parallel_loop3A_721, %parallel_loop3A_737 : vector<16xf32>
          %parallel_loop3A_739 = arith.constant 80 : i32
          %parallel_loop3A_740 = arith.addi %parallel_loop3A_717, %parallel_loop3A_739 : i32
          %parallel_loop3A_741 = arith.index_cast %parallel_loop3A_740 : i32 to index
          %parallel_loop3A_742 = tpu.vector_load %arg7[%parallel_loop3A_741] {strides = array<i32>} : memref<80640xf32, #tpu.memory_space<vmem>>, vector<16xf32>,
          %parallel_loop3A_743 = arith.maximumf %parallel_loop3A_725, %parallel_loop3A_742 : vector<16xf32>
          %parallel_loop3A_744 = arith.constant 96 : i32
          %parallel_loop3A_745 = arith.addi %parallel_loop3A_717, %parallel_loop3A_744 : i32
          %parallel_loop3A_746 = arith.index_cast %parallel_loop3A_745 : i32 to index
          %parallel_loop3A_747 = tpu.vector_load %arg7[%parallel_loop3A_746] {strides = array<i32>} : memref<80640xf32, #tpu.memory_space<vmem>>, vector<16xf32>,
          %parallel_loop3A_748 = arith.maximumf %parallel_loop3A_729, %parallel_loop3A_747 : vector<16xf32>
          %parallel_loop3A_749 = arith.constant 112 : i32
          %parallel_loop3A_750 = arith.addi %parallel_loop3A_717, %parallel_loop3A_749 : i32
          %parallel_loop3A_751 = arith.index_cast %parallel_loop3A_750 : i32 to index
          %parallel_loop3A_752 = tpu.vector_load %arg7[%parallel_loop3A_751] {strides = array<i32>} : memref<80640xf32, #tpu.memory_space<vmem>>, vector<16xf32>,
          %parallel_loop3A_753 = arith.maximumf %parallel_loop3A_733, %parallel_loop3A_752 : vector<16xf32>
          %parallel_loop3A_754 = arith.constant 128 : i32
          %parallel_loop3A_755 = arith.addi %parallel_loop3A_717, %parallel_loop3A_754 : i32
          %parallel_loop3A_756 = arith.index_cast %parallel_loop3A_755 : i32 to index
          %parallel_loop3A_757 = tpu.vector_load %arg7[%parallel_loop3A_756] {strides = array<i32>} : memref<80640xf32, #tpu.memory_space<vmem>>, vector<16xf32>,
          %parallel_loop3A_758 = arith.maximumf %parallel_loop3A_738, %parallel_loop3A_757 : vector<16xf32>
          %parallel_loop3A_759 = arith.constant 144 : i32
          %parallel_loop3A_760 = arith.addi %parallel_loop3A_717, %parallel_loop3A_759 : i32
          %parallel_loop3A_761 = arith.index_cast %parallel_loop3A_760 : i32 to index
          %parallel_loop3A_762 = tpu.vector_load %arg7[%parallel_loop3A_761] {strides = array<i32>} : memref<80640xf32, #tpu.memory_space<vmem>>, vector<16xf32>,
          %parallel_loop3A_763 = arith.maximumf %parallel_loop3A_743, %parallel_loop3A_762 : vector<16xf32>
          %parallel_loop3A_764 = arith.constant 160 : i32
          %parallel_loop3A_765 = arith.addi %parallel_loop3A_717, %parallel_loop3A_764 : i32
          %parallel_loop3A_766 = arith.index_cast %parallel_loop3A_765 : i32 to index
          %parallel_loop3A_767 = tpu.vector_load %arg7[%parallel_loop3A_766] {strides = array<i32>} : memref<80640xf32, #tpu.memory_space<vmem>>, vector<16xf32>,
          %parallel_loop3A_768 = arith.maximumf %parallel_loop3A_748, %parallel_loop3A_767 : vector<16xf32>
          %parallel_loop3A_769 = arith.constant 176 : i32
          %parallel_loop3A_770 = arith.addi %parallel_loop3A_717, %parallel_loop3A_769 : i32
          %parallel_loop3A_771 = arith.index_cast %parallel_loop3A_770 : i32 to index
          %parallel_loop3A_772 = tpu.vector_load %arg7[%parallel_loop3A_771] {strides = array<i32>} : memref<80640xf32, #tpu.memory_space<vmem>>, vector<16xf32>,
          %parallel_loop3A_773 = arith.maximumf %parallel_loop3A_753, %parallel_loop3A_772 : vector<16xf32>
          %parallel_loop3A_774 = arith.constant 192 : i32
          %parallel_loop3A_775 = arith.addi %parallel_loop3A_717, %parallel_loop3A_774 : i32
          %parallel_loop3A_776 = arith.index_cast %parallel_loop3A_775 : i32 to index
          %parallel_loop3A_777 = tpu.vector_load %arg7[%parallel_loop3A_776] {strides = array<i32>} : memref<80640xf32, #tpu.memory_space<vmem>>, vector<16xf32>,
          %parallel_loop3A_778 = arith.maximumf %parallel_loop3A_758, %parallel_loop3A_777 : vector<16xf32>
          %parallel_loop3A_779 = arith.constant 208 : i32
          %parallel_loop3A_780 = arith.addi %parallel_loop3A_717, %parallel_loop3A_779 : i32
          %parallel_loop3A_781 = arith.index_cast %parallel_loop3A_780 : i32 to index
          %parallel_loop3A_782 = tpu.vector_load %arg7[%parallel_loop3A_781] {strides = array<i32>} : memref<80640xf32, #tpu.memory_space<vmem>>, vector<16xf32>,
          %parallel_loop3A_783 = arith.maximumf %parallel_loop3A_763, %parallel_loop3A_782 : vector<16xf32>
          %parallel_loop3A_784 = arith.constant 224 : i32
          %parallel_loop3A_785 = arith.addi %parallel_loop3A_717, %parallel_loop3A_784 : i32
          %parallel_loop3A_786 = arith.index_cast %parallel_loop3A_785 : i32 to index
          %parallel_loop3A_787 = tpu.vector_load %arg7[%parallel_loop3A_786] {strides = array<i32>} : memref<80640xf32, #tpu.memory_space<vmem>>, vector<16xf32>,
          %parallel_loop3A_788 = arith.maximumf %parallel_loop3A_768, %parallel_loop3A_787 : vector<16xf32>
          %parallel_loop3A_789 = arith.constant 240 : i32
          %parallel_loop3A_790 = arith.addi %parallel_loop3A_717, %parallel_loop3A_789 : i32
          %parallel_loop3A_791 = arith.index_cast %parallel_loop3A_790 : i32 to index
          %parallel_loop3A_792 = tpu.vector_load %arg7[%parallel_loop3A_791] {strides = array<i32>} : memref<80640xf32, #tpu.memory_space<vmem>>, vector<16xf32>,
          %parallel_loop3A_793 = arith.maximumf %parallel_loop3A_773, %parallel_loop3A_792 : vector<16xf32>
          %parallel_loop3A_794 = arith.constant 256 : i32
          %parallel_loop3A_795 = arith.addi %parallel_loop3A_717, %parallel_loop3A_794 : i32
          %parallel_loop3A_796 = arith.index_cast %parallel_loop3A_795 : i32 to index
          %parallel_loop3A_797 = tpu.vector_load %arg7[%parallel_loop3A_796] {strides = array<i32>} : memref<80640xf32, #tpu.memory_space<vmem>>, vector<16xf32>,
          %parallel_loop3A_798 = arith.maximumf %parallel_loop3A_778, %parallel_loop3A_797 : vector<16xf32>
          %parallel_loop3A_799 = arith.constant 272 : i32
          %parallel_loop3A_800 = arith.addi %parallel_loop3A_717, %parallel_loop3A_799 : i32
          %parallel_loop3A_801 = arith.index_cast %parallel_loop3A_800 : i32 to index
          %parallel_loop3A_802 = tpu.vector_load %arg7[%parallel_loop3A_801] {strides = array<i32>} : memref<80640xf32, #tpu.memory_space<vmem>>, vector<16xf32>,
          %parallel_loop3A_803 = arith.maximumf %parallel_loop3A_783, %parallel_loop3A_802 : vector<16xf32>
          %parallel_loop3A_804 = arith.constant 288 : i32
          %parallel_loop3A_805 = arith.addi %parallel_loop3A_717, %parallel_loop3A_804 : i32
          %parallel_loop3A_806 = arith.index_cast %parallel_loop3A_805 : i32 to index
          %parallel_loop3A_807 = tpu.vector_load %arg7[%parallel_loop3A_806] {strides = array<i32>} : memref<80640xf32, #tpu.memory_space<vmem>>, vector<16xf32>,
          %parallel_loop3A_808 = arith.maximumf %parallel_loop3A_788, %parallel_loop3A_807 : vector<16xf32>
          %parallel_loop3A_809 = arith.constant 304 : i32
          %parallel_loop3A_810 = arith.addi %parallel_loop3A_717, %parallel_loop3A_809 : i32
          %parallel_loop3A_811 = arith.index_cast %parallel_loop3A_810 : i32 to index
          %parallel_loop3A_812 = tpu.vector_load %arg7[%parallel_loop3A_811] {strides = array<i32>} : memref<80640xf32, #tpu.memory_space<vmem>>, vector<16xf32>,
          %parallel_loop3A_813 = arith.maximumf %parallel_loop3A_793, %parallel_loop3A_812 : vector<16xf32>
          %parallel_loop3A_814 = arith.constant 320 : i32
          %parallel_loop3A_815 = arith.addi %parallel_loop3A_717, %parallel_loop3A_814 : i32
          %parallel_loop3A_816 = arith.index_cast %parallel_loop3A_815 : i32 to index
          %parallel_loop3A_817 = tpu.vector_load %arg7[%parallel_loop3A_816] {strides = array<i32>} : memref<80640xf32, #tpu.memory_space<vmem>>, vector<16xf32>,
          %parallel_loop3A_818 = arith.maximumf %parallel_loop3A_798, %parallel_loop3A_817 : vector<16xf32>
          %parallel_loop3A_819 = arith.constant 336 : i32
          %parallel_loop3A_820 = arith.addi %parallel_loop3A_717, %parallel_loop3A_819 : i32
          %parallel_loop3A_821 = arith.index_cast %parallel_loop3A_820 : i32 to index
          %parallel_loop3A_822 = tpu.vector_load %arg7[%parallel_loop3A_821] {strides = array<i32>} : memref<80640xf32, #tpu.memory_space<vmem>>, vector<16xf32>,
          %parallel_loop3A_823 = arith.maximumf %parallel_loop3A_803, %parallel_loop3A_822 : vector<16xf32>
          %parallel_loop3A_824 = arith.constant 352 : i32
          %parallel_loop3A_825 = arith.addi %parallel_loop3A_717, %parallel_loop3A_824 : i32
          %parallel_loop3A_826 = arith.index_cast %parallel_loop3A_825 : i32 to index
          %parallel_loop3A_827 = tpu.vector_load %arg7[%parallel_loop3A_826] {strides = array<i32>} : memref<80640xf32, #tpu.memory_space<vmem>>, vector<16xf32>,
          %parallel_loop3A_828 = arith.maximumf %parallel_loop3A_808, %parallel_loop3A_827 : vector<16xf32>
          %parallel_loop3A_829 = arith.constant 368 : i32
          %parallel_loop3A_830 = arith.addi %parallel_loop3A_717, %parallel_loop3A_829 : i32
          %parallel_loop3A_831 = arith.index_cast %parallel_loop3A_830 : i32 to index
          %parallel_loop3A_832 = tpu.vector_load %arg7[%parallel_loop3A_831] {strides = array<i32>} : memref<80640xf32, #tpu.memory_space<vmem>>, vector<16xf32>,
          %parallel_loop3A_833 = arith.maximumf %parallel_loop3A_813, %parallel_loop3A_832 : vector<16xf32>
          %parallel_loop3A_834 = arith.maximumf %parallel_loop3A_818, %parallel_loop3A_823 : vector<16xf32>
          %parallel_loop3A_835 = arith.maximumf %parallel_loop3A_828, %parallel_loop3A_833 : vector<16xf32>
          %parallel_loop3A_836 = arith.maximumf %parallel_loop3A_834, %parallel_loop3A_835 : vector<16xf32>
          %parallel_loop3A_837 = arith.constant 16 : i32
          %parallel_loop3A_838 = arith.muli %parallel_loop3A_714, %parallel_loop3A_837 : i32
          %parallel_loop3A_839 = arith.index_cast %parallel_loop3A_838 : i32 to index
          %parallel_loop3A_840 = tpu.vector_load %arg10[%parallel_loop3A_839] {strides = array<i32>} : memref<672xf32, #tpu.memory_space<vmem>>, vector<16xf32>,
          tpu.vector_store %arg10[%parallel_loop3A_839], %parallel_loop3A_836 {strides = array<i32>} : memref<672xf32, #tpu.memory_space<vmem>>, vector<16xf32>,
          %parallel_loop3A_841 = arith.constant 6 : i32
          %parallel_loop3A_842 = arith.muli %parallel_loop3A_189, %parallel_loop3A_841 : i32
          %parallel_loop3A_843 = arith.constant 5 : i32
          %parallel_loop3A_844 = arith.addi %parallel_loop3A_842, %parallel_loop3A_843 : i32
          %parallel_loop3A_845 = arith.constant 384 : i32
          %parallel_loop3A_846 = arith.muli %parallel_loop3A_844, %parallel_loop3A_845 : i32
          %parallel_loop3A_847 = arith.addi %mul3A_165, %parallel_loop3A_846 : i32
          %parallel_loop3A_848 = arith.constant 0 : i32
          %parallel_loop3A_849 = arith.addi %parallel_loop3A_847, %parallel_loop3A_848 : i32
          %parallel_loop3A_850 = arith.index_cast %parallel_loop3A_849 : i32 to index
          %parallel_loop3A_851 = tpu.vector_load %arg7[%parallel_loop3A_850] {strides = array<i32>} : memref<80640xf32, #tpu.memory_space<vmem>>, vector<16xf32>,
          %parallel_loop3A_852 = arith.constant 16 : i32
          %parallel_loop3A_853 = arith.addi %parallel_loop3A_847, %parallel_loop3A_852 : i32
          %parallel_loop3A_854 = arith.index_cast %parallel_loop3A_853 : i32 to index
          %parallel_loop3A_855 = tpu.vector_load %arg7[%parallel_loop3A_854] {strides = array<i32>} : memref<80640xf32, #tpu.memory_space<vmem>>, vector<16xf32>,
          %parallel_loop3A_856 = arith.constant 32 : i32
          %parallel_loop3A_857 = arith.addi %parallel_loop3A_847, %parallel_loop3A_856 : i32
          %parallel_loop3A_858 = arith.index_cast %parallel_loop3A_857 : i32 to index
          %parallel_loop3A_859 = tpu.vector_load %arg7[%parallel_loop3A_858] {strides = array<i32>} : memref<80640xf32, #tpu.memory_space<vmem>>, vector<16xf32>,
          %parallel_loop3A_860 = arith.constant 48 : i32
          %parallel_loop3A_861 = arith.addi %parallel_loop3A_847, %parallel_loop3A_860 : i32
          %parallel_loop3A_862 = arith.index_cast %parallel_loop3A_861 : i32 to index
          %parallel_loop3A_863 = tpu.vector_load %arg7[%parallel_loop3A_862] {strides = array<i32>} : memref<80640xf32, #tpu.memory_space<vmem>>, vector<16xf32>,
          %parallel_loop3A_864 = arith.constant 64 : i32
          %parallel_loop3A_865 = arith.addi %parallel_loop3A_847, %parallel_loop3A_864 : i32
          %parallel_loop3A_866 = arith.index_cast %parallel_loop3A_865 : i32 to index
          %parallel_loop3A_867 = tpu.vector_load %arg7[%parallel_loop3A_866] {strides = array<i32>} : memref<80640xf32, #tpu.memory_space<vmem>>, vector<16xf32>,
          %parallel_loop3A_868 = arith.maximumf %parallel_loop3A_851, %parallel_loop3A_867 : vector<16xf32>
          %parallel_loop3A_869 = arith.constant 80 : i32
          %parallel_loop3A_870 = arith.addi %parallel_loop3A_847, %parallel_loop3A_869 : i32
          %parallel_loop3A_871 = arith.index_cast %parallel_loop3A_870 : i32 to index
          %parallel_loop3A_872 = tpu.vector_load %arg7[%parallel_loop3A_871] {strides = array<i32>} : memref<80640xf32, #tpu.memory_space<vmem>>, vector<16xf32>,
          %parallel_loop3A_873 = arith.maximumf %parallel_loop3A_855, %parallel_loop3A_872 : vector<16xf32>
          %parallel_loop3A_874 = arith.constant 96 : i32
          %parallel_loop3A_875 = arith.addi %parallel_loop3A_847, %parallel_loop3A_874 : i32
          %parallel_loop3A_876 = arith.index_cast %parallel_loop3A_875 : i32 to index
          %parallel_loop3A_877 = tpu.vector_load %arg7[%parallel_loop3A_876] {strides = array<i32>} : memref<80640xf32, #tpu.memory_space<vmem>>, vector<16xf32>,
          %parallel_loop3A_878 = arith.maximumf %parallel_loop3A_859, %parallel_loop3A_877 : vector<16xf32>
          %parallel_loop3A_879 = arith.constant 112 : i32
          %parallel_loop3A_880 = arith.addi %parallel_loop3A_847, %parallel_loop3A_879 : i32
          %parallel_loop3A_881 = arith.index_cast %parallel_loop3A_880 : i32 to index
          %parallel_loop3A_882 = tpu.vector_load %arg7[%parallel_loop3A_881] {strides = array<i32>} : memref<80640xf32, #tpu.memory_space<vmem>>, vector<16xf32>,
          %parallel_loop3A_883 = arith.maximumf %parallel_loop3A_863, %parallel_loop3A_882 : vector<16xf32>
          %parallel_loop3A_884 = arith.constant 128 : i32
          %parallel_loop3A_885 = arith.addi %parallel_loop3A_847, %parallel_loop3A_884 : i32
          %parallel_loop3A_886 = arith.index_cast %parallel_loop3A_885 : i32 to index
          %parallel_loop3A_887 = tpu.vector_load %arg7[%parallel_loop3A_886] {strides = array<i32>} : memref<80640xf32, #tpu.memory_space<vmem>>, vector<16xf32>,
          %parallel_loop3A_888 = arith.maximumf %parallel_loop3A_868, %parallel_loop3A_887 : vector<16xf32>
          %parallel_loop3A_889 = arith.constant 144 : i32
          %parallel_loop3A_890 = arith.addi %parallel_loop3A_847, %parallel_loop3A_889 : i32
          %parallel_loop3A_891 = arith.index_cast %parallel_loop3A_890 : i32 to index
          %parallel_loop3A_892 = tpu.vector_load %arg7[%parallel_loop3A_891] {strides = array<i32>} : memref<80640xf32, #tpu.memory_space<vmem>>, vector<16xf32>,
          %parallel_loop3A_893 = arith.maximumf %parallel_loop3A_873, %parallel_loop3A_892 : vector<16xf32>
          %parallel_loop3A_894 = arith.constant 160 : i32
          %parallel_loop3A_895 = arith.addi %parallel_loop3A_847, %parallel_loop3A_894 : i32
          %parallel_loop3A_896 = arith.index_cast %parallel_loop3A_895 : i32 to index
          %parallel_loop3A_897 = tpu.vector_load %arg7[%parallel_loop3A_896] {strides = array<i32>} : memref<80640xf32, #tpu.memory_space<vmem>>, vector<16xf32>,
          %parallel_loop3A_898 = arith.maximumf %parallel_loop3A_878, %parallel_loop3A_897 : vector<16xf32>
          %parallel_loop3A_899 = arith.constant 176 : i32
          %parallel_loop3A_900 = arith.addi %parallel_loop3A_847, %parallel_loop3A_899 : i32
          %parallel_loop3A_901 = arith.index_cast %parallel_loop3A_900 : i32 to index
          %parallel_loop3A_902 = tpu.vector_load %arg7[%parallel_loop3A_901] {strides = array<i32>} : memref<80640xf32, #tpu.memory_space<vmem>>, vector<16xf32>,
          %parallel_loop3A_903 = arith.maximumf %parallel_loop3A_883, %parallel_loop3A_902 : vector<16xf32>
          %parallel_loop3A_904 = arith.constant 192 : i32
          %parallel_loop3A_905 = arith.addi %parallel_loop3A_847, %parallel_loop3A_904 : i32
          %parallel_loop3A_906 = arith.index_cast %parallel_loop3A_905 : i32 to index
          %parallel_loop3A_907 = tpu.vector_load %arg7[%parallel_loop3A_906] {strides = array<i32>} : memref<80640xf32, #tpu.memory_space<vmem>>, vector<16xf32>,
          %parallel_loop3A_908 = arith.maximumf %parallel_loop3A_888, %parallel_loop3A_907 : vector<16xf32>
          %parallel_loop3A_909 = arith.constant 208 : i32
          %parallel_loop3A_910 = arith.addi %parallel_loop3A_847, %parallel_loop3A_909 : i32
          %parallel_loop3A_911 = arith.index_cast %parallel_loop3A_910 : i32 to index
          %parallel_loop3A_912 = tpu.vector_load %arg7[%parallel_loop3A_911] {strides = array<i32>} : memref<80640xf32, #tpu.memory_space<vmem>>, vector<16xf32>,
          %parallel_loop3A_913 = arith.maximumf %parallel_loop3A_893, %parallel_loop3A_912 : vector<16xf32>
          %parallel_loop3A_914 = arith.constant 224 : i32
          %parallel_loop3A_915 = arith.addi %parallel_loop3A_847, %parallel_loop3A_914 : i32
          %parallel_loop3A_916 = arith.index_cast %parallel_loop3A_915 : i32 to index
          %parallel_loop3A_917 = tpu.vector_load %arg7[%parallel_loop3A_916] {strides = array<i32>} : memref<80640xf32, #tpu.memory_space<vmem>>, vector<16xf32>,
          %parallel_loop3A_918 = arith.maximumf %parallel_loop3A_898, %parallel_loop3A_917 : vector<16xf32>
          %parallel_loop3A_919 = arith.constant 240 : i32
          %parallel_loop3A_920 = arith.addi %parallel_loop3A_847, %parallel_loop3A_919 : i32
          %parallel_loop3A_921 = arith.index_cast %parallel_loop3A_920 : i32 to index
          %parallel_loop3A_922 = tpu.vector_load %arg7[%parallel_loop3A_921] {strides = array<i32>} : memref<80640xf32, #tpu.memory_space<vmem>>, vector<16xf32>,
          %parallel_loop3A_923 = arith.maximumf %parallel_loop3A_903, %parallel_loop3A_922 : vector<16xf32>
          %parallel_loop3A_924 = arith.constant 256 : i32
          %parallel_loop3A_925 = arith.addi %parallel_loop3A_847, %parallel_loop3A_924 : i32
          %parallel_loop3A_926 = arith.index_cast %parallel_loop3A_925 : i32 to index
          %parallel_loop3A_927 = tpu.vector_load %arg7[%parallel_loop3A_926] {strides = array<i32>} : memref<80640xf32, #tpu.memory_space<vmem>>, vector<16xf32>,
          %parallel_loop3A_928 = arith.maximumf %parallel_loop3A_908, %parallel_loop3A_927 : vector<16xf32>
          %parallel_loop3A_929 = arith.constant 272 : i32
          %parallel_loop3A_930 = arith.addi %parallel_loop3A_847, %parallel_loop3A_929 : i32
          %parallel_loop3A_931 = arith.index_cast %parallel_loop3A_930 : i32 to index
          %parallel_loop3A_932 = tpu.vector_load %arg7[%parallel_loop3A_931] {strides = array<i32>} : memref<80640xf32, #tpu.memory_space<vmem>>, vector<16xf32>,
          %parallel_loop3A_933 = arith.maximumf %parallel_loop3A_913, %parallel_loop3A_932 : vector<16xf32>
          %parallel_loop3A_934 = arith.constant 288 : i32
          %parallel_loop3A_935 = arith.addi %parallel_loop3A_847, %parallel_loop3A_934 : i32
          %parallel_loop3A_936 = arith.index_cast %parallel_loop3A_935 : i32 to index
          %parallel_loop3A_937 = tpu.vector_load %arg7[%parallel_loop3A_936] {strides = array<i32>} : memref<80640xf32, #tpu.memory_space<vmem>>, vector<16xf32>,
          %parallel_loop3A_938 = arith.maximumf %parallel_loop3A_918, %parallel_loop3A_937 : vector<16xf32>
          %parallel_loop3A_939 = arith.constant 304 : i32
          %parallel_loop3A_940 = arith.addi %parallel_loop3A_847, %parallel_loop3A_939 : i32
          %parallel_loop3A_941 = arith.index_cast %parallel_loop3A_940 : i32 to index
          %parallel_loop3A_942 = tpu.vector_load %arg7[%parallel_loop3A_941] {strides = array<i32>} : memref<80640xf32, #tpu.memory_space<vmem>>, vector<16xf32>,
          %parallel_loop3A_943 = arith.maximumf %parallel_loop3A_923, %parallel_loop3A_942 : vector<16xf32>
          %parallel_loop3A_944 = arith.constant 320 : i32
          %parallel_loop3A_945 = arith.addi %parallel_loop3A_847, %parallel_loop3A_944 : i32
          %parallel_loop3A_946 = arith.index_cast %parallel_loop3A_945 : i32 to index
          %parallel_loop3A_947 = tpu.vector_load %arg7[%parallel_loop3A_946] {strides = array<i32>} : memref<80640xf32, #tpu.memory_space<vmem>>, vector<16xf32>,
          %parallel_loop3A_948 = arith.maximumf %parallel_loop3A_928, %parallel_loop3A_947 : vector<16xf32>
          %parallel_loop3A_949 = arith.constant 336 : i32
          %parallel_loop3A_950 = arith.addi %parallel_loop3A_847, %parallel_loop3A_949 : i32
          %parallel_loop3A_951 = arith.index_cast %parallel_loop3A_950 : i32 to index
          %parallel_loop3A_952 = tpu.vector_load %arg7[%parallel_loop3A_951] {strides = array<i32>} : memref<80640xf32, #tpu.memory_space<vmem>>, vector<16xf32>,
          %parallel_loop3A_953 = arith.maximumf %parallel_loop3A_933, %parallel_loop3A_952 : vector<16xf32>
          %parallel_loop3A_954 = arith.constant 352 : i32
          %parallel_loop3A_955 = arith.addi %parallel_loop3A_847, %parallel_loop3A_954 : i32
          %parallel_loop3A_956 = arith.index_cast %parallel_loop3A_955 : i32 to index
          %parallel_loop3A_957 = tpu.vector_load %arg7[%parallel_loop3A_956] {strides = array<i32>} : memref<80640xf32, #tpu.memory_space<vmem>>, vector<16xf32>,
          %parallel_loop3A_958 = arith.maximumf %parallel_loop3A_938, %parallel_loop3A_957 : vector<16xf32>
          %parallel_loop3A_959 = arith.constant 368 : i32
          %parallel_loop3A_960 = arith.addi %parallel_loop3A_847, %parallel_loop3A_959 : i32
          %parallel_loop3A_961 = arith.index_cast %parallel_loop3A_960 : i32 to index
          %parallel_loop3A_962 = tpu.vector_load %arg7[%parallel_loop3A_961] {strides = array<i32>} : memref<80640xf32, #tpu.memory_space<vmem>>, vector<16xf32>,
          %parallel_loop3A_963 = arith.maximumf %parallel_loop3A_943, %parallel_loop3A_962 : vector<16xf32>
          %parallel_loop3A_964 = arith.maximumf %parallel_loop3A_948, %parallel_loop3A_953 : vector<16xf32>
          %parallel_loop3A_965 = arith.maximumf %parallel_loop3A_958, %parallel_loop3A_963 : vector<16xf32>
          %parallel_loop3A_966 = arith.maximumf %parallel_loop3A_964, %parallel_loop3A_965 : vector<16xf32>
          %parallel_loop3A_967 = arith.constant 16 : i32
          %parallel_loop3A_968 = arith.muli %parallel_loop3A_844, %parallel_loop3A_967 : i32
          %parallel_loop3A_969 = arith.index_cast %parallel_loop3A_968 : i32 to index
          %parallel_loop3A_970 = tpu.vector_load %arg10[%parallel_loop3A_969] {strides = array<i32>} : memref<672xf32, #tpu.memory_space<vmem>>, vector<16xf32>,
          tpu.vector_store %arg10[%parallel_loop3A_969], %parallel_loop3A_966 {strides = array<i32>} : memref<672xf32, #tpu.memory_space<vmem>>, vector<16xf32>,
          %parallel_loop3A_971 = arith.maximumf %parallel_loop3A_316, %parallel_loop3A_446 : vector<16xf32>
          %parallel_loop3A_972 = arith.maximumf %parallel_loop3A_971, %parallel_loop3A_576 : vector<16xf32>
          %parallel_loop3A_973 = arith.maximumf %parallel_loop3A_972, %parallel_loop3A_706 : vector<16xf32>
          %parallel_loop3A_974 = arith.maximumf %parallel_loop3A_973, %parallel_loop3A_836 : vector<16xf32>
          %parallel_loop3A_975 = arith.maximumf %parallel_loop3A_974, %parallel_loop3A_966 : vector<16xf32>
          %parallel_loop3A_976 = arith.constant 16 : i32
          %parallel_loop3A_977 = arith.muli %parallel_loop3A_189, %parallel_loop3A_976 : i32
          %parallel_loop3A_978 = arith.index_cast %parallel_loop3A_977 : i32 to index
          %parallel_loop3A_979 = tpu.vector_load %arg11[%parallel_loop3A_978] {strides = array<i32>} : memref<112xf32, #tpu.memory_space<vmem>>, vector<16xf32>,
          tpu.vector_store %arg11[%parallel_loop3A_978], %parallel_loop3A_975 {strides = array<i32>} : memref<112xf32, #tpu.memory_space<vmem>>, vector<16xf32>,
          %parallel_loop3A_980 = arith.maximumf %parallel_loop3A_190, %parallel_loop3A_975 : vector<16xf32>
          scf.yield %parallel_loop3A_980 : vector<16xf32>
        } {sc.loop_unroll_factor = 7 : i64, sc.parallel_access}
        %get3A_171 = arith.constant 0 : index
        %get3A_172 = tpu.vector_load %arg9[%get3A_171] {strides = array<i32>} : memref<16xf32, #tpu.memory_space<vmem>>, vector<16xf32>,
        %gt3A_173 = arith.cmpf ogt, %parallel_loop3A_170, %get3A_172 : vector<16xf32>
        %all_reduce_population_count3A_174 = tpu.all_reduce %gt3A_173 {dim = 0 : i64, kind = #tpu.reduction_kind<sum>} : vector<16xi1> -> vector<16xi32>
        %slice3A_175 = vector.extract_strided_slice %all_reduce_population_count3A_174 {offsets = [0], sizes = [1], strides = [1]} : vector<16xi32> to vector<1xi32>
        %squeeze3A_176 = vector.extract %slice3A_175[0] : i32 from vector<1xi32>
        %gt3A_177 = arith.constant 0 : i32
        %gt3A_178 = arith.cmpi sgt, %squeeze3A_176, %gt3A_177 : i32
        %convert_element_type3A_179 = arith.extui %gt3A_178 : i1 to i32
        %cond3A_180 = arith.constant 0 : i32
        %cond3A_181 = arith.cmpi ne, %convert_element_type3A_179, %cond3A_180 : i32
        scf.if %cond3A_181 {
          %scan3A_189 = arith.constant 0 : i32
          %scan3A_190 = arith.constant 0 : i32
          %scan3A_191 = arith.constant 7 : i32
          %scan3A_192 = arith.addi %scan3A_190, %scan3A_191 : i32
          %scan3A_193 = arith.constant 1 : i32
          scf.for %scan3A_195 = %scan3A_190 to %scan3A_192 step %scan3A_193  : i32 {
            %mul3A_196 = arith.constant 16 : i32
            %mul3A_197 = arith.muli %scan3A_195, %mul3A_196 : i32
            %get3A_198 = arith.index_cast %mul3A_197 : i32 to index
            %get3A_199 = tpu.vector_load %arg11[%get3A_198] {strides = array<i32>} : memref<112xf32, #tpu.memory_space<vmem>>, vector<16xf32>,
            %get3A_200 = arith.constant 0 : index
            %get3A_201 = tpu.vector_load %arg9[%get3A_200] {strides = array<i32>} : memref<16xf32, #tpu.memory_space<vmem>>, vector<16xf32>,
            %gt3A_202 = arith.cmpf ogt, %get3A_199, %get3A_201 : vector<16xf32>
            %all_reduce_population_count3A_203 = tpu.all_reduce %gt3A_202 {dim = 0 : i64, kind = #tpu.reduction_kind<sum>} : vector<16xi1> -> vector<16xi32>
            %slice3A_204 = vector.extract_strided_slice %all_reduce_population_count3A_203 {offsets = [0], sizes = [1], strides = [1]} : vector<16xi32> to vector<1xi32>
            %squeeze3A_205 = vector.extract %slice3A_204[0] : i32 from vector<1xi32>
            %gt3A_206 = arith.constant 0 : i32
            %gt3A_207 = arith.cmpi sgt, %squeeze3A_205, %gt3A_206 : i32
            %convert_element_type3A_208 = arith.extui %gt3A_207 : i1 to i32
            %cond3A_209 = arith.constant 0 : i32
            %cond3A_210 = arith.cmpi ne, %convert_element_type3A_208, %cond3A_209 : i32
            scf.if %cond3A_210 {
              %scan3A_211 = arith.constant 0 : i32
              %scan3A_212 = arith.constant 0 : i32
              %scan3A_213 = arith.constant 6 : i32
              %scan3A_214 = arith.addi %scan3A_212, %scan3A_213 : i32
              %scan3A_215 = arith.constant 1 : i32
              scf.for %scan3A_217 = %scan3A_212 to %scan3A_214 step %scan3A_215  : i32 {
                %mul3A_218 = arith.constant 6 : i32
                %mul3A_219 = arith.muli %scan3A_195, %mul3A_218 : i32
                %add3A_220 = arith.addi %mul3A_219, %scan3A_217 : i32
                %mul3A_221 = arith.constant 16 : i32
                %mul3A_222 = arith.muli %add3A_220, %mul3A_221 : i32
                %get3A_223 = arith.index_cast %mul3A_222 : i32 to index
                %get3A_224 = tpu.vector_load %arg10[%get3A_223] {strides = array<i32>} : memref<672xf32, #tpu.memory_space<vmem>>, vector<16xf32>,
                %get3A_225 = arith.constant 0 : index
                %get3A_226 = tpu.vector_load %arg9[%get3A_225] {strides = array<i32>} : memref<16xf32, #tpu.memory_space<vmem>>, vector<16xf32>,
                %gt3A_227 = arith.cmpf ogt, %get3A_224, %get3A_226 : vector<16xf32>
                %all_reduce_population_count3A_228 = tpu.all_reduce %gt3A_227 {dim = 0 : i64, kind = #tpu.reduction_kind<sum>} : vector<16xi1> -> vector<16xi32>
                %slice3A_229 = vector.extract_strided_slice %all_reduce_population_count3A_228 {offsets = [0], sizes = [1], strides = [1]} : vector<16xi32> to vector<1xi32>
                %squeeze3A_230 = vector.extract %slice3A_229[0] : i32 from vector<1xi32>
                %gt3A_231 = arith.constant 0 : i32
                %gt3A_232 = arith.cmpi sgt, %squeeze3A_230, %gt3A_231 : i32
                %convert_element_type3A_233 = arith.extui %gt3A_232 : i1 to i32
                %cond3A_234 = arith.constant 0 : i32
                %cond3A_235 = arith.cmpi ne, %convert_element_type3A_233, %cond3A_234 : i32
                scf.if %cond3A_235 {
                  %scan3A_236 = arith.constant 0 : i32
                  %scan3A_237 = arith.constant 0 : i32
                  %scan3A_238 = arith.constant 4 : i32
                  %scan3A_239 = arith.addi %scan3A_237, %scan3A_238 : i32
                  %scan3A_240 = arith.constant 1 : i32
                  scf.for %scan3A_242 = %scan3A_237 to %scan3A_239 step %scan3A_240  : i32 {
                    %mul3A_243 = arith.constant 384 : i32
                    %mul3A_244 = arith.muli %add3A_220, %mul3A_243 : i32
                    %add3A_245 = arith.addi %mul3A_165, %mul3A_244 : i32
                    %mul3A_246 = arith.constant 96 : i32
                    %mul3A_247 = arith.muli %scan3A_242, %mul3A_246 : i32
                    %add3A_248 = arith.addi %add3A_245, %mul3A_247 : i32
                    %get3A_249 = arith.index_cast %add3A_248 : i32 to index
                    %get3A_250 = tpu.vector_load %arg7[%get3A_249] {strides = array<i32>} : memref<80640xf32, #tpu.memory_space<vmem>>, vector<16xf32>,
                    %add3A_251 = arith.constant 16 : i32
                    %add3A_252 = arith.addi %add3A_248, %add3A_251 : i32
                    %get3A_253 = arith.index_cast %add3A_252 : i32 to index
                    %get3A_254 = tpu.vector_load %arg7[%get3A_253] {strides = array<i32>} : memref<80640xf32, #tpu.memory_space<vmem>>, vector<16xf32>,
                    %max3A_255 = arith.maximumf %get3A_250, %get3A_254 : vector<16xf32>
                    %add3A_256 = arith.constant 32 : i32
                    %add3A_257 = arith.addi %add3A_248, %add3A_256 : i32
                    %get3A_258 = arith.index_cast %add3A_257 : i32 to index
                    %get3A_259 = tpu.vector_load %arg7[%get3A_258] {strides = array<i32>} : memref<80640xf32, #tpu.memory_space<vmem>>, vector<16xf32>,
                    %max3A_260 = arith.maximumf %max3A_255, %get3A_259 : vector<16xf32>
                    %add3A_261 = arith.constant 48 : i32
                    %add3A_262 = arith.addi %add3A_248, %add3A_261 : i32
                    %get3A_263 = arith.index_cast %add3A_262 : i32 to index
                    %get3A_264 = tpu.vector_load %arg7[%get3A_263] {strides = array<i32>} : memref<80640xf32, #tpu.memory_space<vmem>>, vector<16xf32>,
                    %max3A_265 = arith.maximumf %max3A_260, %get3A_264 : vector<16xf32>
                    %add3A_266 = arith.constant 64 : i32
                    %add3A_267 = arith.addi %add3A_248, %add3A_266 : i32
                    %get3A_268 = arith.index_cast %add3A_267 : i32 to index
                    %get3A_269 = tpu.vector_load %arg7[%get3A_268] {strides = array<i32>} : memref<80640xf32, #tpu.memory_space<vmem>>, vector<16xf32>,
                    %max3A_270 = arith.maximumf %max3A_265, %get3A_269 : vector<16xf32>
                    %add3A_271 = arith.constant 80 : i32
                    %add3A_272 = arith.addi %add3A_248, %add3A_271 : i32
                    %get3A_273 = arith.index_cast %add3A_272 : i32 to index
                    %get3A_274 = tpu.vector_load %arg7[%get3A_273] {strides = array<i32>} : memref<80640xf32, #tpu.memory_space<vmem>>, vector<16xf32>,
                    %max3A_275 = arith.maximumf %max3A_270, %get3A_274 : vector<16xf32>
                    %get3A_276 = arith.constant 0 : index
                    %get3A_277 = tpu.vector_load %arg9[%get3A_276] {strides = array<i32>} : memref<16xf32, #tpu.memory_space<vmem>>, vector<16xf32>,
                    %gt3A_278 = arith.cmpf ogt, %max3A_275, %get3A_277 : vector<16xf32>
                    %all_reduce_population_count3A_279 = tpu.all_reduce %gt3A_278 {dim = 0 : i64, kind = #tpu.reduction_kind<sum>} : vector<16xi1> -> vector<16xi32>
                    %slice3A_280 = vector.extract_strided_slice %all_reduce_population_count3A_279 {offsets = [0], sizes = [1], strides = [1]} : vector<16xi32> to vector<1xi32>
                    %squeeze3A_281 = vector.extract %slice3A_280[0] : i32 from vector<1xi32>
                    %gt3A_282 = arith.constant 0 : i32
                    %gt3A_283 = arith.cmpi sgt, %squeeze3A_281, %gt3A_282 : i32
                    %convert_element_type3A_284 = arith.extui %gt3A_283 : i1 to i32
                    %cond3A_285 = arith.constant 0 : i32
                    %cond3A_286 = arith.cmpi ne, %convert_element_type3A_284, %cond3A_285 : i32
                    scf.if %cond3A_286 {
                      %scan3A_287 = arith.constant 0 : i32
                      %scan3A_288 = arith.constant 0 : i32
                      %scan3A_289 = arith.constant 6 : i32
                      %scan3A_290 = arith.addi %scan3A_288, %scan3A_289 : i32
                      %scan3A_291 = arith.constant 1 : i32
                      scf.for %scan3A_293 = %scan3A_288 to %scan3A_290 step %scan3A_291  : i32 {
                        %mul3A_294 = arith.constant 16 : i32
                        %mul3A_295 = arith.muli %scan3A_293, %mul3A_294 : i32
                        %add3A_296 = arith.addi %add3A_248, %mul3A_295 : i32
                        %get3A_297 = arith.index_cast %add3A_296 : i32 to index
                        %get3A_298 = tpu.vector_load %arg7[%get3A_297] {strides = array<i32>} : memref<80640xf32, #tpu.memory_space<vmem>>, vector<16xf32>,
                        %get3A_299 = arith.constant 0 : index
                        %get3A_300 = tpu.vector_load %arg8[%get3A_299] {strides = array<i32>} : memref<16xf32, #tpu.memory_space<vmem>>, vector<16xf32>,
                        %masked_sort3A = arith.constant dense<true> : vector<16xi1>
                        %masked_sort3A_301, %masked_sort3A_302, %masked_sort3A_303 = tpu.sort %get3A_298, %get3A_298 masked %masked_sort3A {descending = true} : (vector<16xf32>, vector<16xf32>, vector<16xi1>) -> (vector<16xi1>, vector<16xf32>, vector<16xf32>)
                        %rev3A = arith.constant 15 : i32
                        %rev3A_304 = vector.broadcast %rev3A : i32 to vector<16xi32>
                        %rev3A_305 = tpu.iota {dimensions = array<i32: 0>} : vector<16xi32>
                        %rev3A_306 = arith.subi %rev3A_304, %rev3A_305 : vector<16xi32>
                        %rev3A_307 = tpu.dynamic_gather %masked_sort3A_302[%rev3A_306] in [0] : vector<16xf32>, vector<16xi32> -> vector<16xf32>
                        %max3A_308 = arith.maximumf %get3A_300, %rev3A_307 : vector<16xf32>
                        %masked_sort3A_309 = arith.constant dense<true> : vector<16xi1>
                        %masked_sort3A_310, %masked_sort3A_311, %masked_sort3A_312 = tpu.sort %max3A_308, %max3A_308 masked %masked_sort3A_309 {descending = true} : (vector<16xf32>, vector<16xf32>, vector<16xi1>) -> (vector<16xi1>, vector<16xf32>, vector<16xf32>)
                        %swap3A_313 = arith.constant 0 : index
                        %swap3A_314 = tpu.vector_load %arg8[%swap3A_313] {strides = array<i32>} : memref<16xf32, #tpu.memory_space<vmem>>, vector<16xf32>,
                        tpu.vector_store %arg8[%swap3A_313], %masked_sort3A_311 {strides = array<i32>} : memref<16xf32, #tpu.memory_space<vmem>>, vector<16xf32>,
                        %broadcast_in_dim3A_315 = arith.constant 9 : i32
                        %broadcast_in_dim3A_316 = vector.broadcast %broadcast_in_dim3A_315 : i32 to vector<16xi32>
                        %lt3A_317 = arith.constant 0 : i32
                        %lt3A_318 = vector.broadcast %lt3A_317 : i32 to vector<16xi32>
                        %lt3A_319 = arith.cmpi slt, %broadcast_in_dim3A_316, %lt3A_318 : vector<16xi32>
                        %add3A_320 = arith.constant 16 : i32
                        %add3A_321 = vector.broadcast %add3A_320 : i32 to vector<16xi32>
                        %add3A_322 = arith.addi %broadcast_in_dim3A_316, %add3A_321 : vector<16xi32>
                        %select_n3A_323 = arith.select %lt3A_319, %add3A_322, %broadcast_in_dim3A_316 : vector<16xi1>, vector<16xi32>
                        %broadcast_in_dim3A_324 = vector.shape_cast %select_n3A_323 : vector<16xi32> to vector<16x1xi32>
                        %gather3A = vector.shape_cast %broadcast_in_dim3A_324 : vector<16x1xi32> to vector<16xi32>
                        %gather3A_325 = tpu.dynamic_gather %masked_sort3A_311[%gather3A] in [0] : vector<16xf32>, vector<16xi32> -> vector<16xf32>
                        %swap3A_326 = arith.constant 0 : index
                        %swap3A_327 = tpu.vector_load %arg9[%swap3A_326] {strides = array<i32>} : memref<16xf32, #tpu.memory_space<vmem>>, vector<16xf32>,
                        tpu.vector_store %arg9[%swap3A_326], %gather3A_325 {strides = array<i32>} : memref<16xf32, #tpu.memory_space<vmem>>, vector<16xf32>,
                      }
                      %scan3A_292 = arith.constant 6 : i32
                    } else {
                    }
                  }
                  %scan3A_241 = arith.constant 4 : i32
                } else {
                }
              }
              %scan3A_216 = arith.constant 6 : i32
            } else {
            }
          }
          %scan3A_194 = arith.constant 7 : i32
        } else {
        }
        %add3A_182 = arith.constant 5 : i32
        %add3A_183 = arith.addi %scan3A_122, %add3A_182 : i32
        %lt3A_184 = arith.constant 62 : i32
        %lt3A_185 = arith.cmpi slt, %add3A_183, %lt3A_184 : i32
        %convert_element_type3A_186 = arith.extui %lt3A_185 : i1 to i32
        %cond3A_187 = arith.constant 0 : i32
        %cond3A_188 = arith.cmpi ne, %convert_element_type3A_186, %cond3A_187 : i32
        scf.if %cond3A_188 {
          %eq3A_189 = arith.constant 0 : i32
          %eq3A_190 = arith.cmpi eq, %select_n3A_138, %eq3A_189 : i32
          %convert_element_type3A_191 = arith.extui %eq3A_190 : i1 to i32
          %cond3A_192 = arith.constant 0 : i32
          %cond3A_193 = arith.cmpi ne, %convert_element_type3A_191, %cond3A_192 : i32
          scf.if %cond3A_193 {
            %convert_element_type3A_214 = arith.extui %lt3A_20 : i1 to i32
            %cond3A_215 = arith.constant 0 : i32
            %cond3A_216 = arith.cmpi ne, %convert_element_type3A_214, %cond3A_215 : i32
            scf.if %cond3A_216 {
              %add3A_222 = arith.constant 5 : i32
              %add3A_223 = arith.addi %scan3A_122, %add3A_222 : i32
              %mul3A_224 = arith.constant 16128 : i32
              %mul3A_225 = arith.muli %add3A_223, %mul3A_224 : i32
              %dma_start3A = arith.constant 0 : i32
              %dma_start3A_226 = tpu.memref_slice %arg7[%dma_start3A] : memref<80640xf32, #tpu.memory_space<vmem>> -> memref<16128xf32, #tpu.memory_space<vmem>>
              %dma_start3A_227 = tpu.memref_slice %arg2[%add3A_18, %mul3A_225] : memref<64x1000000xf32, #tpu.memory_space<hbm>> -> memref<1x16128xf32, #tpu.memory_space<hbm>>
              %dma_start3A_228 = tpu.memref_squeeze %dma_start3A_227 : memref<1x16128xf32, #tpu.memory_space<hbm>> -> memref<16128xf32, #tpu.memory_space<hbm>>
              %dma_start3A_229 = arith.constant 0 : i32
              %dma_start3A_230 = tpu.memref_slice %arg7[%dma_start3A_229] : memref<80640xf32, #tpu.memory_space<vmem>> -> memref<16128xf32, #tpu.memory_space<vmem>>
              %dma_start3A_231 = tpu.memref_slice %arg2[%add3A_18, %mul3A_225] : memref<64x1000000xf32, #tpu.memory_space<hbm>> -> memref<1x16128xf32, #tpu.memory_space<hbm>>
              %dma_start3A_232 = tpu.memref_squeeze %dma_start3A_231 : memref<1x16128xf32, #tpu.memory_space<hbm>> -> memref<16128xf32, #tpu.memory_space<hbm>>
              tpu.enqueue_dma source(%dma_start3A_232 : memref<16128xf32, #tpu.memory_space<hbm>>) target(%dma_start3A_230 : memref<16128xf32, #tpu.memory_space<vmem>>) target_semaphore(%arg12 : memref<!tpu.dma_semaphore, #tpu.memory_space<semaphore_mem>>)
            } else {
            }
            %not3A_217 = arith.constant true
            %not3A_218 = arith.xori %lt3A_20, %not3A_217 : i1
            %convert_element_type3A_219 = arith.extui %not3A_218 : i1 to i32
            %cond3A_220 = arith.constant 0 : i32
            %cond3A_221 = arith.cmpi ne, %convert_element_type3A_219, %cond3A_220 : i32
            scf.if %cond3A_221 {
              %add3A_222 = arith.constant 5 : i32
              %add3A_223 = arith.addi %scan3A_122, %add3A_222 : i32
              %mul3A_224 = arith.constant 16128 : i32
              %mul3A_225 = arith.muli %add3A_223, %mul3A_224 : i32
              %dma_start3A = arith.constant 0 : i32
              %dma_start3A_226 = tpu.memref_slice %arg7[%dma_start3A] : memref<80640xf32, #tpu.memory_space<vmem>> -> memref<16128xf32, #tpu.memory_space<vmem>>
              %dma_start3A_227 = tpu.memref_slice %arg3[%add3A_18, %mul3A_225] : memref<64x1000000xf32, #tpu.memory_space<hbm>> -> memref<1x16128xf32, #tpu.memory_space<hbm>>
              %dma_start3A_228 = tpu.memref_squeeze %dma_start3A_227 : memref<1x16128xf32, #tpu.memory_space<hbm>> -> memref<16128xf32, #tpu.memory_space<hbm>>
              %dma_start3A_229 = arith.constant 0 : i32
              %dma_start3A_230 = tpu.memref_slice %arg7[%dma_start3A_229] : memref<80640xf32, #tpu.memory_space<vmem>> -> memref<16128xf32, #tpu.memory_space<vmem>>
              %dma_start3A_231 = tpu.memref_slice %arg3[%add3A_18, %mul3A_225] : memref<64x1000000xf32, #tpu.memory_space<hbm>> -> memref<1x16128xf32, #tpu.memory_space<hbm>>
              %dma_start3A_232 = tpu.memref_squeeze %dma_start3A_231 : memref<1x16128xf32, #tpu.memory_space<hbm>> -> memref<16128xf32, #tpu.memory_space<hbm>>
              tpu.enqueue_dma source(%dma_start3A_232 : memref<16128xf32, #tpu.memory_space<hbm>>) target(%dma_start3A_230 : memref<16128xf32, #tpu.memory_space<vmem>>) target_semaphore(%arg12 : memref<!tpu.dma_semaphore, #tpu.memory_space<semaphore_mem>>)
            } else {
            }
          } else {
          }
          %eq3A_194 = arith.constant 1 : i32
          %eq3A_195 = arith.cmpi eq, %select_n3A_138, %eq3A_194 : i32
          %convert_element_type3A_196 = arith.extui %eq3A_195 : i1 to i32
          %cond3A_197 = arith.constant 0 : i32
          %cond3A_198 = arith.cmpi ne, %convert_element_type3A_196, %cond3A_197 : i32
          scf.if %cond3A_198 {
            %convert_element_type3A_214 = arith.extui %lt3A_20 : i1 to i32
            %cond3A_215 = arith.constant 0 : i32
            %cond3A_216 = arith.cmpi ne, %convert_element_type3A_214, %cond3A_215 : i32
            scf.if %cond3A_216 {
              %add3A_222 = arith.constant 5 : i32
              %add3A_223 = arith.addi %scan3A_122, %add3A_222 : i32
              %mul3A_224 = arith.constant 16128 : i32
              %mul3A_225 = arith.muli %add3A_223, %mul3A_224 : i32
              %dma_start3A = arith.constant 16128 : i32
              %dma_start3A_226 = tpu.memref_slice %arg7[%dma_start3A] : memref<80640xf32, #tpu.memory_space<vmem>> -> memref<16128xf32, #tpu.memory_space<vmem>>
              %dma_start3A_227 = tpu.memref_slice %arg2[%add3A_18, %mul3A_225] : memref<64x1000000xf32, #tpu.memory_space<hbm>> -> memref<1x16128xf32, #tpu.memory_space<hbm>>
              %dma_start3A_228 = tpu.memref_squeeze %dma_start3A_227 : memref<1x16128xf32, #tpu.memory_space<hbm>> -> memref<16128xf32, #tpu.memory_space<hbm>>
              %dma_start3A_229 = arith.constant 16128 : i32
              %dma_start3A_230 = tpu.memref_slice %arg7[%dma_start3A_229] : memref<80640xf32, #tpu.memory_space<vmem>> -> memref<16128xf32, #tpu.memory_space<vmem>>
              %dma_start3A_231 = tpu.memref_slice %arg2[%add3A_18, %mul3A_225] : memref<64x1000000xf32, #tpu.memory_space<hbm>> -> memref<1x16128xf32, #tpu.memory_space<hbm>>
              %dma_start3A_232 = tpu.memref_squeeze %dma_start3A_231 : memref<1x16128xf32, #tpu.memory_space<hbm>> -> memref<16128xf32, #tpu.memory_space<hbm>>
              tpu.enqueue_dma source(%dma_start3A_232 : memref<16128xf32, #tpu.memory_space<hbm>>) target(%dma_start3A_230 : memref<16128xf32, #tpu.memory_space<vmem>>) target_semaphore(%arg13 : memref<!tpu.dma_semaphore, #tpu.memory_space<semaphore_mem>>)
            } else {
            }
            %not3A_217 = arith.constant true
            %not3A_218 = arith.xori %lt3A_20, %not3A_217 : i1
            %convert_element_type3A_219 = arith.extui %not3A_218 : i1 to i32
            %cond3A_220 = arith.constant 0 : i32
            %cond3A_221 = arith.cmpi ne, %convert_element_type3A_219, %cond3A_220 : i32
            scf.if %cond3A_221 {
              %add3A_222 = arith.constant 5 : i32
              %add3A_223 = arith.addi %scan3A_122, %add3A_222 : i32
              %mul3A_224 = arith.constant 16128 : i32
              %mul3A_225 = arith.muli %add3A_223, %mul3A_224 : i32
              %dma_start3A = arith.constant 16128 : i32
              %dma_start3A_226 = tpu.memref_slice %arg7[%dma_start3A] : memref<80640xf32, #tpu.memory_space<vmem>> -> memref<16128xf32, #tpu.memory_space<vmem>>
              %dma_start3A_227 = tpu.memref_slice %arg3[%add3A_18, %mul3A_225] : memref<64x1000000xf32, #tpu.memory_space<hbm>> -> memref<1x16128xf32, #tpu.memory_space<hbm>>
              %dma_start3A_228 = tpu.memref_squeeze %dma_start3A_227 : memref<1x16128xf32, #tpu.memory_space<hbm>> -> memref<16128xf32, #tpu.memory_space<hbm>>
              %dma_start3A_229 = arith.constant 16128 : i32
              %dma_start3A_230 = tpu.memref_slice %arg7[%dma_start3A_229] : memref<80640xf32, #tpu.memory_space<vmem>> -> memref<16128xf32, #tpu.memory_space<vmem>>
              %dma_start3A_231 = tpu.memref_slice %arg3[%add3A_18, %mul3A_225] : memref<64x1000000xf32, #tpu.memory_space<hbm>> -> memref<1x16128xf32, #tpu.memory_space<hbm>>
              %dma_start3A_232 = tpu.memref_squeeze %dma_start3A_231 : memref<1x16128xf32, #tpu.memory_space<hbm>> -> memref<16128xf32, #tpu.memory_space<hbm>>
              tpu.enqueue_dma source(%dma_start3A_232 : memref<16128xf32, #tpu.memory_space<hbm>>) target(%dma_start3A_230 : memref<16128xf32, #tpu.memory_space<vmem>>) target_semaphore(%arg13 : memref<!tpu.dma_semaphore, #tpu.memory_space<semaphore_mem>>)
            } else {
            }
          } else {
          }
          %eq3A_199 = arith.constant 2 : i32
          %eq3A_200 = arith.cmpi eq, %select_n3A_138, %eq3A_199 : i32
          %convert_element_type3A_201 = arith.extui %eq3A_200 : i1 to i32
          %cond3A_202 = arith.constant 0 : i32
          %cond3A_203 = arith.cmpi ne, %convert_element_type3A_201, %cond3A_202 : i32
          scf.if %cond3A_203 {
            %convert_element_type3A_214 = arith.extui %lt3A_20 : i1 to i32
            %cond3A_215 = arith.constant 0 : i32
            %cond3A_216 = arith.cmpi ne, %convert_element_type3A_214, %cond3A_215 : i32
            scf.if %cond3A_216 {
              %add3A_222 = arith.constant 5 : i32
              %add3A_223 = arith.addi %scan3A_122, %add3A_222 : i32
              %mul3A_224 = arith.constant 16128 : i32
              %mul3A_225 = arith.muli %add3A_223, %mul3A_224 : i32
              %dma_start3A = arith.constant 32256 : i32
              %dma_start3A_226 = tpu.memref_slice %arg7[%dma_start3A] : memref<80640xf32, #tpu.memory_space<vmem>> -> memref<16128xf32, #tpu.memory_space<vmem>>
              %dma_start3A_227 = tpu.memref_slice %arg2[%add3A_18, %mul3A_225] : memref<64x1000000xf32, #tpu.memory_space<hbm>> -> memref<1x16128xf32, #tpu.memory_space<hbm>>
              %dma_start3A_228 = tpu.memref_squeeze %dma_start3A_227 : memref<1x16128xf32, #tpu.memory_space<hbm>> -> memref<16128xf32, #tpu.memory_space<hbm>>
              %dma_start3A_229 = arith.constant 32256 : i32
              %dma_start3A_230 = tpu.memref_slice %arg7[%dma_start3A_229] : memref<80640xf32, #tpu.memory_space<vmem>> -> memref<16128xf32, #tpu.memory_space<vmem>>
              %dma_start3A_231 = tpu.memref_slice %arg2[%add3A_18, %mul3A_225] : memref<64x1000000xf32, #tpu.memory_space<hbm>> -> memref<1x16128xf32, #tpu.memory_space<hbm>>
              %dma_start3A_232 = tpu.memref_squeeze %dma_start3A_231 : memref<1x16128xf32, #tpu.memory_space<hbm>> -> memref<16128xf32, #tpu.memory_space<hbm>>
              tpu.enqueue_dma source(%dma_start3A_232 : memref<16128xf32, #tpu.memory_space<hbm>>) target(%dma_start3A_230 : memref<16128xf32, #tpu.memory_space<vmem>>) target_semaphore(%arg14 : memref<!tpu.dma_semaphore, #tpu.memory_space<semaphore_mem>>)
            } else {
            }
            %not3A_217 = arith.constant true
            %not3A_218 = arith.xori %lt3A_20, %not3A_217 : i1
            %convert_element_type3A_219 = arith.extui %not3A_218 : i1 to i32
            %cond3A_220 = arith.constant 0 : i32
            %cond3A_221 = arith.cmpi ne, %convert_element_type3A_219, %cond3A_220 : i32
            scf.if %cond3A_221 {
              %add3A_222 = arith.constant 5 : i32
              %add3A_223 = arith.addi %scan3A_122, %add3A_222 : i32
              %mul3A_224 = arith.constant 16128 : i32
              %mul3A_225 = arith.muli %add3A_223, %mul3A_224 : i32
              %dma_start3A = arith.constant 32256 : i32
              %dma_start3A_226 = tpu.memref_slice %arg7[%dma_start3A] : memref<80640xf32, #tpu.memory_space<vmem>> -> memref<16128xf32, #tpu.memory_space<vmem>>
              %dma_start3A_227 = tpu.memref_slice %arg3[%add3A_18, %mul3A_225] : memref<64x1000000xf32, #tpu.memory_space<hbm>> -> memref<1x16128xf32, #tpu.memory_space<hbm>>
              %dma_start3A_228 = tpu.memref_squeeze %dma_start3A_227 : memref<1x16128xf32, #tpu.memory_space<hbm>> -> memref<16128xf32, #tpu.memory_space<hbm>>
              %dma_start3A_229 = arith.constant 32256 : i32
              %dma_start3A_230 = tpu.memref_slice %arg7[%dma_start3A_229] : memref<80640xf32, #tpu.memory_space<vmem>> -> memref<16128xf32, #tpu.memory_space<vmem>>
              %dma_start3A_231 = tpu.memref_slice %arg3[%add3A_18, %mul3A_225] : memref<64x1000000xf32, #tpu.memory_space<hbm>> -> memref<1x16128xf32, #tpu.memory_space<hbm>>
              %dma_start3A_232 = tpu.memref_squeeze %dma_start3A_231 : memref<1x16128xf32, #tpu.memory_space<hbm>> -> memref<16128xf32, #tpu.memory_space<hbm>>
              tpu.enqueue_dma source(%dma_start3A_232 : memref<16128xf32, #tpu.memory_space<hbm>>) target(%dma_start3A_230 : memref<16128xf32, #tpu.memory_space<vmem>>) target_semaphore(%arg14 : memref<!tpu.dma_semaphore, #tpu.memory_space<semaphore_mem>>)
            } else {
            }
          } else {
          }
          %eq3A_204 = arith.constant 3 : i32
          %eq3A_205 = arith.cmpi eq, %select_n3A_138, %eq3A_204 : i32
          %convert_element_type3A_206 = arith.extui %eq3A_205 : i1 to i32
          %cond3A_207 = arith.constant 0 : i32
          %cond3A_208 = arith.cmpi ne, %convert_element_type3A_206, %cond3A_207 : i32
          scf.if %cond3A_208 {
            %convert_element_type3A_214 = arith.extui %lt3A_20 : i1 to i32
            %cond3A_215 = arith.constant 0 : i32
            %cond3A_216 = arith.cmpi ne, %convert_element_type3A_214, %cond3A_215 : i32
            scf.if %cond3A_216 {
              %add3A_222 = arith.constant 5 : i32
              %add3A_223 = arith.addi %scan3A_122, %add3A_222 : i32
              %mul3A_224 = arith.constant 16128 : i32
              %mul3A_225 = arith.muli %add3A_223, %mul3A_224 : i32
              %dma_start3A = arith.constant 48384 : i32
              %dma_start3A_226 = tpu.memref_slice %arg7[%dma_start3A] : memref<80640xf32, #tpu.memory_space<vmem>> -> memref<16128xf32, #tpu.memory_space<vmem>>
              %dma_start3A_227 = tpu.memref_slice %arg2[%add3A_18, %mul3A_225] : memref<64x1000000xf32, #tpu.memory_space<hbm>> -> memref<1x16128xf32, #tpu.memory_space<hbm>>
              %dma_start3A_228 = tpu.memref_squeeze %dma_start3A_227 : memref<1x16128xf32, #tpu.memory_space<hbm>> -> memref<16128xf32, #tpu.memory_space<hbm>>
              %dma_start3A_229 = arith.constant 48384 : i32
              %dma_start3A_230 = tpu.memref_slice %arg7[%dma_start3A_229] : memref<80640xf32, #tpu.memory_space<vmem>> -> memref<16128xf32, #tpu.memory_space<vmem>>
              %dma_start3A_231 = tpu.memref_slice %arg2[%add3A_18, %mul3A_225] : memref<64x1000000xf32, #tpu.memory_space<hbm>> -> memref<1x16128xf32, #tpu.memory_space<hbm>>
              %dma_start3A_232 = tpu.memref_squeeze %dma_start3A_231 : memref<1x16128xf32, #tpu.memory_space<hbm>> -> memref<16128xf32, #tpu.memory_space<hbm>>
              tpu.enqueue_dma source(%dma_start3A_232 : memref<16128xf32, #tpu.memory_space<hbm>>) target(%dma_start3A_230 : memref<16128xf32, #tpu.memory_space<vmem>>) target_semaphore(%arg15 : memref<!tpu.dma_semaphore, #tpu.memory_space<semaphore_mem>>)
            } else {
            }
            %not3A_217 = arith.constant true
            %not3A_218 = arith.xori %lt3A_20, %not3A_217 : i1
            %convert_element_type3A_219 = arith.extui %not3A_218 : i1 to i32
            %cond3A_220 = arith.constant 0 : i32
            %cond3A_221 = arith.cmpi ne, %convert_element_type3A_219, %cond3A_220 : i32
            scf.if %cond3A_221 {
              %add3A_222 = arith.constant 5 : i32
              %add3A_223 = arith.addi %scan3A_122, %add3A_222 : i32
              %mul3A_224 = arith.constant 16128 : i32
              %mul3A_225 = arith.muli %add3A_223, %mul3A_224 : i32
              %dma_start3A = arith.constant 48384 : i32
              %dma_start3A_226 = tpu.memref_slice %arg7[%dma_start3A] : memref<80640xf32, #tpu.memory_space<vmem>> -> memref<16128xf32, #tpu.memory_space<vmem>>
              %dma_start3A_227 = tpu.memref_slice %arg3[%add3A_18, %mul3A_225] : memref<64x1000000xf32, #tpu.memory_space<hbm>> -> memref<1x16128xf32, #tpu.memory_space<hbm>>
              %dma_start3A_228 = tpu.memref_squeeze %dma_start3A_227 : memref<1x16128xf32, #tpu.memory_space<hbm>> -> memref<16128xf32, #tpu.memory_space<hbm>>
              %dma_start3A_229 = arith.constant 48384 : i32
              %dma_start3A_230 = tpu.memref_slice %arg7[%dma_start3A_229] : memref<80640xf32, #tpu.memory_space<vmem>> -> memref<16128xf32, #tpu.memory_space<vmem>>
              %dma_start3A_231 = tpu.memref_slice %arg3[%add3A_18, %mul3A_225] : memref<64x1000000xf32, #tpu.memory_space<hbm>> -> memref<1x16128xf32, #tpu.memory_space<hbm>>
              %dma_start3A_232 = tpu.memref_squeeze %dma_start3A_231 : memref<1x16128xf32, #tpu.memory_space<hbm>> -> memref<16128xf32, #tpu.memory_space<hbm>>
              tpu.enqueue_dma source(%dma_start3A_232 : memref<16128xf32, #tpu.memory_space<hbm>>) target(%dma_start3A_230 : memref<16128xf32, #tpu.memory_space<vmem>>) target_semaphore(%arg15 : memref<!tpu.dma_semaphore, #tpu.memory_space<semaphore_mem>>)
            } else {
            }
          } else {
          }
          %eq3A_209 = arith.constant 4 : i32
          %eq3A_210 = arith.cmpi eq, %select_n3A_138, %eq3A_209 : i32
          %convert_element_type3A_211 = arith.extui %eq3A_210 : i1 to i32
          %cond3A_212 = arith.constant 0 : i32
          %cond3A_213 = arith.cmpi ne, %convert_element_type3A_211, %cond3A_212 : i32
          scf.if %cond3A_213 {
            %convert_element_type3A_214 = arith.extui %lt3A_20 : i1 to i32
            %cond3A_215 = arith.constant 0 : i32
            %cond3A_216 = arith.cmpi ne, %convert_element_type3A_214, %cond3A_215 : i32
            scf.if %cond3A_216 {
              %add3A_222 = arith.constant 5 : i32
              %add3A_223 = arith.addi %scan3A_122, %add3A_222 : i32
              %mul3A_224 = arith.constant 16128 : i32
              %mul3A_225 = arith.muli %add3A_223, %mul3A_224 : i32
              %dma_start3A = arith.constant 64512 : i32
              %dma_start3A_226 = tpu.memref_slice %arg7[%dma_start3A] : memref<80640xf32, #tpu.memory_space<vmem>> -> memref<16128xf32, #tpu.memory_space<vmem>>
              %dma_start3A_227 = tpu.memref_slice %arg2[%add3A_18, %mul3A_225] : memref<64x1000000xf32, #tpu.memory_space<hbm>> -> memref<1x16128xf32, #tpu.memory_space<hbm>>
              %dma_start3A_228 = tpu.memref_squeeze %dma_start3A_227 : memref<1x16128xf32, #tpu.memory_space<hbm>> -> memref<16128xf32, #tpu.memory_space<hbm>>
              %dma_start3A_229 = arith.constant 64512 : i32
              %dma_start3A_230 = tpu.memref_slice %arg7[%dma_start3A_229] : memref<80640xf32, #tpu.memory_space<vmem>> -> memref<16128xf32, #tpu.memory_space<vmem>>
              %dma_start3A_231 = tpu.memref_slice %arg2[%add3A_18, %mul3A_225] : memref<64x1000000xf32, #tpu.memory_space<hbm>> -> memref<1x16128xf32, #tpu.memory_space<hbm>>
              %dma_start3A_232 = tpu.memref_squeeze %dma_start3A_231 : memref<1x16128xf32, #tpu.memory_space<hbm>> -> memref<16128xf32, #tpu.memory_space<hbm>>
              tpu.enqueue_dma source(%dma_start3A_232 : memref<16128xf32, #tpu.memory_space<hbm>>) target(%dma_start3A_230 : memref<16128xf32, #tpu.memory_space<vmem>>) target_semaphore(%arg16 : memref<!tpu.dma_semaphore, #tpu.memory_space<semaphore_mem>>)
            } else {
            }
            %not3A_217 = arith.constant true
            %not3A_218 = arith.xori %lt3A_20, %not3A_217 : i1
            %convert_element_type3A_219 = arith.extui %not3A_218 : i1 to i32
            %cond3A_220 = arith.constant 0 : i32
            %cond3A_221 = arith.cmpi ne, %convert_element_type3A_219, %cond3A_220 : i32
            scf.if %cond3A_221 {
              %add3A_222 = arith.constant 5 : i32
              %add3A_223 = arith.addi %scan3A_122, %add3A_222 : i32
              %mul3A_224 = arith.constant 16128 : i32
              %mul3A_225 = arith.muli %add3A_223, %mul3A_224 : i32
              %dma_start3A = arith.constant 64512 : i32
              %dma_start3A_226 = tpu.memref_slice %arg7[%dma_start3A] : memref<80640xf32, #tpu.memory_space<vmem>> -> memref<16128xf32, #tpu.memory_space<vmem>>
              %dma_start3A_227 = tpu.memref_slice %arg3[%add3A_18, %mul3A_225] : memref<64x1000000xf32, #tpu.memory_space<hbm>> -> memref<1x16128xf32, #tpu.memory_space<hbm>>
              %dma_start3A_228 = tpu.memref_squeeze %dma_start3A_227 : memref<1x16128xf32, #tpu.memory_space<hbm>> -> memref<16128xf32, #tpu.memory_space<hbm>>
              %dma_start3A_229 = arith.constant 64512 : i32
              %dma_start3A_230 = tpu.memref_slice %arg7[%dma_start3A_229] : memref<80640xf32, #tpu.memory_space<vmem>> -> memref<16128xf32, #tpu.memory_space<vmem>>
              %dma_start3A_231 = tpu.memref_slice %arg3[%add3A_18, %mul3A_225] : memref<64x1000000xf32, #tpu.memory_space<hbm>> -> memref<1x16128xf32, #tpu.memory_space<hbm>>
              %dma_start3A_232 = tpu.memref_squeeze %dma_start3A_231 : memref<1x16128xf32, #tpu.memory_space<hbm>> -> memref<16128xf32, #tpu.memory_space<hbm>>
              tpu.enqueue_dma source(%dma_start3A_232 : memref<16128xf32, #tpu.memory_space<hbm>>) target(%dma_start3A_230 : memref<16128xf32, #tpu.memory_space<vmem>>) target_semaphore(%arg16 : memref<!tpu.dma_semaphore, #tpu.memory_space<semaphore_mem>>)
            } else {
            }
          } else {
          }
        } else {
        }
      }
      %scan3A_69 = arith.constant 62 : i32
      %convert_element_type3A_70 = arith.extui %lt3A_20 : i1 to i32
      %cond3A_71 = arith.constant 0 : i32
      %cond3A_72 = arith.cmpi ne, %convert_element_type3A_70, %cond3A_71 : i32
      scf.if %cond3A_72 {
        %dma_start3A = arith.constant 0 : i32
        %dma_start3A_122 = tpu.memref_slice %arg7[%dma_start3A] : memref<80640xf32, #tpu.memory_space<vmem>> -> memref<128xf32, #tpu.memory_space<vmem>>
        %dma_start3A_123 = arith.constant 0 : i32
        %dma_start3A_124 = tpu.memref_slice %arg4[%add3A_18, %dma_start3A_123] : memref<64x128xf32, #tpu.memory_space<hbm>> -> memref<1x128xf32, #tpu.memory_space<hbm>>
        %dma_start3A_125 = tpu.memref_squeeze %dma_start3A_124 : memref<1x128xf32, #tpu.memory_space<hbm>> -> memref<128xf32, #tpu.memory_space<hbm>>
        %dma_start3A_126 = arith.constant 0 : i32
        %dma_start3A_127 = tpu.memref_slice %arg7[%dma_start3A_126] : memref<80640xf32, #tpu.memory_space<vmem>> -> memref<128xf32, #tpu.memory_space<vmem>>
        %dma_start3A_128 = arith.constant 0 : i32
        %dma_start3A_129 = tpu.memref_slice %arg4[%add3A_18, %dma_start3A_128] : memref<64x128xf32, #tpu.memory_space<hbm>> -> memref<1x128xf32, #tpu.memory_space<hbm>>
        %dma_start3A_130 = tpu.memref_squeeze %dma_start3A_129 : memref<1x128xf32, #tpu.memory_space<hbm>> -> memref<128xf32, #tpu.memory_space<hbm>>
        tpu.enqueue_dma source(%dma_start3A_130 : memref<128xf32, #tpu.memory_space<hbm>>) target(%dma_start3A_127 : memref<128xf32, #tpu.memory_space<vmem>>) target_semaphore(%arg12 : memref<!tpu.dma_semaphore, #tpu.memory_space<semaphore_mem>>)
      } else {
      }
      %not3A_73 = arith.constant true
      %not3A_74 = arith.xori %lt3A_20, %not3A_73 : i1
      %convert_element_type3A_75 = arith.extui %not3A_74 : i1 to i32
      %cond3A_76 = arith.constant 0 : i32
      %cond3A_77 = arith.cmpi ne, %convert_element_type3A_75, %cond3A_76 : i32
      scf.if %cond3A_77 {
        %dma_start3A = arith.constant 0 : i32
        %dma_start3A_122 = tpu.memref_slice %arg7[%dma_start3A] : memref<80640xf32, #tpu.memory_space<vmem>> -> memref<128xf32, #tpu.memory_space<vmem>>
        %dma_start3A_123 = arith.constant 0 : i32
        %dma_start3A_124 = tpu.memref_slice %arg5[%add3A_18, %dma_start3A_123] : memref<64x128xf32, #tpu.memory_space<hbm>> -> memref<1x128xf32, #tpu.memory_space<hbm>>
        %dma_start3A_125 = tpu.memref_squeeze %dma_start3A_124 : memref<1x128xf32, #tpu.memory_space<hbm>> -> memref<128xf32, #tpu.memory_space<hbm>>
        %dma_start3A_126 = arith.constant 0 : i32
        %dma_start3A_127 = tpu.memref_slice %arg7[%dma_start3A_126] : memref<80640xf32, #tpu.memory_space<vmem>> -> memref<128xf32, #tpu.memory_space<vmem>>
        %dma_start3A_128 = arith.constant 0 : i32
        %dma_start3A_129 = tpu.memref_slice %arg5[%add3A_18, %dma_start3A_128] : memref<64x128xf32, #tpu.memory_space<hbm>> -> memref<1x128xf32, #tpu.memory_space<hbm>>
        %dma_start3A_130 = tpu.memref_squeeze %dma_start3A_129 : memref<1x128xf32, #tpu.memory_space<hbm>> -> memref<128xf32, #tpu.memory_space<hbm>>
        tpu.enqueue_dma source(%dma_start3A_130 : memref<128xf32, #tpu.memory_space<hbm>>) target(%dma_start3A_127 : memref<128xf32, #tpu.memory_space<vmem>>) target_semaphore(%arg12 : memref<!tpu.dma_semaphore, #tpu.memory_space<semaphore_mem>>)
      } else {
      }
      %dma_wait3A = arith.constant 0 : i32
      %dma_wait3A_78 = arith.constant 0 : i32
      %dma_wait3A_79 = tpu.memref_slice %arg7[%dma_wait3A_78] : memref<80640xf32, #tpu.memory_space<vmem>> -> memref<128xf32, #tpu.memory_space<vmem>>
      %dma_wait3A_80 = arith.constant 0 : i32
      %dma_wait3A_81 = tpu.memref_slice %arg2[%dma_wait3A, %dma_wait3A_80] : memref<64x1000000xf32, #tpu.memory_space<hbm>> -> memref<1x128xf32, #tpu.memory_space<hbm>>
      %dma_wait3A_82 = tpu.memref_squeeze %dma_wait3A_81 : memref<1x128xf32, #tpu.memory_space<hbm>> -> memref<128xf32, #tpu.memory_space<hbm>>
      %dma_wait3A_83 = arith.constant 0 : i32
      %dma_wait3A_84 = tpu.memref_slice %arg7[%dma_wait3A_83] : memref<80640xf32, #tpu.memory_space<vmem>> -> memref<128xf32, #tpu.memory_space<vmem>>
      %dma_wait3A_85 = arith.constant 0 : i32
      %dma_wait3A_86 = tpu.memref_slice %arg2[%dma_wait3A, %dma_wait3A_85] : memref<64x1000000xf32, #tpu.memory_space<hbm>> -> memref<1x128xf32, #tpu.memory_space<hbm>>
      %dma_wait3A_87 = tpu.memref_squeeze %dma_wait3A_86 : memref<1x128xf32, #tpu.memory_space<hbm>> -> memref<128xf32, #tpu.memory_space<hbm>>
      tpu.wait_dma2 semaphore(%arg12 : memref<!tpu.dma_semaphore, #tpu.memory_space<semaphore_mem>>) src(%dma_wait3A_87 : memref<128xf32, #tpu.memory_space<hbm>>) dst(%dma_wait3A_84 : memref<128xf32, #tpu.memory_space<vmem>>)
      %get3A = arith.constant 0 : index
      %get3A_88 = tpu.vector_load %arg7[%get3A] {strides = array<i32>} : memref<80640xf32, #tpu.memory_space<vmem>>, vector<16xf32>,
      %get3A_89 = arith.constant 16 : index
      %get3A_90 = tpu.vector_load %arg7[%get3A_89] {strides = array<i32>} : memref<80640xf32, #tpu.memory_space<vmem>>, vector<16xf32>,
      %get3A_91 = arith.constant 32 : index
      %get3A_92 = tpu.vector_load %arg7[%get3A_91] {strides = array<i32>} : memref<80640xf32, #tpu.memory_space<vmem>>, vector<16xf32>,
      %get3A_93 = arith.constant 48 : index
      %get3A_94 = tpu.vector_load %arg7[%get3A_93] {strides = array<i32>} : memref<80640xf32, #tpu.memory_space<vmem>>, vector<16xf32>,
      %get3A_95 = arith.constant 64 : index
      %get3A_96 = tpu.vector_load %arg7[%get3A_95] {strides = array<i32>} : memref<80640xf32, #tpu.memory_space<vmem>>, vector<16xf32>,
      %max3A = arith.maximumf %get3A_88, %get3A_96 : vector<16xf32>
      %get3A_97 = arith.constant 80 : index
      %get3A_98 = tpu.vector_load %arg7[%get3A_97] {strides = array<i32>} : memref<80640xf32, #tpu.memory_space<vmem>>, vector<16xf32>,
      %max3A_99 = arith.maximumf %get3A_90, %get3A_98 : vector<16xf32>
      %get3A_100 = arith.constant 96 : index
      %get3A_101 = tpu.vector_load %arg7[%get3A_100] {strides = array<i32>} : memref<80640xf32, #tpu.memory_space<vmem>>, vector<16xf32>,
      %max3A_102 = arith.maximumf %get3A_92, %get3A_101 : vector<16xf32>
      %get3A_103 = arith.constant 112 : index
      %get3A_104 = tpu.vector_load %arg7[%get3A_103] {strides = array<i32>} : memref<80640xf32, #tpu.memory_space<vmem>>, vector<16xf32>,
      %max3A_105 = arith.maximumf %get3A_94, %get3A_104 : vector<16xf32>
      %max3A_106 = arith.maximumf %max3A, %max3A_99 : vector<16xf32>
      %max3A_107 = arith.maximumf %max3A_102, %max3A_105 : vector<16xf32>
      %max3A_108 = arith.maximumf %max3A_106, %max3A_107 : vector<16xf32>
      %get3A_109 = arith.constant 0 : index
      %get3A_110 = tpu.vector_load %arg9[%get3A_109] {strides = array<i32>} : memref<16xf32, #tpu.memory_space<vmem>>, vector<16xf32>,
      %gt3A = arith.cmpf ogt, %max3A_108, %get3A_110 : vector<16xf32>
      %all_reduce_population_count3A = tpu.all_reduce %gt3A {dim = 0 : i64, kind = #tpu.reduction_kind<sum>} : vector<16xi1> -> vector<16xi32>
      %slice3A = vector.extract_strided_slice %all_reduce_population_count3A {offsets = [0], sizes = [1], strides = [1]} : vector<16xi32> to vector<1xi32>
      %squeeze3A = vector.extract %slice3A[0] : i32 from vector<1xi32>
      %gt3A_111 = arith.constant 0 : i32
      %gt3A_112 = arith.cmpi sgt, %squeeze3A, %gt3A_111 : i32
      %convert_element_type3A_113 = arith.extui %gt3A_112 : i1 to i32
      %cond3A_114 = arith.constant 0 : i32
      %cond3A_115 = arith.cmpi ne, %convert_element_type3A_113, %cond3A_114 : i32
      scf.if %cond3A_115 {
        %scan3A_122 = arith.constant 0 : i32
        %scan3A_123 = arith.constant 0 : i32
        %scan3A_124 = arith.constant 8 : i32
        %scan3A_125 = arith.addi %scan3A_123, %scan3A_124 : i32
        %scan3A_126 = arith.constant 1 : i32
        scf.for %scan3A_128 = %scan3A_123 to %scan3A_125 step %scan3A_126  : i32 {
          %mul3A_129 = arith.constant 16 : i32
          %mul3A_130 = arith.muli %scan3A_128, %mul3A_129 : i32
          %add3A_131 = arith.constant 0 : i32
          %add3A_132 = arith.addi %add3A_131, %mul3A_130 : i32
          %get3A_133 = arith.index_cast %add3A_132 : i32 to index
          %get3A_134 = tpu.vector_load %arg7[%get3A_133] {strides = array<i32>} : memref<80640xf32, #tpu.memory_space<vmem>>, vector<16xf32>,
          %get3A_135 = arith.constant 0 : index
          %get3A_136 = tpu.vector_load %arg8[%get3A_135] {strides = array<i32>} : memref<16xf32, #tpu.memory_space<vmem>>, vector<16xf32>,
          %masked_sort3A = arith.constant dense<true> : vector<16xi1>
          %masked_sort3A_137, %masked_sort3A_138, %masked_sort3A_139 = tpu.sort %get3A_134, %get3A_134 masked %masked_sort3A {descending = true} : (vector<16xf32>, vector<16xf32>, vector<16xi1>) -> (vector<16xi1>, vector<16xf32>, vector<16xf32>)
          %rev3A = arith.constant 15 : i32
          %rev3A_140 = vector.broadcast %rev3A : i32 to vector<16xi32>
          %rev3A_141 = tpu.iota {dimensions = array<i32: 0>} : vector<16xi32>
          %rev3A_142 = arith.subi %rev3A_140, %rev3A_141 : vector<16xi32>
          %rev3A_143 = tpu.dynamic_gather %masked_sort3A_138[%rev3A_142] in [0] : vector<16xf32>, vector<16xi32> -> vector<16xf32>
          %max3A_144 = arith.maximumf %get3A_136, %rev3A_143 : vector<16xf32>
          %masked_sort3A_145 = arith.constant dense<true> : vector<16xi1>
          %masked_sort3A_146, %masked_sort3A_147, %masked_sort3A_148 = tpu.sort %max3A_144, %max3A_144 masked %masked_sort3A_145 {descending = true} : (vector<16xf32>, vector<16xf32>, vector<16xi1>) -> (vector<16xi1>, vector<16xf32>, vector<16xf32>)
          %swap3A_149 = arith.constant 0 : index
          %swap3A_150 = tpu.vector_load %arg8[%swap3A_149] {strides = array<i32>} : memref<16xf32, #tpu.memory_space<vmem>>, vector<16xf32>,
          tpu.vector_store %arg8[%swap3A_149], %masked_sort3A_147 {strides = array<i32>} : memref<16xf32, #tpu.memory_space<vmem>>, vector<16xf32>,
          %broadcast_in_dim3A_151 = arith.constant 9 : i32
          %broadcast_in_dim3A_152 = vector.broadcast %broadcast_in_dim3A_151 : i32 to vector<16xi32>
          %lt3A_153 = arith.constant 0 : i32
          %lt3A_154 = vector.broadcast %lt3A_153 : i32 to vector<16xi32>
          %lt3A_155 = arith.cmpi slt, %broadcast_in_dim3A_152, %lt3A_154 : vector<16xi32>
          %add3A_156 = arith.constant 16 : i32
          %add3A_157 = vector.broadcast %add3A_156 : i32 to vector<16xi32>
          %add3A_158 = arith.addi %broadcast_in_dim3A_152, %add3A_157 : vector<16xi32>
          %select_n3A_159 = arith.select %lt3A_155, %add3A_158, %broadcast_in_dim3A_152 : vector<16xi1>, vector<16xi32>
          %broadcast_in_dim3A_160 = vector.shape_cast %select_n3A_159 : vector<16xi32> to vector<16x1xi32>
          %gather3A = vector.shape_cast %broadcast_in_dim3A_160 : vector<16x1xi32> to vector<16xi32>
          %gather3A_161 = tpu.dynamic_gather %masked_sort3A_147[%gather3A] in [0] : vector<16xf32>, vector<16xi32> -> vector<16xf32>
          %swap3A_162 = arith.constant 0 : index
          %swap3A_163 = tpu.vector_load %arg9[%swap3A_162] {strides = array<i32>} : memref<16xf32, #tpu.memory_space<vmem>>, vector<16xf32>,
          tpu.vector_store %arg9[%swap3A_162], %gather3A_161 {strides = array<i32>} : memref<16xf32, #tpu.memory_space<vmem>>, vector<16xf32>,
        }
        %scan3A_127 = arith.constant 8 : i32
      } else {
      }
      %mul3A_116 = arith.constant 32 : i32
      %mul3A_117 = arith.muli %add3A_18, %mul3A_116 : i32
      %jit3A_118 = arith.constant 0 : i32
      %jit3A_119 = arith.constant 16 : i32
      %select_n3A_120 = arith.select %lt3A_20, %jit3A_118, %jit3A_119 : i32
      %add3A_121 = arith.addi %mul3A_117, %select_n3A_120 : i32
      "tpu.region"() ({
        %run_scoped3A = tpu.sem_alloc : memref<!tpu.dma_semaphore, #tpu.memory_space<semaphore_mem>>
        %dma_start3A = tpu.memref_slice %arg6[%add3A_121] : memref<2048xf32, #tpu.memory_space<hbm>> -> memref<16xf32, #tpu.memory_space<hbm>>
        %dma_start3A_122 = tpu.memref_slice %arg6[%add3A_121] : memref<2048xf32, #tpu.memory_space<hbm>> -> memref<16xf32, #tpu.memory_space<hbm>>
        tpu.enqueue_dma source(%arg8 : memref<16xf32, #tpu.memory_space<vmem>>) target(%dma_start3A_122 : memref<16xf32, #tpu.memory_space<hbm>>) target_semaphore(%run_scoped3A : memref<!tpu.dma_semaphore, #tpu.memory_space<semaphore_mem>>)
        %dma_wait3A_123 = tpu.memref_slice %arg6[%add3A_121] : memref<2048xf32, #tpu.memory_space<hbm>> -> memref<16xf32, #tpu.memory_space<hbm>>
        %dma_wait3A_124 = tpu.memref_slice %arg6[%add3A_121] : memref<2048xf32, #tpu.memory_space<hbm>> -> memref<16xf32, #tpu.memory_space<hbm>>
        tpu.wait_dma2 semaphore(%run_scoped3A : memref<!tpu.dma_semaphore, #tpu.memory_space<semaphore_mem>>) src(%arg8 : memref<16xf32, #tpu.memory_space<vmem>>) dst(%dma_wait3A_124 : memref<16xf32, #tpu.memory_space<hbm>>)
        tpu.yield
      }) : () -> ()
    }
    %scan3A_5 = arith.constant 4 : i32
    return
  }
}

module attributes {stable_mosaic.version = 14 : i64} {
  func.func @_mlp_body(%arg0: memref<64x32xf32, #tpu.memory_space<vmem>>, %arg1: memref<32x512xf32, #tpu.memory_space<vmem>>, %arg2: memref<1x512xf32, #tpu.memory_space<vmem>>, %arg3: memref<512x16xf32, #tpu.memory_space<vmem>>, %arg4: memref<1x16xf32, #tpu.memory_space<vmem>>, %arg5: memref<16x2xf32, #tpu.memory_space<vmem>>, %arg6: memref<1x2xf32, #tpu.memory_space<vmem>>, %arg7: memref<64x2xf32, #tpu.memory_space<vmem>>) attributes {dimension_semantics = [], scalar_prefetch = 0 : i64, scratch_operands = 0 : i64, tpu.core_type = #tpu.core_type<tc>} {
    %get3A = arith.constant 0 : index
    %get3A_0 = arith.constant 0 : index
    %get3A_1 = vector.load %arg0[%get3A, %get3A_0] : memref<64x32xf32, #tpu.memory_space<vmem>>, vector<64x32xf32>
    %get3A_2 = arith.constant 0 : index
    %get3A_3 = arith.constant 0 : index
    %get3A_4 = vector.load %arg1[%get3A_2, %get3A_3] : memref<32x512xf32, #tpu.memory_space<vmem>>, vector<32x512xf32>
    %dot_general3A = arith.constant dense<0.000000e+00> : vector<64x512xf32>
    %dot_general3A_5 = tpu.matmul %get3A_1, %get3A_4, %dot_general3A {dimension_numbers = #tpu.dot_dimension_numbers<[1], [0], [0], [1], [0, 0, 1, 1], [], []>, transpose_lhs_hint = false} : vector<64x32xf32>, vector<32x512xf32>, vector<64x512xf32> -> vector<64x512xf32>
    %get3A_6 = arith.constant 0 : index
    %get3A_7 = arith.constant 0 : index
    %get3A_8 = vector.load %arg2[%get3A_6, %get3A_7] : memref<1x512xf32, #tpu.memory_space<vmem>>, vector<1x512xf32>
    %add3A = vector.broadcast %get3A_8 : vector<1x512xf32> to vector<64x512xf32>
    %add3A_9 = arith.addf %dot_general3A_5, %add3A : vector<64x512xf32>
    %max3A = arith.constant 0.000000e+00 : f32
    %max3A_10 = vector.broadcast %max3A : f32 to vector<64x512xf32>
    %max3A_11 = arith.maximumf %add3A_9, %max3A_10 : vector<64x512xf32>
    %get3A_12 = arith.constant 0 : index
    %get3A_13 = arith.constant 0 : index
    %get3A_14 = vector.load %arg3[%get3A_12, %get3A_13] : memref<512x16xf32, #tpu.memory_space<vmem>>, vector<512x16xf32>
    %dot_general3A_15 = arith.constant dense<0.000000e+00> : vector<64x16xf32>
    %dot_general3A_16 = tpu.matmul %max3A_11, %get3A_14, %dot_general3A_15 {dimension_numbers = #tpu.dot_dimension_numbers<[1], [0], [0], [1], [0, 0, 1, 1], [], []>, transpose_lhs_hint = false} : vector<64x512xf32>, vector<512x16xf32>, vector<64x16xf32> -> vector<64x16xf32>
    %get3A_17 = arith.constant 0 : index
    %get3A_18 = arith.constant 0 : index
    %get3A_19 = vector.load %arg4[%get3A_17, %get3A_18] : memref<1x16xf32, #tpu.memory_space<vmem>>, vector<1x16xf32>
    %add3A_20 = vector.broadcast %get3A_19 : vector<1x16xf32> to vector<64x16xf32>
    %add3A_21 = arith.addf %dot_general3A_16, %add3A_20 : vector<64x16xf32>
    %max3A_22 = arith.constant 0.000000e+00 : f32
    %max3A_23 = vector.broadcast %max3A_22 : f32 to vector<64x16xf32>
    %max3A_24 = arith.maximumf %add3A_21, %max3A_23 : vector<64x16xf32>
    %get3A_25 = arith.constant 0 : index
    %get3A_26 = arith.constant 0 : index
    %get3A_27 = vector.load %arg5[%get3A_25, %get3A_26] : memref<16x2xf32, #tpu.memory_space<vmem>>, vector<16x2xf32>
    %dot_general3A_28 = arith.constant dense<0.000000e+00> : vector<64x2xf32>
    %dot_general3A_29 = tpu.matmul %max3A_24, %get3A_27, %dot_general3A_28 {dimension_numbers = #tpu.dot_dimension_numbers<[1], [0], [0], [1], [0, 0, 1, 1], [], []>, transpose_lhs_hint = false} : vector<64x16xf32>, vector<16x2xf32>, vector<64x2xf32> -> vector<64x2xf32>
    %get3A_30 = arith.constant 0 : index
    %get3A_31 = arith.constant 0 : index
    %get3A_32 = vector.load %arg6[%get3A_30, %get3A_31] : memref<1x2xf32, #tpu.memory_space<vmem>>, vector<1x2xf32>
    %add3A_33 = vector.broadcast %get3A_32 : vector<1x2xf32> to vector<64x2xf32>
    %add3A_34 = arith.addf %dot_general3A_29, %add3A_33 : vector<64x2xf32>
    %reduce_max3A = arith.constant dense<0xFF800000> : vector<64xf32>
    %reduce_max3A_35 = vector.multi_reduction <maximumf>, %add3A_34, %reduce_max3A [1] : vector<64x2xf32> to vector<64xf32>
    %broadcast_in_dim3A = vector.shape_cast %reduce_max3A_35 : vector<64xf32> to vector<64x1xf32>
    %sub3A = vector.broadcast %broadcast_in_dim3A : vector<64x1xf32> to vector<64x2xf32>
    %sub3A_36 = arith.subf %add3A_34, %sub3A : vector<64x2xf32>
    %exp3A = math.exp %sub3A_36 : vector<64x2xf32>
    %reduce_sum3A = arith.constant dense<0.000000e+00> : vector<64xf32>
    %reduce_sum3A_37 = vector.multi_reduction <add>, %exp3A, %reduce_sum3A [1] : vector<64x2xf32> to vector<64xf32>
    %broadcast_in_dim3A_38 = vector.shape_cast %reduce_sum3A_37 : vector<64xf32> to vector<64x1xf32>
    %div3A = vector.broadcast %broadcast_in_dim3A_38 : vector<64x1xf32> to vector<64x2xf32>
    %div3A_39 = arith.divf %exp3A, %div3A : vector<64x2xf32>
    %reduce_sum3A_40 = arith.constant dense<0.000000e+00> : vector<64xf32>
    %reduce_sum3A_41 = vector.multi_reduction <add>, %div3A_39, %reduce_sum3A_40 [1] : vector<64x2xf32> to vector<64xf32>
    %broadcast_in_dim3A_42 = vector.shape_cast %reduce_sum3A_41 : vector<64xf32> to vector<64x1xf32>
    %div3A_43 = vector.broadcast %broadcast_in_dim3A_42 : vector<64x1xf32> to vector<64x2xf32>
    %div3A_44 = arith.divf %div3A_39, %div3A_43 : vector<64x2xf32>
    %swap3A = arith.constant 0 : index
    %swap3A_45 = arith.constant 0 : index
    %swap3A_46 = vector.load %arg7[%swap3A, %swap3A_45] : memref<64x2xf32, #tpu.memory_space<vmem>>, vector<64x2xf32>
    tpu.vector_store %arg7[%swap3A, %swap3A_45], %div3A_44 {strides = array<i32>} : memref<64x2xf32, #tpu.memory_space<vmem>>, vector<64x2xf32>,
    return
  }
}

</mosaic_0001>

<sc_bundles>
// kernel: kernel.4.cloned.1.call-start
scs
__scs_entry_jumppad:
0x0: {  	(pc) =	sbr.rel $0x88, $3  }
0x1: {  	(tag) =	ssettag $0x0;
	lr =	simm.s32 $0x1  }
0x2: {  	[smem:$0x3F99] =	sst lr;
	_ =	strace $0xD0000000  }
0x3: {  	_ = 	snop  }
0x4: {  	_ = 	snop  }
0x5: {  	_ = 	snop  }
0x6: {  	_ = 	snop  }
0x7: {  	_ = 	snop  }
__scs_overlays_trampoline_lowered:
0x8: {  	[smem:$0x3FA8] =	sst s0  }
0x9: {  	[smem:$0x3FA9] =	sst s1  }
0xa: {  	[smem:$0x3FAA] =	sst s2  }
0xb: {  	[smem:$0x3FAB] =	sst s3  }
0xc: {  	[smem:$0x3FAC] =	sst s4  }
0xd: {  	[smem:$0x3FAD] =	sst s5  }
0xe: {  	[smem:$0x3FAE] =	sst s6  }
0xf: {  	[smem:$0x3FAF] =	sst s7  }
0x10: {  	[smem:$0x3FB0] =	sst s8  }
0x11: {  	[smem:$0x3FB1] =	sst s9;
	s0 =	simm.s32 @!p0 $0x0  }
0x12: {  	s1 =	sld [smem:$0x3F97];
	s0 =	simm.s32 @p0 $0x1  }
0x13: {  	[smem:$0x3FB2] =	sst s0;
	s0 =	simm.s32 @!p1 $0x0  }
0x14: {  	s2 =	sld [smem:$0x3F96];
	s0 =	simm.s32 @p1 $0x1  }
0x15: {  	[smem:$0x3FB3] =	sst s0;
	s0 =	simm.s32 @!p2 $0x0  }
0x16: {  	s3 =	sld [smem:$0x3FDB];
	s0 =	simm.s32 @p2 $0x1  }
0x17: {  	s4 =	simm.s32 $0x1BF5;
	[smem:$0x3FB5] =	sst s0  }
0x18: {  	s0 =	sld [smem:$0x3F98];
	_ =	swait.ge [sflag:s4], $0x0  }
0x19: {  	s7 =	sld [smem:$0x3F99]  }
0x1a: {  	s8 =	sadd.s32 $0xFFFFE003, lr  }
0x1b: {  	s9 =	sadd.s32 $0xFFFFFEF7, lr;
	s5 =	simm.s32 $0xFFFFFFFF;
	p2 =	slt.u32 s8, $0xFFFFF086  }
0x1c: {  	p1 =	slt.u32 s9, $0xF7A;
	s5 =	simm.s32 @!p2 $0x0  }
0x1d: {  	s5 =	simm.s32 @p1 $0x1;
	p0 =	seq.s32 s7, s2  }
0x1e: {  	s7 =	smul.u32 @!p0 $0xF7A, s2;
	p2 =	seq.s32 @!p0 s5, $0x0  }
0x1f: {  	s9 =	smul.u32 $0xF7A, s1;
	s8 =	simm.s32 @!p0 $0x1BF5;
	p2 =	por !p2, p0  }
0x20: {  	[sflag:s8] =	ssyncset.s32 @!p0 $0xFFFFF086;
	s6 =	sadd.s32 @!p0 s3, s7;
	s7 =	simm.s32 @!p0 $0x108  }
0x21: {  	s3 =	sadd.s32 s3, s9;
	s6 =	sadd.s32 @!p0 $0x88, s6;
	s7 =	simm.s32 @p2 $0x1082  }
0x22: {  	[simem:s7], [sflag:s8] =	dma.local @!p0 [hbm:s6], $0xF7A  }
0x23: {  	s9 =	sor.u32 $0xD0000000, s2;
	s6 =	simm.s32 $0x108;
	_ =	swait.ge @!p0 [sflag:s8], $0x0  }
0x24: {  	s3 =	sadd.s32 $0x88, s3;
	s6 =	simm.s32 @!p1 $0x1082;
	[sflag:s4] =	ssyncset.s32 $0xFFFFF086  }
0x25: {  	[simem:s6], [sflag:s4] =	dma.local [hbm:s3], $0xF7A  }
0x26: {  	[smem:$0x3F99] =	sst s1;
	(tag) =	ssettag s2;
	_ =	strace s9  }
0x27: {  	s1 =	sld [smem:$0x3FA9]  }
0x28: {  	s2 =	sld [smem:$0x3FAA]  }
0x29: {  	s4 =	sld [smem:$0x3FAC]  }
0x2a: {  	p0 =	seq.s32 s5, $0x0;
	s5 =	sld [smem:$0x3FAD]  }
0x2b: {  	s6 =	sld [smem:$0x3FAE]  }
0x2c: {  	s7 =	sld [smem:$0x3FAF]  }
0x2d: {  	s3 =	simm.s32 $0x108;
	s8 =	sld [smem:$0x3FB0]  }
0x2e: {  	s3 =	simm.s32 @!p0 $0x1082;
	s9 =	sld [smem:$0x3FB1]  }
0x2f: {  	lr =	sadd.s32 s0, s3;
	s0 =	sld [smem:$0x3FA8]  }
0x30: {  	s3 =	sld [smem:$0x3FAB]  }
0x31: {  	[smem:$0x3FB4] =	sst s10  }
0x32: {  	s10 =	sld [smem:$0x3FB2];
	_ =	sdelay $0x3  }
0x33: {  	p0 =	seq.s32 s10, $0x1;
	s10 =	sld [smem:$0x3FB4];
	_ =	sdelay $0x3  }
0x34: {  	[smem:$0x3FB4] =	sst s10  }
0x35: {  	s10 =	sld [smem:$0x3FB3];
	_ =	sdelay $0x3  }
0x36: {  	p1 =	seq.s32 s10, $0x1;
	s10 =	sld [smem:$0x3FB4];
	_ =	sdelay $0x3  }
0x37: {  	[smem:$0x3FB4] =	sst s10  }
0x38: {  	s10 =	sld [smem:$0x3FB5]  }
0x39: {  	_ = 	snop;
	(pc) =	sbr.ind lr, $3  }
0x3a: {  	_ = 	snop  }
0x3b: {  	_ = 	snop  }
0x3c: {  	p2 =	seq.s32 s10, $0x1;
	s10 =	sld [smem:$0x3FB4]  }
0x3d: {  	_ =	shalt  }
0x3e: {  	_ =	shalt  }
0x3f: {  	_ =	shalt  }
0x40: {  	_ =	shalt  }
0x41: {  	_ =	shalt  }
0x42: {  	_ =	shalt  }
0x43: {  	_ =	shalt  }
0x44: {  	_ =	shalt  }
0x45: {  	_ =	shalt  }
0x46: {  	_ =	shalt  }
0x47: {  	_ =	shalt  }
0x48: {  	_ =	shalt  }
0x49: {  	_ =	shalt  }
0x4a: {  	_ =	shalt  }
0x4b: {  	_ =	shalt  }
0x4c: {  	_ =	shalt  }
0x4d: {  	_ =	shalt  }
0x4e: {  	_ =	shalt  }
0x4f: {  	_ =	shalt  }
0x50: {  	_ =	shalt  }
0x51: {  	_ =	shalt  }
0x52: {  	_ =	shalt  }
0x53: {  	_ =	shalt  }
0x54: {  	_ =	shalt  }
0x55: {  	_ =	shalt  }
0x56: {  	_ =	shalt  }
0x57: {  	_ =	shalt  }
0x58: {  	_ =	shalt  }
0x59: {  	_ =	shalt  }
0x5a: {  	_ =	shalt  }
0x5b: {  	_ =	shalt  }
0x5c: {  	_ =	shalt  }
0x5d: {  	_ =	shalt  }
0x5e: {  	_ =	shalt  }
0x5f: {  	_ =	shalt  }
0x60: {  	_ =	shalt  }
0x61: {  	_ =	shalt  }
0x62: {  	_ =	shalt  }
0x63: {  	_ =	shalt  }
0x64: {  	_ =	shalt  }
0x65: {  	_ =	shalt  }
0x66: {  	_ =	shalt  }
0x67: {  	_ =	shalt  }
0x68: {  	_ =	shalt  }
0x69: {  	_ =	shalt  }
0x6a: {  	_ =	shalt  }
0x6b: {  	_ =	shalt  }
0x6c: {  	_ =	shalt  }
0x6d: {  	_ =	shalt  }
0x6e: {  	_ =	shalt  }
0x6f: {  	_ =	shalt  }
0x70: {  	_ =	shalt  }
0x71: {  	_ =	shalt  }
0x72: {  	_ =	shalt  }
0x73: {  	_ =	shalt  }
0x74: {  	_ =	shalt  }
0x75: {  	_ =	shalt  }
0x76: {  	_ =	shalt  }
0x77: {  	_ =	shalt  }
0x78: {  	_ =	shalt  }
0x79: {  	_ =	shalt  }
0x7a: {  	_ =	shalt  }
0x7b: {  	_ =	shalt  }
0x7c: {  	_ =	shalt  }
0x7d: {  	_ =	shalt  }
0x7e: {  	_ =	shalt  }
0x7f: {  	_ =	shalt  }
0x80: {  	_ =	shalt  }
0x81: {  	_ =	shalt  }
0x82: {  	_ =	shalt  }
0x83: {  	_ =	shalt  }
0x84: {  	_ =	shalt  }
0x85: {  	_ =	shalt  }
0x86: {  	_ =	shalt  }
0x87: {  	_ =	shalt  }
.Lfunc_end0:
.L_simem_size_0:
called_computation_lowered:
.L_overlay_start_0:
0x88: {  	s2 =	sld [smem:$0x3FD9]  }
0x89: {  	s3 =	sld [smem:$0x3FFE];
	_ =	sdelay $0x1  }
0x8a: {  	s1 =	srdreg.scid  }
0x8b: {  	s0 =	sand.u32 $0x1, s1  }
0x8c: {  	s17 =	sshll.u32 s0, $0xA;
	s2 =	sadd.s32 s3, s2  }
0x8d: {  	s2 =	sadd.s32 s2, s17  }
0x8e: {  	[smem:$0x3FC0] =	sst s2  }
0x8f: {  	_ = 	snop  }
0x90: {  	s2 =	sld [smem:$0x3FC9]  }
0x91: {  	s18 =	sld [smem:$0x3FC8];
	(tm) =	ssettm $0x1  }
0x92: {  	s4 =	sld [smem:$0x3FFB];
	_ =	sdelay $0x3  }
0x93: {  	_ =	strace s4  }
0x94: {  	s4 =	sld [smem:$0x3FFC];
	_ =	sdelay $0x3  }
0x95: {  	_ =	strace s4  }
0x96: {  	s4 =	sld [smem:$0x3FFD];
	_ =	sdelay $0x3  }
0x97: {  	_ =	strace s4  }
0x98: {  	_ =	strace $0x8FFFFFFF  }
0x99: {  	s19 =	sld [smem:$0x3FDB];
	_ =	sdelay $0x1  }
0x9a: {  	s5 =	simm.s32 $_scs_section_size  }
0x9b: {  	s6 =	simm.s32 $_size__tile_overlayer_lowered;
	s7 =	simm.s32 $_tile_overlayer_lowered  }
0x9c: {  	s22 =	simm.s32 $0x1BFF;
	s21 =	sshll.u32 s7, $0x1;
	s4 =	sadd.s32 s5, s19  }
0x9d: {  	s8 =	simm.s32 $0x0;
	s20 =	sshll.u32 s6, $0x1;
	s6 =	sadd.s32 s21, s4  }
0x9e: {  	[timem:s8], [sflag:s22] =	dma.local [hbm:s6], s20  }
0x9f: {  	_ =	swait.ge [sflag:s22], s20  }
0xa0: {  	s5 =	ssub.s32 $0x0, s20;
	[sflag:s22] =	ssyncset.done $0x0  }
0xa1: {  	[sflag:s22] =	ssyncadd.s32 s5;
	_ =	sdelay $0x1  }
0xa2: {  	s23 =	simm.s32 $0x1B8B  }
0xa3: {  	_ =	swait.ge [sflag:s23], $0x1  }
0xa4: {  	[sflag:s23] =	ssyncset.done $0x0  }
0xa5: {  	s25 =	simm.s32 $0x1B8E;
	s24 =	sld [smem:$0x3FFE];
	[sflag:s23] =	ssyncadd.s32 $0xFFFFFFFF  }
0xa6: {  	s26 =	simm.s32 $execute0_lowered;
	[smem:$0x3FD2] =	sst s25  }
0xa7: {  	s6 =	sshll.u32 s26, $0x1;
	_ =	strace $0x80000046;
	[dreg:$0x1] =	wrdreg $0xFFFFFFFF  }
0xa8: {  	s28 =	simm.s32 $_size_execute0_lowered;
	s4 =	sadd.s32 s4, s6;
	[dreg:$0x0] =	wrdreg $0x0  }
0xa9: {  	s6 =	sshll.u32 s28, $0x1;
	[dreg:$0x2] =	wrdreg s4  }
0xaa: {  	[dreg:$0x3] =	wrdreg s6  }
0xab: {  	[dreg:$0x4] =	wrdreg $0xC0  }
0xac: {  	_ =	task [dreg:s8], $0x5FFFF  }
0xad: {  	[dreg:$0x1] =	wrdreg $0xFFFFFFFF  }
0xae: {  	[dreg:$0x0] =	wrdreg $0x60  }
0xaf: {  	[dreg:$0x2] =	wrdreg s2  }
0xb0: {  	[dreg:$0x3] =	wrdreg s18  }
0xb1: {  	[dreg:$0x4] =	wrdreg s24  }
0xb2: {  	[dreg:$0x5] =	wrdreg $0x9  }
0xb3: {  	_ =	task.clear_ibuf [dreg:s8], $0x6FFFF;
	_ =	strace $0x90000046  }
0xb4: {  	s29 =	simm.s32 $0x9;
	_ =	strace $0x80000048  }
0xb5: {  	_ =	swait.ge [sflag:s29], $0x1  }
0xb6: {  	[sflag:s29] =	ssyncadd.s32 $0xFFFFFFFF  }
0xb7: {  	_ =	strace $0x90000048  }
0xb8: {  	_ =	sfence  }
0xb9: {  	s30 =	sld [smem:$0x0];
	_ =	sdelay $0x2  }
0xba: {  	s31 =	sshll.u32 s1, $0xD;
	s1 =	sshrl.u32 s1, $0x2  }
0xbb: {  	s3 =	sand.u32 $0x4000, s31;
	s1 =	sadd.s32 s1, s30  }
0xbc: {  	s0 =	sor.u32 s3, s0;
	s1 =	sshll.u32 s1, $0x11  }
0xbd: {  	s0 =	sor.u32 s1, s0  }
0xbe: {  	s0 =	sadd.s32 $0x8F2B, s0  }
0xbf: {  	[sflag:s0] =	ssyncadd.remote.s32 $0x1  }
0xc0: {  	_ =	sfence.sel $0xFFFF  }
0xc1: {  	[dreg:$0x0] =	wrdreg $0xFFFFFFFF;
	(pc) =	sbr.abs _section_cstart, $3  }
0xc2: {  	[dreg:$0x1] =	wrdreg $0xFFFFFFFF  }
0xc3: {  	_ =	task.clear_ibuf [dreg:s8], $0x2FFFF;
	_ =	strace $0x9FFFFFFF  }
0xc4: {  	(tm) =	ssettm $0x7FFFFFFF  }
0xc5: {  	_ =	shalt  }
tec
execute0_lowered:
.L_overlay_start_1:
0x0: {  	(tag) =	ssettag $0x1  }
0x1: {  	s1 =	rddreg [dreg:$0x0]  }
0x2: {  	s2 =	rddreg [dreg:$0x1]  }
0x3: {  	s0 =	rddreg [dreg:$0x2];
	s3 =	simm.s32 $0x0;
	s4 =	srdreg.scid  }
0x4: {  	s9 =	stileid.u32;
	s16 =	simm.s32 $0x80;
	s17 =	simm.s32 $0x400  }
0x5: {  	s18 =	simm.s32 $0x3F00;
	s19 =	simm.s32 $0x7E00;
	s20 =	simm.s32 $0xBD00  }
0x6: {  	[smem:$0x7FF] =	sst s3;
	s5 =	sadd.s32 $0x1200, s0;
	s4 =	sand.u32 $0x1, s4  }
0x7: {  	s6 =	sadd.s32 $0x1600, s0;
	s7 =	sshrl.u32 s9, $0x1;
	s0 =	sadd.s32 $0x1A00, s0  }
0x8: {  	s25 =	sshll.u32 s9, $0x2;
	_ =	strace $0x80000047;
	[dreg:$0x4] =	wrdreg s6  }
0x9: {  	s23 =	ssub.s32 $0x2, s4;
	s8 =	smul.u32 $0x7A1400, s7;
	s4 =	sshll.u32 s4, $0x1  }
0xa: {  	s22 =	simm.s32 $0x1;
	[dreg:$0x5] =	wrdreg s0;
	s4 =	sor.u32 s25, s4  }
0xb: {  	s31 =	sshll.u32 s9, $0x6;
	[dreg:$0x6] =	wrdreg s4;
	s26 =	sadd.s32 $0x1F800, s8  }
.Ltmp0:
0xc: {  	s28 =	sadd.s32 $0x3F000, s8;
	[dreg:$0x7] =	wrdreg s26;
	(pc) =	sbr.rel .LBB2_1-.Ltmp0, $4  }
0xd: {  	v0 =	vlaneseq.u32;
	s24 =	sshrl.u32 s23, $0x1;
	s29 =	sadd.s32 $0x5E800, s8;
	[dreg:$0x8] =	wrdreg s28  }
0xe: {  	v0 =	vmul.u32 $0xFFFFFFFF, v0;
	s0 =	ssub.s32 s23, s24;
	s30 =	sadd.s32 $0x7E000, s8;
	[dreg:$0x9] =	wrdreg s29  }
0xf: {  	s14 =	sand.u32 $0x380, s31;
	[dreg:$0xa] =	wrdreg s30;
	s0 =	smax.u32 s0, $0x1  }
0x10: {  	v2 =	vimm.s32 $0x9;
	v1 =	vadd.s32 $0xF, v0;
	s24 =	simm.s32 $0x6;
	s4 =	simm.s32 $0x0;
	[dreg:$0xb] =	wrdreg s0  }
.LBB2_37:
0x11: {  	s4 =	rddreg [dreg:$0xc]  }
0x12: {  	s0 =	rddreg [dreg:$0xb];
	s4 =	sadd.s32 $0x1, s4  }
0x13: {  	p0 =	sne.s32 s4, s0  }
.Ltmp1:
0x14: {  	_ = 	snop;
	(pc) =	sbr.rel @!p0 .LBB2_38-.Ltmp1, $1  }
0x15: {  	_ =	sdelay $0x3  }
.LBB2_1:
.Ltmp2:
0x16: {  	(pc) =	sbr.rel .LBB2_2-.Ltmp2, $2  }
0x17: {  	_ =	sdelay $0x2  }
0x18: {  	[dreg:$0xc] =	wrdreg s4;
	s26 =	simm.s32 $0x0  }
.LBB2_36:
0x19: {  	s6 =	sld [smem:$0x7FC];
	_ =	sdelay $0x2  }
0x1a: {  	s0 =	simm.s32 $0x10;
	p0 =	seq.s32 s6, $0x1  }
0x1b: {  	s4 =	sshll.u32 s28, $0x5;
	s0 =	simm.s32 @!p0 $0x1  }
0x1c: {  	s26 =	sadd.s32 $0x1, s26;
	s0 =	sor.u32 s0, s4  }
0x1d: {  	s30 =	rddreg [dreg:$0x5];
	p0 =	sne.s32 s26, $0x4;
	s0 =	sshrl.u32 s0, $0x3  }
.Ltmp3:
0x1e: {  	s31 =	simm.s32 $0x13B00;
	s0 =	sadd.s32 s30, s0;
	(pc) =	sbr.rel @!p0 .LBB2_37-.Ltmp3, $4  }
0x1f: {  	[hbm4b:s0+s3] =	stream.linear.scatter [tilespmem:s31], [sflag:$0x6], $0x10, $0x38;
	[tilespmem:$0x13F80] =	vst v63  }
0x20: {  	_ =	swait.ge [sflag:s24], $0x10  }
0x21: {  	[sflag:s24] =	ssyncset.done $0x0  }
0x22: {  	[sflag:s24] =	ssyncadd.s32 $0xFFFFFFF0  }
.LBB2_2:
0x23: {  	s0 =	sand.u32 $0x1, s26;
	s4 =	rddreg [dreg:$0x6]  }
0x24: {  	s28 =	sor.u32 s4, s0  }
0x25: {  	p0 =	sgt.u32 s26, $0x1;
	s0 =	sshll.u32 s28, $0x7  }
0x26: {  	s12 =	rddreg [dreg:$0x7];
	s30 =	smov.u32 s1;
	s11 =	sand.u32 $0x380, s0  }
0x27: {  	s13 =	rddreg [dreg:$0x8];
	s30 =	smov.u32 @p0 s2;
	s0 =	sor.u32 s12, s11  }
0x28: {  	v0 =	vimm.f32 $-Inf;
	s29 =	sor.u32 s8, s11;
	s7 =	sshrl.u32 s0, $0x3;
	s0 =	simm.s32 @!p0 $0x0  }
0x29: {  	[tilespmem:$0x13B00] =	vst v0;
	s9 =	sor.u32 s13, s11;
	s6 =	sshrl.u32 s29, $0x3;
	s0 =	simm.s32 @p0 $0x1  }
0x2a: {  	[tilespmem:$0x13B80] =	vst v0;
	s6 =	sadd.s32 s30, s6;
	[smem:$0x7FC] =	sst s0;
	s0 =	simm.s32 $0x0  }
0x2b: {  	[tilespmem:s0], [sflag:$0x1] =	stream.strided.gather [hbm4b:s6+s16], $0x3F00, s17, s16, $0x38;
	[tilespmem:$0x13F80] =	vst v63  }
0x2c: {  	s21 =	rddreg [dreg:$0x9];
	s15 =	sshrl.u32 s9, $0x3;
	s7 =	sadd.s32 s30, s7  }
0x2d: {  	[tilespmem:s18], [sflag:$0x2] =	stream.strided.gather [hbm4b:s7+s16], $0x3F00, s17, s16, $0x38;
	[tilespmem:$0x13F80] =	vst v63  }
0x2e: {  	s9 =	sor.u32 s21, s11;
	p0 =	slt.u32 s26, $0x2;
	s6 =	sadd.s32 s30, s15  }
0x2f: {  	[tilespmem:s19], [sflag:$0x3] =	stream.strided.gather [hbm4b:s6+s16], $0x3F00, s17, s16, $0x38;
	[tilespmem:$0x13F80] =	vst v63  }
0x30: {  	s23 =	sshrl.u32 s9, $0x3;
	s6 =	simm.s32 @!p0 $0x0  }
0x31: {  	s31 =	rddreg [dreg:$0xa];
	s25 =	sadd.s32 s30, s23;
	s6 =	simm.s32 @p0 $0x1  }
0x32: {  	[tilespmem:s20], [sflag:$0x4] =	stream.strided.gather [hbm4b:s25+s16], $0x3F00, s17, s16, $0x38;
	[tilespmem:$0x13F80] =	vst v63  }
0x33: {  	s4 =	sor.u32 s31, s11;
	[smem:$0x7FD] =	sst s6  }
.LBB2_3:
.Ltmp4:
0x34: {  	(pc) =	sbr.rel .LBB2_4-.Ltmp4, $4  }
0x35: {  	_ = 	snop  }
0x36: {  	s4 =	sshrl.u32 s4, $0x3  }
0x37: {  	s6 =	simm.s32 $0xFC00;
	s31 =	smov.u32 s0;
	s4 =	sadd.s32 s30, s4  }
0x38: {  	[tilespmem:s6], [sflag:$0x5] =	stream.strided.gather [hbm4b:s4+s16], $0x3F00, s17, s16, $0x38;
	[tilespmem:$0x13F80] =	vst v63  }
.LBB2_29:
0x39: {  	s6 =	smov.u32 s2  }
.LBB2_30:
0x3a: {  	s7 =	smul.u32 $0x1F800, s4;
	_ =	sdelay $0x1  }
0x3b: {  	s7 =	sadd.s32 s29, s7  }
0x3c: {  	s7 =	sshrl.u32 s7, $0x3  }
0x3d: {  	s6 =	sadd.s32 s6, s7  }
0x3e: {  	[tilespmem:s20], [sflag:$0x4] =	stream.strided.gather [hbm4b:s6+s16], $0x3F00, s17, s16, $0x38;
	[tilespmem:$0x13F80] =	vst v63  }
.LBB2_31:
0x3f: {  	s6 =	sld [smem:$0x7F2];
	_ =	sdelay $0x2  }
0x40: {  	p2 =	seq.s32 s6, $0x1  }
0x41: {  	p2 =	por @!p5 p6, p6  }
0x42: {  	p1 =	por $0x0, $0x0;
	p2 =	por @!p0 p3, p3  }
0x43: {  	p1 =	por @!p4 p2, p2  }
.Ltmp5:
0x44: {  	_ = 	snop;
	(pc) =	sbr.rel @p1 .LBB2_32-.Ltmp5, $1  }
0x45: {  	_ =	sdelay $0x3  }
.LBB2_33:
0x46: {  	s31 =	sadd.s32 $0x1, s31  }
0x47: {  	p0 =	sne.s32 s31, $0x3E  }
.Ltmp6:
0x48: {  	_ = 	snop;
	(pc) =	sbr.rel @!p0 .LBB2_34-.Ltmp6, $2  }
0x49: {  	_ =	sdelay $0x2  }
0x4a: {  	s0 =	sadd.s32 $0x1, s0  }
.LBB2_4:
0x4b: {  	s4 =	smul.u32 $0xCD, s31;
	_ =	sdelay $0x1  }
0x4c: {  	s4 =	sshrl.u32 s4, $0xA  }
0x4d: {  	s4 =	sand.u32 $0x3F, s4  }
0x4e: {  	s4 =	smul.u32 $0x5, s4;
	_ =	sdelay $0x1  }
0x4f: {  	s6 =	ssub.s32 s31, s4  }
0x50: {  	s4 =	sand.u32 $0xFF, s6  }
0x51: {  	p4 =	seq.s32 s4, $0x0  }
0x52: {  	s6 =	sand.u32 @!p4 $0xFF, s6  }
0x53: {  	p1 =	seq.s32 @!p4 s6, $0x1  }
0x54: {  	p0 =	por p1, p4  }
0x55: {  	p6 =	seq.s32 @!p0 s6, $0x3  }
0x56: {  	p2 =	por @!p4 p6, p1  }
0x57: {  	p2 =	por p2, p4  }
0x58: {  	p2 =	sne.s32 @!p2 s6, $0x2  }
0x59: {  	s6 =	simm.s32 @!p2 $0x0  }
0x5a: {  	s6 =	simm.s32 @p2 $0x1;
	p2 =	por @!p0 !p2, p6  }
0x5b: {  	p3 =	por @!p4 p2, p1  }
0x5c: {  	p3 =	por p3, p4  }
0x5d: {  	[smem:$0x7FA] =	sst s6;
	s6 =	simm.s32 @!p3 $0x0  }
0x5e: {  	s6 =	simm.s32 @p3 $0x1  }
0x5f: {  	p2 =	por @!p4 !p2, p1;
	[smem:$0x7F7] =	sst s6  }
0x60: {  	s6 =	simm.s32 @!p3 $0x5;
	p3 =	por !p2, p4;
	p2 =	por @!p4 !p6, p1  }
0x61: {  	s7 =	simm.s32 @!p2 $0x0  }
0x62: {  	s7 =	simm.s32 @p2 $0x1  }
0x63: {  	s6 =	simm.s32 @p3 $0x3;
	[smem:$0x7FB] =	sst s7;
	s7 =	simm.s32 @!p3 $0x0  }
0x64: {  	p5 =	por !p2, p4;
	p2 =	por !p1, p4;
	s7 =	simm.s32 @p3 $0x1  }
0x65: {  	s6 =	simm.s32 @p5 $0x4;
	[smem:$0x7F8] =	sst s7;
	s7 =	simm.s32 @!p2 $0x0  }
0x66: {  	s6 =	simm.s32 @!p2 $0x2;
	s7 =	simm.s32 @p2 $0x1  }
0x67: {  	s6 =	simm.s32 @p4 $0x1;
	[smem:$0x7F9] =	sst s7  }
0x68: {  	_ =	swait.ge [sflag:s6], $0x3F00  }
0x69: {  	s15 =	smul.u32 $0x3F00, s4;
	[sflag:s6] =	ssyncset.done $0x0  }
0x6a: {  	[sflag:s6] =	ssyncadd.s32 $0xFFFFC100  }
0x6b: {  	v0 =	vld [tilespmem:s15+$0x0]  }
0x6c: {  	v3 =	vld [tilespmem:s15+$0x10]  }
0x6d: {  	v4 =	vld [tilespmem:s15+$0x20]  }
0x6e: {  	v5 =	vld [tilespmem:s15+$0x30]  }
0x6f: {  	v6 =	vld [tilespmem:s15+$0x40]  }
0x70: {  	v7 =	vld [tilespmem:s15+$0x50]  }
0x71: {  	v8 =	vld [tilespmem:s15+$0x60]  }
0x72: {  	v9 =	vld [tilespmem:s15+$0x70]  }
0x73: {  	v10 =	vld [tilespmem:s15+$0x80]  }
0x74: {  	v11 =	vld [tilespmem:s15+$0x90]  }
0x75: {  	v12 =	vld [tilespmem:s15+$0xA0]  }
0x76: {  	v13 =	vld [tilespmem:s15+$0xB0]  }
0x77: {  	v14 =	vld [tilespmem:s15+$0xC0]  }
0x78: {  	v15 =	vld [tilespmem:s15+$0xD0]  }
0x79: {  	v16 =	vld [tilespmem:s15+$0xE0]  }
0x7a: {  	v17 =	vld [tilespmem:s15+$0xF0]  }
0x7b: {  	v18 =	vld [tilespmem:s15+$0x100]  }
0x7c: {  	v19 =	vld [tilespmem:s15+$0x110]  }
0x7d: {  	v20 =	vld [tilespmem:s15+$0x120]  }
0x7e: {  	v21 =	vld [tilespmem:s15+$0x130]  }
0x7f: {  	v22 =	vld [tilespmem:s15+$0x140]  }
0x80: {  	v23 =	vld [tilespmem:s15+$0x150]  }
0x81: {  	v36 =	vld [tilespmem:s15+$0x160];
	v0 =	vmax.f32 v0, v6;
	v3 =	vmax.f32 v3, v7  }
0x82: {  	v37 =	vld [tilespmem:s15+$0x170];
	v4 =	vmax.f32 v4, v8;
	v5 =	vmax.f32 v5, v9;
	v0 =	vmax.f32 v0, v10  }
0x83: {  	v3 =	vmax.f32 v3, v11;
	v4 =	vmax.f32 v4, v12;
	v5 =	vmax.f32 v5, v13  }
0x84: {  	v0 =	vmax.f32 v0, v14;
	v3 =	vmax.f32 v3, v15;
	v4 =	vmax.f32 v4, v16  }
0x85: {  	v5 =	vmax.f32 v5, v17;
	v0 =	vmax.f32 v0, v18;
	v3 =	vmax.f32 v3, v19  }
0x86: {  	v4 =	vmax.f32 v4, v20;
	v5 =	vmax.f32 v5, v21;
	v0 =	vmax.f32 v0, v22  }
0x87: {  	v3 =	vmax.f32 v3, v23;
	v4 =	vmax.f32 v4, v36;
	v5 =	vmax.f32 v5, v37  }
0x88: {  	v0 =	vmax.f32 v0, v3;
	v3 =	vmax.f32 v4, v5  }
0x89: {  	v0 =	vmax.f32 v0, v3  }
0x8a: {  	[tilespmem:$0x13C00] =	vst v0  }
0x8b: {  	[tilespmem:$0x1FC10] =	vst v0;
	v0 =	vld [tilespmem:s15+$0x180]  }
0x8c: {  	v3 =	vld [tilespmem:s15+$0x190]  }
0x8d: {  	v4 =	vld [tilespmem:s15+$0x1A0]  }
0x8e: {  	v5 =	vld [tilespmem:s15+$0x1B0]  }
0x8f: {  	v38 =	vld [tilespmem:s15+$0x1C0]  }
0x90: {  	v39 =	vld [tilespmem:s15+$0x1D0]  }
0x91: {  	v40 =	vld [tilespmem:s15+$0x1E0]  }
0x92: {  	v41 =	vld [tilespmem:s15+$0x1F0]  }
0x93: {  	v42 =	vld [tilespmem:s15+$0x200]  }
0x94: {  	v43 =	vld [tilespmem:s15+$0x210]  }
0x95: {  	v44 =	vld [tilespmem:s15+$0x220]  }
0x96: {  	v45 =	vld [tilespmem:s15+$0x230]  }
0x97: {  	v46 =	vld [tilespmem:s15+$0x240]  }
0x98: {  	v47 =	vld [tilespmem:s15+$0x250]  }
0x99: {  	v48 =	vld [tilespmem:s15+$0x260]  }
0x9a: {  	v49 =	vld [tilespmem:s15+$0x270]  }
0x9b: {  	v50 =	vld [tilespmem:s15+$0x280]  }
0x9c: {  	v51 =	vld [tilespmem:s15+$0x290]  }
0x9d: {  	v52 =	vld [tilespmem:s15+$0x2A0]  }
0x9e: {  	v53 =	vld [tilespmem:s15+$0x2B0]  }
0x9f: {  	v54 =	vld [tilespmem:s15+$0x2C0]  }
0xa0: {  	v55 =	vld [tilespmem:s15+$0x2D0]  }
0xa1: {  	v56 =	vld [tilespmem:s15+$0x2E0];
	v0 =	vmax.f32 v0, v38;
	v3 =	vmax.f32 v3, v39  }
0xa2: {  	v57 =	vld [tilespmem:s15+$0x2F0];
	v4 =	vmax.f32 v4, v40;
	v5 =	vmax.f32 v5, v41;
	v0 =	vmax.f32 v0, v42  }
0xa3: {  	v3 =	vmax.f32 v3, v43;
	v4 =	vmax.f32 v4, v44;
	v5 =	vmax.f32 v5, v45  }
0xa4: {  	v0 =	vmax.f32 v0, v46;
	v3 =	vmax.f32 v3, v47;
	v4 =	vmax.f32 v4, v48  }
0xa5: {  	v5 =	vmax.f32 v5, v49;
	v0 =	vmax.f32 v0, v50;
	v3 =	vmax.f32 v3, v51  }
0xa6: {  	v4 =	vmax.f32 v4, v52;
	v5 =	vmax.f32 v5, v53;
	v0 =	vmax.f32 v0, v54  }
0xa7: {  	v3 =	vmax.f32 v3, v55;
	v4 =	vmax.f32 v4, v56;
	v5 =	vmax.f32 v5, v57  }
0xa8: {  	v0 =	vmax.f32 v0, v3;
	v3 =	vmax.f32 v4, v5  }
0xa9: {  	v0 =	vmax.f32 v0, v3  }
0xaa: {  	[tilespmem:$0x13C10] =	vst v0  }
0xab: {  	[tilespmem:$0x1FC20] =	vst v0;
	v0 =	vld [tilespmem:s15+$0x300]  }
0xac: {  	v3 =	vld [tilespmem:s15+$0x310]  }
0xad: {  	v4 =	vld [tilespmem:s15+$0x320]  }
0xae: {  	v5 =	vld [tilespmem:s15+$0x330]  }
0xaf: {  	v58 =	vld [tilespmem:s15+$0x340]  }
0xb0: {  	v59 =	vld [tilespmem:s15+$0x350]  }
0xb1: {  	v60 =	vld [tilespmem:s15+$0x360]  }
0xb2: {  	v61 =	vld [tilespmem:s15+$0x370]  }
0xb3: {  	v62 =	vld [tilespmem:s15+$0x380]  }
0xb4: {  	v63 =	vld [tilespmem:s15+$0x390]  }
0xb5: {  	v24 =	vld [tilespmem:s15+$0x3A0]  }
0xb6: {  	v25 =	vld [tilespmem:s15+$0x3B0]  }
0xb7: {  	v26 =	vld [tilespmem:s15+$0x3C0]  }
0xb8: {  	v27 =	vld [tilespmem:s15+$0x3D0]  }
0xb9: {  	v28 =	vld [tilespmem:s15+$0x3E0]  }
0xba: {  	v29 =	vld [tilespmem:s15+$0x3F0]  }
0xbb: {  	v30 =	vld [tilespmem:s15+$0x400]  }
0xbc: {  	v31 =	vld [tilespmem:s15+$0x410]  }
0xbd: {  	v32 =	vld [tilespmem:s15+$0x420]  }
0xbe: {  	v33 =	vld [tilespmem:s15+$0x430]  }
0xbf: {  	v34 =	vld [tilespmem:s15+$0x440]  }
0xc0: {  	v35 =	vld [tilespmem:s15+$0x450]  }
0xc1: {  	v36 =	vld [tilespmem:s15+$0x460]  }
0xc2: {  	v37 =	vld [tilespmem:s15+$0x470]  }
0xc3: {  	v0 =	vmax.f32 v0, v58;
	v58 =	vld [tilespmem:s15+$0x900]  }
0xc4: {  	v3 =	vmax.f32 v3, v59;
	v59 =	vld [tilespmem:s15+$0x910]  }
0xc5: {  	v4 =	vmax.f32 v4, v60;
	v60 =	vld [tilespmem:s15+$0x920]  }
0xc6: {  	v5 =	vmax.f32 v5, v61;
	v61 =	vld [tilespmem:s15+$0x930]  }
0xc7: {  	v0 =	vmax.f32 v0, v62;
	v62 =	vld [tilespmem:s15+$0x940]  }
0xc8: {  	v3 =	vmax.f32 v3, v63;
	v63 =	vld [tilespmem:s15+$0x950]  }
0xc9: {  	v4 =	vmax.f32 v4, v24;
	v24 =	vld [tilespmem:s15+$0x960]  }
0xca: {  	v5 =	vmax.f32 v5, v25;
	v25 =	vld [tilespmem:s15+$0x970]  }
0xcb: {  	v3 =	vmax.f32 v3, v27;
	v27 =	vld [tilespmem:s15+$0x980]  }
0xcc: {  	v0 =	vmax.f32 v0, v26;
	v4 =	vmax.f32 v4, v28;
	v28 =	vld [tilespmem:s15+$0x990]  }
0xcd: {  	v5 =	vmax.f32 v5, v29;
	v29 =	vld [tilespmem:s15+$0x9A0];
	v0 =	vmax.f32 v0, v30;
	v3 =	vmax.f32 v3, v31  }
0xce: {  	v4 =	vmax.f32 v4, v32;
	v5 =	vmax.f32 v5, v33;
	v30 =	vld [tilespmem:s15+$0x9B0];
	v0 =	vmax.f32 v0, v34  }
0xcf: {  	v31 =	vld [tilespmem:s15+$0x9C0];
	v3 =	vmax.f32 v3, v35;
	v4 =	vmax.f32 v4, v36;
	v5 =	vmax.f32 v5, v37  }
0xd0: {  	v32 =	vld [tilespmem:s15+$0x9D0];
	v0 =	vmax.f32 v0, v3;
	v3 =	vmax.f32 v4, v5  }
0xd1: {  	v33 =	vld [tilespmem:s15+$0x9E0];
	v0 =	vmax.f32 v0, v3  }
0xd2: {  	v34 =	vld [tilespmem:s15+$0x9F0];
	[tilespmem:$0x13C20] =	vst v0  }
0xd3: {  	[tilespmem:$0x1FC30] =	vst v0;
	v0 =	vld [tilespmem:s15+$0x480]  }
0xd4: {  	v3 =	vld [tilespmem:s15+$0x490]  }
0xd5: {  	v4 =	vld [tilespmem:s15+$0x4A0]  }
0xd6: {  	v5 =	vld [tilespmem:s15+$0x4B0]  }
0xd7: {  	v38 =	vld [tilespmem:s15+$0x4C0]  }
0xd8: {  	v39 =	vld [tilespmem:s15+$0x4D0]  }
0xd9: {  	v40 =	vld [tilespmem:s15+$0x4E0]  }
0xda: {  	v41 =	vld [tilespmem:s15+$0x4F0]  }
0xdb: {  	v42 =	vld [tilespmem:s15+$0x500]  }
0xdc: {  	v43 =	vld [tilespmem:s15+$0x510]  }
0xdd: {  	v44 =	vld [tilespmem:s15+$0x520]  }
0xde: {  	v45 =	vld [tilespmem:s15+$0x530]  }
0xdf: {  	v46 =	vld [tilespmem:s15+$0x540]  }
0xe0: {  	v47 =	vld [tilespmem:s15+$0x550]  }
0xe1: {  	v48 =	vld [tilespmem:s15+$0x560]  }
0xe2: {  	v49 =	vld [tilespmem:s15+$0x570]  }
0xe3: {  	v50 =	vld [tilespmem:s15+$0x580]  }
0xe4: {  	v51 =	vld [tilespmem:s15+$0x590]  }
0xe5: {  	v52 =	vld [tilespmem:s15+$0x5A0]  }
0xe6: {  	v53 =	vld [tilespmem:s15+$0x5B0]  }
0xe7: {  	v54 =	vld [tilespmem:s15+$0x5C0]  }
0xe8: {  	v55 =	vld [tilespmem:s15+$0x5D0]  }
0xe9: {  	v56 =	vld [tilespmem:s15+$0x5E0];
	v0 =	vmax.f32 v0, v38;
	v3 =	vmax.f32 v3, v39  }
0xea: {  	v57 =	vld [tilespmem:s15+$0x5F0];
	v4 =	vmax.f32 v4, v40;
	v5 =	vmax.f32 v5, v41;
	v0 =	vmax.f32 v0, v42  }
0xeb: {  	v35 =	vld [tilespmem:s15+$0xA00];
	v3 =	vmax.f32 v3, v43;
	v4 =	vmax.f32 v4, v44;
	v5 =	vmax.f32 v5, v45  }
0xec: {  	v36 =	vld [tilespmem:s15+$0xA10];
	v0 =	vmax.f32 v0, v46;
	v3 =	vmax.f32 v3, v47;
	v4 =	vmax.f32 v4, v48  }
0xed: {  	v37 =	vld [tilespmem:s15+$0xA20];
	v5 =	vmax.f32 v5, v49;
	v0 =	vmax.f32 v0, v50;
	v3 =	vmax.f32 v3, v51  }
0xee: {  	v38 =	vld [tilespmem:s15+$0xA30];
	v4 =	vmax.f32 v4, v52;
	v5 =	vmax.f32 v5, v53;
	v0 =	vmax.f32 v0, v54  }
0xef: {  	v39 =	vld [tilespmem:s15+$0xA40];
	v3 =	vmax.f32 v3, v55;
	v4 =	vmax.f32 v4, v56;
	v5 =	vmax.f32 v5, v57  }
0xf0: {  	v40 =	vld [tilespmem:s15+$0xA50];
	v0 =	vmax.f32 v0, v3;
	v3 =	vmax.f32 v4, v5  }
0xf1: {  	v43 =	vld [tilespmem:s15+$0xA60];
	v0 =	vmax.f32 v0, v3  }
0xf2: {  	v44 =	vld [tilespmem:s15+$0xA70];
	[tilespmem:$0x13C30] =	vst v0  }
0xf3: {  	[tilespmem:$0x1FC40] =	vst v0;
	v0 =	vld [tilespmem:s15+$0x600]  }
0xf4: {  	v3 =	vld [tilespmem:s15+$0x610]  }
0xf5: {  	v4 =	vld [tilespmem:s15+$0x620]  }
0xf6: {  	v5 =	vld [tilespmem:s15+$0x630]  }
0xf7: {  	v6 =	vld [tilespmem:s15+$0x640]  }
0xf8: {  	v7 =	vld [tilespmem:s15+$0x650]  }
0xf9: {  	v8 =	vld [tilespmem:s15+$0x660]  }
0xfa: {  	v9 =	vld [tilespmem:s15+$0x670]  }
0xfb: {  	v10 =	vld [tilespmem:s15+$0x680]  }
0xfc: {  	v11 =	vld [tilespmem:s15+$0x690]  }
0xfd: {  	v12 =	vld [tilespmem:s15+$0x6A0]  }
0xfe: {  	v13 =	vld [tilespmem:s15+$0x6B0]  }
0xff: {  	v14 =	vld [tilespmem:s15+$0x6C0]  }
0x100: {  	v15 =	vld [tilespmem:s15+$0x6D0]  }
0x101: {  	v18 =	vmax.f32 v58, v62;
	v19 =	vmax.f32 v59, v63;
	v16 =	vld [tilespmem:s15+$0x6E0]  }
0x102: {  	v20 =	vmax.f32 v60, v24;
	v21 =	vmax.f32 v61, v25;
	v18 =	vmax.f32 v18, v27;
	v17 =	vld [tilespmem:s15+$0x6F0]  }
0x103: {  	v19 =	vmax.f32 v19, v28;
	v20 =	vmax.f32 v20, v29;
	v21 =	vmax.f32 v21, v30;
	v45 =	vld [tilespmem:s15+$0x700]  }
0x104: {  	v18 =	vmax.f32 v18, v31;
	v19 =	vmax.f32 v19, v32;
	v20 =	vmax.f32 v20, v33;
	v46 =	vld [tilespmem:s15+$0x710]  }
0x105: {  	v21 =	vmax.f32 v21, v34;
	v18 =	vmax.f32 v18, v35;
	v19 =	vmax.f32 v19, v36;
	v47 =	vld [tilespmem:s15+$0x720]  }
0x106: {  	v20 =	vmax.f32 v20, v37;
	v21 =	vmax.f32 v21, v38;
	v18 =	vmax.f32 v18, v39;
	v48 =	vld [tilespmem:s15+$0x730]  }
0x107: {  	v19 =	vmax.f32 v19, v40;
	v20 =	vmax.f32 v20, v43;
	v21 =	vmax.f32 v21, v44;
	v49 =	vld [tilespmem:s15+$0x740]  }
0x108: {  	v18 =	vmax.f32 v18, v19;
	v51 =	vmax.f32 v20, v21;
	v50 =	vld [tilespmem:s15+$0x750]  }
0x109: {  	v52 =	vld [tilespmem:s15+$0x760];
	v19 =	vmax.f32 v18, v51  }
0x10a: {  	v53 =	vld [tilespmem:s15+$0x770];
	[tilespmem:$0x13C60] =	vst v19  }
0x10b: {  	[tilespmem:$0x1FC60] =	vst v19;
	v19 =	vld [tilespmem:s15+$0xA80]  }
0x10c: {  	v54 =	vld [tilespmem:s15+$0xA90]  }
0x10d: {  	v55 =	vld [tilespmem:s15+$0xAA0]  }
0x10e: {  	v56 =	vld [tilespmem:s15+$0xAB0]  }
0x10f: {  	v57 =	vld [tilespmem:s15+$0xAC0]  }
0x110: {  	v58 =	vld [tilespmem:s15+$0xAD0]  }
0x111: {  	v59 =	vld [tilespmem:s15+$0xAE0]  }
0x112: {  	v60 =	vld [tilespmem:s15+$0xAF0]  }
0x113: {  	v61 =	vld [tilespmem:s15+$0xB00]  }
0x114: {  	v62 =	vld [tilespmem:s15+$0xB10]  }
0x115: {  	v63 =	vld [tilespmem:s15+$0xB20]  }
0x116: {  	v23 =	vld [tilespmem:s15+$0xB30]  }
0x117: {  	v41 =	vld [tilespmem:s15+$0xB40]  }
0x118: {  	v42 =	vld [tilespmem:s15+$0xB50]  }
0x119: {  	v24 =	vld [tilespmem:s15+$0xB60];
	v0 =	vmax.f32 v0, v6  }
0x11a: {  	v26 =	vld [tilespmem:s15+$0xB70];
	v3 =	vmax.f32 v3, v7;
	v4 =	vmax.f32 v4, v8;
	v5 =	vmax.f32 v5, v9  }
0x11b: {  	v43 =	vld [tilespmem:s15+$0xB80];
	v0 =	vmax.f32 v0, v10;
	v3 =	vmax.f32 v3, v11;
	v4 =	vmax.f32 v4, v12  }
0x11c: {  	v44 =	vld [tilespmem:s15+$0xB90];
	v5 =	vmax.f32 v5, v13;
	v0 =	vmax.f32 v0, v14;
	v3 =	vmax.f32 v3, v15  }
0x11d: {  	v51 =	vld [tilespmem:s15+$0xBF0];
	v4 =	vmax.f32 v4, v16;
	v5 =	vmax.f32 v5, v17;
	v0 =	vmax.f32 v0, v45  }
0x11e: {  	v3 =	vmax.f32 v3, v46;
	v45 =	vld [tilespmem:s15+$0xBA0];
	v4 =	vmax.f32 v4, v47;
	v5 =	vmax.f32 v5, v48  }
0x11f: {  	v46 =	vld [tilespmem:s15+$0xBB0];
	v0 =	vmax.f32 v0, v49;
	v3 =	vmax.f32 v3, v50;
	v4 =	vmax.f32 v4, v52  }
0x120: {  	v47 =	vld [tilespmem:s15+$0xBC0];
	v5 =	vmax.f32 v5, v53;
	v49 =	vmax.f32 v55, v59;
	v50 =	vmax.f32 v56, v60  }
0x121: {  	v0 =	vmax.f32 v0, v3;
	v3 =	vmax.f32 v4, v5;
	v4 =	vld [tilespmem:s15+$0xBD0];
	v13 =	vmax.f32 v49, v63  }
0x122: {  	v5 =	vld [tilespmem:s15+$0xBE0];
	v14 =	vmax.f32 v50, v23;
	v48 =	vmax.f32 v0, v3;
	v0 =	vmax.f32 v19, v57  }
0x123: {  	v3 =	vmax.f32 v54, v58;
	v6 =	vmax.f32 v13, v24;
	v0 =	vmax.f32 v0, v61  }
0x124: {  	v7 =	vmax.f32 v14, v26;
	v3 =	vmax.f32 v3, v62;
	v0 =	vmax.f32 v0, v41  }
0x125: {  	[tilespmem:$0x13C40] =	vst v48;
	v3 =	vmax.f32 v3, v42;
	v6 =	vmax.f32 v6, v45;
	v0 =	vmax.f32 v0, v43  }
0x126: {  	v7 =	vmax.f32 v7, v46;
	v38 =	vld [tilespmem:s15+$0x7A0];
	v3 =	vmax.f32 v3, v44;
	v0 =	vmax.f32 v0, v47  }
0x127: {  	v39 =	vld [tilespmem:s15+$0x7B0];
	v3 =	vmax.f32 v3, v4;
	v4 =	vmax.f32 v6, v5;
	v5 =	vmax.f32 v7, v51  }
0x128: {  	v40 =	vld [tilespmem:s15+$0x7C0];
	v0 =	vmax.f32 v0, v3;
	v3 =	vmax.f32 v4, v5  }
0x129: {  	v4 =	vld [tilespmem:s15+$0x780];
	v0 =	vmax.f32 v0, v3  }
0x12a: {  	v3 =	vld [tilespmem:s15+$0x790];
	[tilespmem:$0x13C70] =	vst v0  }
0x12b: {  	[tilespmem:$0x1FC70] =	vst v0;
	v0 =	vld [tilespmem:s15+$0xC00]  }
0x12c: {  	v5 =	vld [tilespmem:s15+$0xC30]  }
0x12d: {  	v52 =	vld [tilespmem:s15+$0xC40]  }
0x12e: {  	v53 =	vld [tilespmem:s15+$0xC50]  }
0x12f: {  	v54 =	vld [tilespmem:s15+$0xC60]  }
0x130: {  	v55 =	vld [tilespmem:s15+$0xC70]  }
0x131: {  	v56 =	vld [tilespmem:s15+$0xC80]  }
0x132: {  	v57 =	vld [tilespmem:s15+$0xC90]  }
0x133: {  	v58 =	vld [tilespmem:s15+$0xCA0]  }
0x134: {  	v59 =	vld [tilespmem:s15+$0xCB0]  }
0x135: {  	v60 =	vld [tilespmem:s15+$0xCC0]  }
0x136: {  	v61 =	vld [tilespmem:s15+$0xCD0]  }
0x137: {  	v62 =	vld [tilespmem:s15+$0xCE0]  }
0x138: {  	v63 =	vld [tilespmem:s15+$0xCF0]  }
0x139: {  	v30 =	vld [tilespmem:s15+$0xD00]  }
0x13a: {  	v31 =	vld [tilespmem:s15+$0xD10]  }
0x13b: {  	v32 =	vld [tilespmem:s15+$0xD20]  }
0x13c: {  	v33 =	vld [tilespmem:s15+$0xD30]  }
0x13d: {  	[tilespmem:$0x1FAB0] =	vst v4;
	v4 =	vld [tilespmem:s15+$0xC20]  }
0x13e: {  	[tilespmem:$0x1FAD0] =	vst v3;
	v3 =	vld [tilespmem:s15+$0xC10]  }
0x13f: {  	v34 =	vld [tilespmem:s15+$0xD40]  }
0x140: {  	v35 =	vld [tilespmem:s15+$0xD50]  }
0x141: {  	v36 =	vld [tilespmem:s15+$0xD60];
	v0 =	vmax.f32 v0, v52;
	v5 =	vmax.f32 v5, v55  }
0x142: {  	v37 =	vld [tilespmem:s15+$0xD70];
	v0 =	vmax.f32 v0, v56;
	v5 =	vmax.f32 v5, v59;
	v4 =	vmax.f32 v4, v54  }
0x143: {  	v41 =	vld [tilespmem:s15+$0x7D0];
	v0 =	vmax.f32 v0, v60;
	v5 =	vmax.f32 v5, v63;
	v3 =	vmax.f32 v3, v53  }
0x144: {  	[tilespmem:$0x1FCA0] =	vst v48;
	v42 =	vld [tilespmem:s15+$0x7E0];
	v4 =	vmax.f32 v4, v58;
	v0 =	vmax.f32 v0, v30;
	v3 =	vmax.f32 v3, v57  }
0x145: {  	[tilespmem:$0x1FAF0] =	vst v38;
	v5 =	vmax.f32 v5, v33;
	v4 =	vmax.f32 v4, v62;
	v3 =	vmax.f32 v3, v61  }
0x146: {  	[tilespmem:$0x1FB10] =	vst v39;
	v0 =	vmax.f32 v0, v34;
	v4 =	vmax.f32 v4, v32;
	v3 =	vmax.f32 v3, v31  }
0x147: {  	v43 =	vld [tilespmem:s15+$0x7F0];
	[tilespmem:$0x1FAC0] =	vst v40;
	v5 =	vmax.f32 v5, v37;
	v4 =	vmax.f32 v4, v36;
	v3 =	vmax.f32 v3, v35  }
0x148: {  	[tilespmem:$0x1FAE0] =	vst v41;
	v0 =	vmax.f32 v0, v3;
	v3 =	vmax.f32 v4, v5;
	v4 =	vld [tilespmem:s15+$0x800]  }
0x149: {  	[tilespmem:$0x1FB00] =	vst v42;
	v0 =	vmax.f32 v0, v3;
	v3 =	vld [tilespmem:s15+$0x810]  }
0x14a: {  	[tilespmem:$0x13C80] =	vst v0  }
0x14b: {  	[tilespmem:$0x1FC80] =	vst v0;
	v0 =	vld [tilespmem:s15+$0xD80]  }
0x14c: {  	[tilespmem:$0x1FB20] =	vst v43;
	v5 =	vld [tilespmem:s15+$0xDB0]  }
0x14d: {  	[tilespmem:$0x1FB30] =	vst v4;
	v4 =	vld [tilespmem:s15+$0xDA0]  }
0x14e: {  	[tilespmem:$0x1FB40] =	vst v3;
	v3 =	vld [tilespmem:s15+$0xD90]  }
0x14f: {  	v6 =	vld [tilespmem:s15+$0xDC0]  }
0x150: {  	v44 =	vld [tilespmem:s15+$0xDD0]  }
0x151: {  	v45 =	vld [tilespmem:s15+$0xDE0]  }
0x152: {  	v46 =	vld [tilespmem:s15+$0xDF0]  }
0x153: {  	v47 =	vld [tilespmem:s15+$0xE00]  }
0x154: {  	v48 =	vld [tilespmem:s15+$0xE10]  }
0x155: {  	v49 =	vld [tilespmem:s15+$0xE20]  }
0x156: {  	v50 =	vld [tilespmem:s15+$0xE30]  }
0x157: {  	v51 =	vld [tilespmem:s15+$0xE40]  }
0x158: {  	v52 =	vld [tilespmem:s15+$0xE50]  }
0x159: {  	v53 =	vld [tilespmem:s15+$0xE60]  }
0x15a: {  	v54 =	vld [tilespmem:s15+$0xE70]  }
0x15b: {  	v55 =	vld [tilespmem:s15+$0xE80]  }
0x15c: {  	v56 =	vld [tilespmem:s15+$0xE90]  }
0x15d: {  	v57 =	vld [tilespmem:s15+$0xEA0]  }
0x15e: {  	v58 =	vld [tilespmem:s15+$0xEB0]  }
0x15f: {  	v59 =	vld [tilespmem:s15+$0xEC0]  }
0x160: {  	v60 =	vld [tilespmem:s15+$0xED0]  }
0x161: {  	v61 =	vld [tilespmem:s15+$0xEE0]  }
0x162: {  	v62 =	vld [tilespmem:s15+$0xEF0]  }
0x163: {  	v63 =	vld [tilespmem:s15+$0x820]  }
0x164: {  	v13 =	vld [tilespmem:s15+$0x830]  }
0x165: {  	v16 =	vld [tilespmem:s15+$0x840]  }
0x166: {  	v20 =	vld [tilespmem:s15+$0x850]  }
0x167: {  	v21 =	vld [tilespmem:s15+$0x860]  }
0x168: {  	v22 =	vld [tilespmem:s15+$0x870]  }
0x169: {  	v23 =	vld [tilespmem:s15+$0x1200]  }
0x16a: {  	v28 =	vld [tilespmem:s15+$0x1210]  }
0x16b: {  	v29 =	vld [tilespmem:s15+$0x1220]  }
0x16c: {  	v30 =	vld [tilespmem:s15+$0x1230]  }
0x16d: {  	v31 =	vld [tilespmem:s15+$0x1240]  }
0x16e: {  	v33 =	vld [tilespmem:s15+$0x1250]  }
0x16f: {  	v43 =	vld [tilespmem:s15+$0x12C0]  }
0x170: {  	v3 =	vmax.f32 v3, v44;
	v44 =	vld [tilespmem:s15+$0x12D0]  }
0x171: {  	v4 =	vmax.f32 v4, v45;
	v45 =	vld [tilespmem:s15+$0x12E0]  }
0x172: {  	v5 =	vmax.f32 v5, v46;
	v46 =	vld [tilespmem:s15+$0x12F0]  }
0x173: {  	v0 =	vmax.f32 v0, v6;
	[tilespmem:$0x1FB50] =	vst v63;
	v63 =	vld [tilespmem:s15+$0x1370]  }
0x174: {  	v0 =	vmax.f32 v0, v47;
	v47 =	vld [tilespmem:s15+$0x1300]  }
0x175: {  	v3 =	vmax.f32 v3, v48;
	v48 =	vld [tilespmem:s15+$0x1310]  }
0x176: {  	v4 =	vmax.f32 v4, v49;
	v49 =	vld [tilespmem:s15+$0x1320]  }
0x177: {  	v5 =	vmax.f32 v5, v50;
	v50 =	vld [tilespmem:s15+$0x1330]  }
0x178: {  	v0 =	vmax.f32 v0, v51;
	v51 =	vld [tilespmem:s15+$0x1340]  }
0x179: {  	v3 =	vmax.f32 v3, v52;
	v52 =	vld [tilespmem:s15+$0x1350]  }
0x17a: {  	v4 =	vmax.f32 v4, v53;
	v3 =	vmax.f32 v3, v56;
	v56 =	vld [tilespmem:s15+$0x1260]  }
0x17b: {  	v5 =	vmax.f32 v5, v54;
	v4 =	vmax.f32 v4, v57;
	v57 =	vld [tilespmem:s15+$0x1270]  }
0x17c: {  	v0 =	vmax.f32 v0, v55;
	v5 =	vmax.f32 v5, v58;
	v58 =	vld [tilespmem:s15+$0x1280]  }
0x17d: {  	v0 =	vmax.f32 v0, v59;
	v59 =	vld [tilespmem:s15+$0x1290]  }
0x17e: {  	v3 =	vmax.f32 v3, v60;
	v60 =	vld [tilespmem:s15+$0x12A0]  }
0x17f: {  	v4 =	vmax.f32 v4, v61;
	v5 =	vmax.f32 v5, v62;
	v61 =	vld [tilespmem:s15+$0x12B0]  }
0x180: {  	v62 =	vld [tilespmem:s15+$0x1360];
	v0 =	vmax.f32 v0, v3;
	v3 =	vmax.f32 v4, v5  }
0x181: {  	v4 =	vld [tilespmem:s15+$0x880];
	v0 =	vmax.f32 v0, v3  }
0x182: {  	v3 =	vld [tilespmem:s15+$0x890];
	[tilespmem:$0x13C90] =	vst v0  }
0x183: {  	[tilespmem:$0x1FC90] =	vst v0;
	v0 =	vld [tilespmem:s15+$0xF00]  }
0x184: {  	v5 =	vld [tilespmem:s15+$0xF30]  }
0x185: {  	v6 =	vld [tilespmem:s15+$0xF40]  }
0x186: {  	v7 =	vld [tilespmem:s15+$0xF50]  }
0x187: {  	v8 =	vld [tilespmem:s15+$0xF60]  }
0x188: {  	v9 =	vld [tilespmem:s15+$0xF70]  }
0x189: {  	v10 =	vld [tilespmem:s15+$0xF80]  }
0x18a: {  	v11 =	vld [tilespmem:s15+$0xF90]  }
0x18b: {  	v12 =	vld [tilespmem:s15+$0xFA0]  }
0x18c: {  	[tilespmem:$0x1FB60] =	vst v13;
	v13 =	vld [tilespmem:s15+$0xFB0]  }
0x18d: {  	v14 =	vld [tilespmem:s15+$0xFC0]  }
0x18e: {  	v15 =	vld [tilespmem:s15+$0xFD0]  }
0x18f: {  	[tilespmem:$0x1FB70] =	vst v16;
	v16 =	vld [tilespmem:s15+$0xFE0]  }
0x190: {  	v17 =	vld [tilespmem:s15+$0xFF0]  }
0x191: {  	v18 =	vmax.f32 v23, v31;
	v19 =	vmax.f32 v28, v33;
	v37 =	vld [tilespmem:s15+$0x1000]  }
0x192: {  	[tilespmem:$0x1FB90] =	vst v21;
	v25 =	vmax.f32 v29, v56;
	v34 =	vmax.f32 v30, v57;
	v18 =	vmax.f32 v18, v58;
	v21 =	vld [tilespmem:s15+$0x1010]  }
0x193: {  	v39 =	vld [tilespmem:s15+$0x1020];
	v19 =	vmax.f32 v19, v59;
	v25 =	vmax.f32 v25, v60;
	v34 =	vmax.f32 v34, v61  }
0x194: {  	v40 =	vld [tilespmem:s15+$0x1030];
	v18 =	vmax.f32 v18, v43;
	v19 =	vmax.f32 v19, v44;
	v25 =	vmax.f32 v25, v45  }
0x195: {  	v41 =	vld [tilespmem:s15+$0x1040];
	v34 =	vmax.f32 v34, v46;
	v18 =	vmax.f32 v18, v47;
	v19 =	vmax.f32 v19, v48  }
0x196: {  	v35 =	vld [tilespmem:s15+$0x1050];
	v25 =	vmax.f32 v25, v49;
	v34 =	vmax.f32 v34, v50;
	v18 =	vmax.f32 v18, v51  }
0x197: {  	[tilespmem:$0x1FBA0] =	vst v22;
	v23 =	vld [tilespmem:s15+$0x1060];
	v19 =	vmax.f32 v19, v52;
	v25 =	vmax.f32 v25, v62;
	v34 =	vmax.f32 v34, v63  }
0x198: {  	v24 =	vld [tilespmem:s15+$0x1070];
	[tilespmem:$0x1FBB0] =	vst v4;
	v18 =	vmax.f32 v18, v19;
	v22 =	vmax.f32 v25, v34  }
0x199: {  	v4 =	vld [tilespmem:s15+$0xF20];
	[tilespmem:$0x1FBC0] =	vst v3;
	v19 =	vmax.f32 v18, v22  }
0x19a: {  	v3 =	vld [tilespmem:s15+$0xF10];
	[tilespmem:$0x13CC0] =	vst v19  }
0x19b: {  	[tilespmem:$0x1FCB0] =	vst v19;
	v19 =	vld [tilespmem:s15+$0x1380]  }
0x19c: {  	v25 =	vld [tilespmem:s15+$0x1390]  }
0x19d: {  	v26 =	vld [tilespmem:s15+$0x13A0]  }
0x19e: {  	v27 =	vld [tilespmem:s15+$0x13B0]  }
0x19f: {  	v28 =	vld [tilespmem:s15+$0x13C0]  }
0x1a0: {  	v29 =	vld [tilespmem:s15+$0x13D0]  }
0x1a1: {  	v30 =	vld [tilespmem:s15+$0x13E0]  }
0x1a2: {  	v31 =	vld [tilespmem:s15+$0x13F0]  }
0x1a3: {  	v56 =	vld [tilespmem:s15+$0x1400]  }
0x1a4: {  	v57 =	vld [tilespmem:s15+$0x1410]  }
0x1a5: {  	v58 =	vld [tilespmem:s15+$0x1420]  }
0x1a6: {  	v59 =	vld [tilespmem:s15+$0x1430]  }
0x1a7: {  	v60 =	vld [tilespmem:s15+$0x1440]  }
0x1a8: {  	v53 =	vld [tilespmem:s15+$0x1450]  }
0x1a9: {  	v61 =	vld [tilespmem:s15+$0x1460]  }
0x1aa: {  	v0 =	vmax.f32 v0, v6;
	v62 =	vld [tilespmem:s15+$0x1470]  }
0x1ab: {  	v5 =	vmax.f32 v5, v9;
	v0 =	vmax.f32 v0, v10;
	v63 =	vld [tilespmem:s15+$0x1480]  }
0x1ac: {  	[tilespmem:$0x1FB80] =	vst v20;
	v5 =	vmax.f32 v5, v13;
	v4 =	vmax.f32 v4, v8;
	v0 =	vmax.f32 v0, v14;
	v20 =	vld [tilespmem:s15+$0x1490]  }
0x1ad: {  	v5 =	vmax.f32 v5, v17;
	v3 =	vmax.f32 v3, v7;
	v4 =	vmax.f32 v4, v12;
	v22 =	vld [tilespmem:s15+$0x14B0]  }
0x1ae: {  	v5 =	vmax.f32 v5, v40;
	v40 =	vld [tilespmem:s15+$0x8F0];
	v3 =	vmax.f32 v3, v11;
	v4 =	vmax.f32 v4, v16  }
0x1af: {  	v0 =	vmax.f32 v0, v37;
	v3 =	vmax.f32 v3, v15;
	v4 =	vmax.f32 v4, v39;
	v39 =	vld [tilespmem:s15+$0x8E0]  }
0x1b0: {  	v0 =	vmax.f32 v0, v41;
	v3 =	vmax.f32 v3, v21;
	v21 =	vld [tilespmem:s15+$0x14A0]  }
0x1b1: {  	v5 =	vmax.f32 v5, v24;
	v4 =	vmax.f32 v4, v23;
	v23 =	vld [tilespmem:s15+$0x14C0];
	v3 =	vmax.f32 v3, v35  }
0x1b2: {  	v0 =	vmax.f32 v0, v3;
	v3 =	vmax.f32 v4, v5;
	v4 =	vld [tilespmem:s15+$0x14D0]  }
0x1b3: {  	v5 =	vld [tilespmem:s15+$0x14E0]  }
0x1b4: {  	v24 =	vmax.f32 v26, v30;
	v26 =	vld [tilespmem:s15+$0x14F0]  }
0x1b5: {  	v30 =	vld [tilespmem:s15+$0x8D0]  }
0x1b6: {  	v35 =	vmax.f32 v0, v3;
	v3 =	vmax.f32 v25, v29;
	v25 =	vmax.f32 v27, v31;
	v27 =	vld [tilespmem:s15+$0x8A0]  }
0x1b7: {  	v0 =	vmax.f32 v19, v28;
	v13 =	vmax.f32 v24, v58;
	v28 =	vld [tilespmem:s15+$0x8B0]  }
0x1b8: {  	v29 =	vld [tilespmem:s15+$0x8C0];
	v0 =	vmax.f32 v0, v56;
	v3 =	vmax.f32 v3, v57;
	v14 =	vmax.f32 v25, v59;
	[tilespmem:$0x13CA0] =	vst v35  }
0x1b9: {  	v6 =	vmax.f32 v13, v61;
	v0 =	vmax.f32 v0, v60;
	v3 =	vmax.f32 v3, v53;
	v38 =	vld [tilespmem:s15+$0x1090]  }
0x1ba: {  	v7 =	vmax.f32 v14, v62;
	v6 =	vmax.f32 v6, v21;
	v42 =	vld [tilespmem:s15+$0x10A0];
	v0 =	vmax.f32 v0, v63  }
0x1bb: {  	v43 =	vld [tilespmem:s15+$0x10B0];
	v3 =	vmax.f32 v3, v20;
	v7 =	vmax.f32 v7, v22;
	v0 =	vmax.f32 v0, v23  }
0x1bc: {  	v45 =	vld [tilespmem:s15+$0x10D0];
	v3 =	vmax.f32 v3, v4;
	v4 =	vmax.f32 v6, v5;
	v5 =	vmax.f32 v7, v26  }
0x1bd: {  	v46 =	vld [tilespmem:s15+$0x10E0];
	v0 =	vmax.f32 v0, v3;
	v3 =	vmax.f32 v4, v5  }
0x1be: {  	v51 =	vld [tilespmem:s15+$0x1120];
	v37 =	vmax.f32 v0, v3  }
0x1bf: {  	v4 =	vld [tilespmem:s15+$0x1080];
	[tilespmem:$0x13CD0] =	vst v37  }
0x1c0: {  	v0 =	vld [tilespmem:s15+$0x1500]  }
0x1c1: {  	v3 =	vld [tilespmem:s15+$0x1510]  }
0x1c2: {  	v5 =	vld [tilespmem:s15+$0x1530]  }
0x1c3: {  	v31 =	vld [tilespmem:s15+$0x1540]  }
0x1c4: {  	v32 =	vld [tilespmem:s15+$0x1550]  }
0x1c5: {  	v33 =	vld [tilespmem:s15+$0x1560]  }
0x1c6: {  	v34 =	vld [tilespmem:s15+$0x1570]  }
0x1c7: {  	v52 =	vld [tilespmem:s15+$0x1580]  }
0x1c8: {  	v53 =	vld [tilespmem:s15+$0x1590]  }
0x1c9: {  	v54 =	vld [tilespmem:s15+$0x15A0]  }
0x1ca: {  	v55 =	vld [tilespmem:s15+$0x15B0]  }
0x1cb: {  	v56 =	vld [tilespmem:s15+$0x15C0]  }
0x1cc: {  	v57 =	vld [tilespmem:s15+$0x15D0]  }
0x1cd: {  	v58 =	vld [tilespmem:s15+$0x15E0]  }
0x1ce: {  	v59 =	vld [tilespmem:s15+$0x15F0]  }
0x1cf: {  	v60 =	vld [tilespmem:s15+$0x1600]  }
0x1d0: {  	v61 =	vld [tilespmem:s15+$0x1610]  }
0x1d1: {  	v62 =	vld [tilespmem:s15+$0x1620]  }
0x1d2: {  	v63 =	vld [tilespmem:s15+$0x1630]  }
0x1d3: {  	[tilespmem:$0x1FC50] =	vst v4;
	v4 =	vld [tilespmem:s15+$0x1520]  }
0x1d4: {  	v16 =	vld [tilespmem:s15+$0x1640]  }
0x1d5: {  	v45 =	vmax.f32 v38, v45;
	v46 =	vmax.f32 v42, v46;
	v17 =	vld [tilespmem:s15+$0x1650]  }
0x1d6: {  	v18 =	vld [tilespmem:s15+$0x1660];
	v38 =	vmax.f32 v46, v51;
	v0 =	vmax.f32 v0, v31;
	v3 =	vmax.f32 v3, v32  }
0x1d7: {  	v19 =	vld [tilespmem:s15+$0x1670];
	v5 =	vmax.f32 v5, v34;
	v0 =	vmax.f32 v0, v52;
	v3 =	vmax.f32 v3, v53  }
0x1d8: {  	v44 =	vld [tilespmem:s15+$0x10C0];
	v5 =	vmax.f32 v5, v55;
	v4 =	vmax.f32 v4, v33;
	v0 =	vmax.f32 v0, v56  }
0x1d9: {  	v47 =	vld [tilespmem:s15+$0x10F0];
	v3 =	vmax.f32 v3, v57;
	v5 =	vmax.f32 v5, v59;
	v4 =	vmax.f32 v4, v54  }
0x1da: {  	v48 =	vld [tilespmem:s15+$0x1100];
	v0 =	vmax.f32 v0, v60;
	v3 =	vmax.f32 v3, v61;
	v4 =	vmax.f32 v4, v58  }
0x1db: {  	v49 =	vld [tilespmem:s15+$0x1110];
	v5 =	vmax.f32 v5, v63;
	v0 =	vmax.f32 v0, v16;
	v4 =	vmax.f32 v4, v62  }
0x1dc: {  	v51 =	vld [tilespmem:$0x1FCA0];
	v3 =	vmax.f32 v3, v17;
	v5 =	vmax.f32 v5, v19;
	v4 =	vmax.f32 v4, v18  }
0x1dd: {  	v34 =	vld [tilespmem:s15+$0x1C40];
	v0 =	vmax.f32 v0, v3;
	v3 =	vmax.f32 v4, v5  }
0x1de: {  	v52 =	vld [tilespmem:s15+$0x1130];
	v36 =	vmax.f32 v0, v3  }
0x1df: {  	v53 =	vld [tilespmem:s15+$0x1140];
	[tilespmem:$0x13CE0] =	vst v36  }
0x1e0: {  	v0 =	vld [tilespmem:s15+$0x1680]  }
0x1e1: {  	v3 =	vld [tilespmem:s15+$0x1690]  }
0x1e2: {  	v4 =	vld [tilespmem:s15+$0x16A0]  }
0x1e3: {  	v5 =	vld [tilespmem:s15+$0x16B0]  }
0x1e4: {  	v20 =	vld [tilespmem:s15+$0x16C0]  }
0x1e5: {  	v21 =	vld [tilespmem:s15+$0x16D0]  }
0x1e6: {  	v22 =	vld [tilespmem:s15+$0x16E0]  }
0x1e7: {  	v23 =	vld [tilespmem:s15+$0x16F0]  }
0x1e8: {  	v24 =	vld [tilespmem:s15+$0x1700]  }
0x1e9: {  	v25 =	vld [tilespmem:s15+$0x1710]  }
0x1ea: {  	v26 =	vld [tilespmem:s15+$0x1720]  }
0x1eb: {  	[tilespmem:$0x1FBD0] =	vst v27;
	v27 =	vld [tilespmem:s15+$0x1730]  }
0x1ec: {  	[tilespmem:$0x1FBE0] =	vst v28;
	v28 =	vld [tilespmem:s15+$0x1740]  }
0x1ed: {  	[tilespmem:$0x1FBF0] =	vst v29;
	v29 =	vld [tilespmem:s15+$0x1750]  }
0x1ee: {  	[tilespmem:$0x1FC00] =	vst v30;
	v30 =	vld [tilespmem:s15+$0x1760]  }
0x1ef: {  	v31 =	vld [tilespmem:s15+$0x1770]  }
0x1f0: {  	v54 =	vld [tilespmem:s15+$0x1780]  }
0x1f1: {  	v55 =	vld [tilespmem:s15+$0x1790]  }
0x1f2: {  	v56 =	vld [tilespmem:s15+$0x17A0]  }
0x1f3: {  	v57 =	vld [tilespmem:s15+$0x17B0]  }
0x1f4: {  	v58 =	vld [tilespmem:s15+$0x17C0]  }
0x1f5: {  	v59 =	vld [tilespmem:s15+$0x17D0]  }
0x1f6: {  	v32 =	vld [tilespmem:s15+$0x17E0]  }
0x1f7: {  	v33 =	vld [tilespmem:s15+$0x17F0]  }
0x1f8: {  	v0 =	vmax.f32 v0, v20;
	v20 =	vld [tilespmem:s15+$0x1B40]  }
0x1f9: {  	v3 =	vmax.f32 v3, v21;
	v21 =	vld [tilespmem:s15+$0x1B50]  }
0x1fa: {  	v4 =	vmax.f32 v4, v22;
	v22 =	vld [tilespmem:s15+$0x1B60]  }
0x1fb: {  	v5 =	vmax.f32 v5, v23;
	v23 =	vld [tilespmem:s15+$0x1B70]  }
0x1fc: {  	v0 =	vmax.f32 v0, v24;
	v24 =	vld [tilespmem:s15+$0x1B80]  }
0x1fd: {  	v3 =	vmax.f32 v3, v25;
	v25 =	vld [tilespmem:s15+$0x1B90]  }
0x1fe: {  	v4 =	vmax.f32 v4, v26;
	v26 =	vld [tilespmem:s15+$0x1BA0]  }
0x1ff: {  	v5 =	vmax.f32 v5, v27;
	v27 =	vld [tilespmem:s15+$0x1BB0]  }
0x200: {  	v4 =	vmax.f32 v4, v30;
	v30 =	vld [tilespmem:s15+$0x1B00]  }
0x201: {  	v5 =	vmax.f32 v5, v31;
	v31 =	vld [tilespmem:s15+$0x1B10]  }
0x202: {  	v0 =	vmax.f32 v0, v28;
	v28 =	vld [tilespmem:s15+$0x1BC0]  }
0x203: {  	v3 =	vmax.f32 v3, v29;
	v29 =	vld [tilespmem:s15+$0x1BD0]  }
0x204: {  	v0 =	vmax.f32 v0, v54;
	v54 =	vld [tilespmem:s15+$0x1150]  }
0x205: {  	v3 =	vmax.f32 v3, v55;
	v55 =	vld [tilespmem:s15+$0x1160]  }
0x206: {  	v4 =	vmax.f32 v4, v56;
	v5 =	vmax.f32 v5, v57;
	v56 =	vld [tilespmem:s15+$0x1170];
	v0 =	vmax.f32 v0, v58  }
0x207: {  	v57 =	vld [tilespmem:s15+$0x1180];
	v3 =	vmax.f32 v3, v59;
	v4 =	vmax.f32 v4, v32;
	v5 =	vmax.f32 v5, v33  }
0x208: {  	v58 =	vld [tilespmem:s15+$0x1190];
	v0 =	vmax.f32 v0, v3;
	v3 =	vmax.f32 v4, v5  }
0x209: {  	v32 =	vld [tilespmem:s15+$0x1B20];
	v41 =	vmax.f32 v0, v3  }
0x20a: {  	v33 =	vld [tilespmem:s15+$0x1B30];
	[tilespmem:$0x13CF0] =	vst v41  }
0x20b: {  	v0 =	vld [tilespmem:s15+$0x1800]  }
0x20c: {  	v3 =	vld [tilespmem:s15+$0x1810]  }
0x20d: {  	v4 =	vld [tilespmem:s15+$0x1820]  }
0x20e: {  	v5 =	vld [tilespmem:s15+$0x1830]  }
0x20f: {  	v6 =	vld [tilespmem:s15+$0x1840]  }
0x210: {  	v7 =	vld [tilespmem:s15+$0x1850]  }
0x211: {  	v8 =	vld [tilespmem:s15+$0x1860]  }
0x212: {  	v9 =	vld [tilespmem:s15+$0x1870]  }
0x213: {  	v10 =	vld [tilespmem:s15+$0x1880]  }
0x214: {  	v11 =	vld [tilespmem:s15+$0x1890]  }
0x215: {  	v12 =	vld [tilespmem:s15+$0x18A0]  }
0x216: {  	v13 =	vld [tilespmem:s15+$0x18B0]  }
0x217: {  	v14 =	vld [tilespmem:s15+$0x18C0]  }
0x218: {  	v15 =	vld [tilespmem:s15+$0x18D0]  }
0x219: {  	v50 =	vld [tilespmem:s15+$0x18E0]  }
0x21a: {  	v59 =	vld [tilespmem:s15+$0x18F0]  }
0x21b: {  	v60 =	vld [tilespmem:s15+$0x1900]  }
0x21c: {  	v61 =	vld [tilespmem:s15+$0x1910]  }
0x21d: {  	v62 =	vld [tilespmem:s15+$0x1920]  }
0x21e: {  	v63 =	vld [tilespmem:s15+$0x1930]  }
0x21f: {  	v16 =	vld [tilespmem:s15+$0x1940]  }
0x220: {  	v17 =	vld [tilespmem:s15+$0x1950]  }
0x221: {  	v18 =	vld [tilespmem:s15+$0x1960]  }
0x222: {  	v19 =	vld [tilespmem:s15+$0x1970]  }
0x223: {  	v0 =	vmax.f32 v0, v6;
	v6 =	vld [tilespmem:s15+$0x1BE0]  }
0x224: {  	v22 =	vmax.f32 v32, v22;
	v3 =	vmax.f32 v3, v7;
	v7 =	vld [tilespmem:s15+$0x1BF0]  }
0x225: {  	v4 =	vmax.f32 v4, v8;
	v5 =	vmax.f32 v5, v9;
	v8 =	vld [tilespmem:s15+$0x1C00];
	v0 =	vmax.f32 v0, v10  }
0x226: {  	v9 =	vld [tilespmem:s15+$0x1C10];
	v3 =	vmax.f32 v3, v11;
	v4 =	vmax.f32 v4, v12;
	v5 =	vmax.f32 v5, v13  }
0x227: {  	v10 =	vld [tilespmem:s15+$0x1C20];
	v0 =	vmax.f32 v0, v14;
	v3 =	vmax.f32 v3, v15;
	v4 =	vmax.f32 v4, v50  }
0x228: {  	v11 =	vld [tilespmem:s15+$0x1C30];
	v5 =	vmax.f32 v5, v59;
	v0 =	vmax.f32 v0, v60;
	v3 =	vmax.f32 v3, v61  }
0x229: {  	v59 =	vld [tilespmem:s15+$0x11A0];
	v4 =	vmax.f32 v4, v62;
	v5 =	vmax.f32 v5, v63;
	v0 =	vmax.f32 v0, v16  }
0x22a: {  	v15 =	vld [tilespmem:s15+$0x11E0];
	v3 =	vmax.f32 v3, v17;
	v4 =	vmax.f32 v4, v18;
	v5 =	vmax.f32 v5, v19  }
0x22b: {  	v13 =	vmax.f32 v22, v26;
	v0 =	vmax.f32 v0, v3;
	v3 =	vmax.f32 v4, v5;
	v4 =	vld [tilespmem:s15+$0x1C50]  }
0x22c: {  	v38 =	vmax.f32 v38, v55;
	v5 =	vld [tilespmem:s15+$0x1C60];
	v6 =	vmax.f32 v13, v6;
	v50 =	vmax.f32 v0, v3  }
0x22d: {  	v0 =	vmax.f32 v30, v20;
	v3 =	vmax.f32 v31, v21;
	v30 =	vmax.f32 v33, v23;
	v31 =	vld [tilespmem:s15+$0x1C70]  }
0x22e: {  	v62 =	vld [tilespmem:s15+$0x11B0];
	v6 =	vmax.f32 v6, v10;
	v0 =	vmax.f32 v0, v24;
	v3 =	vmax.f32 v3, v25  }
0x22f: {  	v63 =	vld [tilespmem:s15+$0x11C0];
	v14 =	vmax.f32 v30, v27;
	v38 =	vmax.f32 v38, v59;
	v0 =	vmax.f32 v0, v28  }
0x230: {  	v59 =	vld [tilespmem:$0x1FC60];
	v3 =	vmax.f32 v3, v29;
	v7 =	vmax.f32 v14, v7;
	v0 =	vmax.f32 v0, v8  }
0x231: {  	[tilespmem:$0x13D00] =	vst v50;
	v14 =	vld [tilespmem:s15+$0x11F0];
	v3 =	vmax.f32 v3, v9;
	v7 =	vmax.f32 v7, v11;
	v0 =	vmax.f32 v0, v34  }
0x232: {  	v60 =	vld [tilespmem:s15+$0x1980];
	v3 =	vmax.f32 v3, v4;
	v4 =	vmax.f32 v6, v5;
	v5 =	vmax.f32 v7, v31  }
0x233: {  	v61 =	vld [tilespmem:s15+$0x1990];
	v0 =	vmax.f32 v0, v3;
	v3 =	vmax.f32 v4, v5  }
0x234: {  	v10 =	vld [tilespmem:s15+$0x19D0];
	v0 =	vmax.f32 v0, v3  }
0x235: {  	v15 =	vmax.f32 v38, v15;
	v38 =	vld [tilespmem:s15+$0x1AD0];
	[tilespmem:$0x13D20] =	vst v0  }
0x236: {  	[tilespmem:$0x1FE60] =	vst v0;
	v0 =	vld [tilespmem:s15+$0x1C80]  }
0x237: {  	v3 =	vld [tilespmem:s15+$0x1C90]  }
0x238: {  	v4 =	vld [tilespmem:s15+$0x1CA0]  }
0x239: {  	v5 =	vld [tilespmem:s15+$0x1CB0]  }
0x23a: {  	v6 =	vld [tilespmem:s15+$0x1CC0]  }
0x23b: {  	v32 =	vld [tilespmem:s15+$0x1CD0]  }
0x23c: {  	v8 =	vld [tilespmem:s15+$0x1CE0]  }
0x23d: {  	v9 =	vld [tilespmem:s15+$0x1CF0]  }
0x23e: {  	v33 =	vld [tilespmem:s15+$0x1D00]  }
0x23f: {  	v11 =	vld [tilespmem:s15+$0x1D10]  }
0x240: {  	v12 =	vld [tilespmem:s15+$0x1D20]  }
0x241: {  	v13 =	vld [tilespmem:s15+$0x1D30]  }
0x242: {  	v17 =	vld [tilespmem:s15+$0x1D40]  }
0x243: {  	v18 =	vld [tilespmem:s15+$0x1D50]  }
0x244: {  	v19 =	vld [tilespmem:s15+$0x1D60]  }
0x245: {  	v20 =	vld [tilespmem:s15+$0x1D70]  }
0x246: {  	v21 =	vld [tilespmem:s15+$0x1D80]  }
0x247: {  	v22 =	vld [tilespmem:s15+$0x1D90]  }
0x248: {  	v28 =	vld [tilespmem:s15+$0x1DA0]  }
0x249: {  	v29 =	vld [tilespmem:s15+$0x1DB0]  }
0x24a: {  	v30 =	vld [tilespmem:s15+$0x1DC0]  }
0x24b: {  	v31 =	vld [tilespmem:s15+$0x1DD0]  }
0x24c: {  	v0 =	vmax.f32 v0, v6;
	v3 =	vmax.f32 v3, v32;
	v32 =	vld [tilespmem:s15+$0x1DE0]  }
0x24d: {  	v4 =	vmax.f32 v4, v8;
	v5 =	vmax.f32 v5, v9;
	v0 =	vmax.f32 v0, v33;
	v33 =	vld [tilespmem:s15+$0x1DF0]  }
0x24e: {  	v34 =	vld [tilespmem:s15+$0x11D0];
	v3 =	vmax.f32 v3, v11;
	v4 =	vmax.f32 v4, v12;
	v5 =	vmax.f32 v5, v13  }
0x24f: {  	v7 =	vld [tilespmem:s15+$0x1A00];
	v0 =	vmax.f32 v0, v17;
	v3 =	vmax.f32 v3, v18;
	v4 =	vmax.f32 v4, v19  }
0x250: {  	v9 =	vld [tilespmem:s15+$0x19E0];
	v5 =	vmax.f32 v5, v20;
	v0 =	vmax.f32 v0, v21;
	v3 =	vmax.f32 v3, v22  }
0x251: {  	v8 =	vld [tilespmem:s15+$0x19F0];
	v4 =	vmax.f32 v4, v28;
	v5 =	vmax.f32 v5, v29;
	v0 =	vmax.f32 v0, v30  }
0x252: {  	v6 =	vld [tilespmem:s15+$0x1A10];
	v3 =	vmax.f32 v3, v31;
	v4 =	vmax.f32 v4, v32;
	v5 =	vmax.f32 v5, v33  }
0x253: {  	v13 =	vld [tilespmem:s15+$0x19A0];
	v0 =	vmax.f32 v0, v3;
	v3 =	vmax.f32 v4, v5  }
0x254: {  	v12 =	vld [tilespmem:s15+$0x19B0];
	v0 =	vmax.f32 v0, v3  }
0x255: {  	v11 =	vld [tilespmem:s15+$0x19C0];
	[tilespmem:$0x13D30] =	vst v0  }
0x256: {  	[tilespmem:$0x1FE70] =	vst v0;
	v0 =	vld [tilespmem:s15+$0x1E00]  }
0x257: {  	v3 =	vld [tilespmem:s15+$0x1E10]  }
0x258: {  	v4 =	vld [tilespmem:s15+$0x1E20]  }
0x259: {  	v16 =	vld [tilespmem:s15+$0x1E30]  }
0x25a: {  	v17 =	vld [tilespmem:s15+$0x1E40]  }
0x25b: {  	v18 =	vld [tilespmem:s15+$0x1E50]  }
0x25c: {  	v19 =	vld [tilespmem:s15+$0x1E60]  }
0x25d: {  	v20 =	vld [tilespmem:s15+$0x1E70]  }
0x25e: {  	v21 =	vld [tilespmem:s15+$0x1E80]  }
0x25f: {  	v22 =	vld [tilespmem:s15+$0x1E90]  }
0x260: {  	v23 =	vld [tilespmem:s15+$0x1EA0]  }
0x261: {  	v24 =	vld [tilespmem:s15+$0x1EB0]  }
0x262: {  	v25 =	vld [tilespmem:s15+$0x1EC0]  }
0x263: {  	v26 =	vld [tilespmem:s15+$0x1ED0]  }
0x264: {  	v27 =	vld [tilespmem:s15+$0x1EE0]  }
0x265: {  	v28 =	vld [tilespmem:s15+$0x1EF0]  }
0x266: {  	v29 =	vld [tilespmem:s15+$0x1F00]  }
0x267: {  	v30 =	vld [tilespmem:s15+$0x1F10]  }
0x268: {  	v31 =	vld [tilespmem:s15+$0x1F20]  }
0x269: {  	v32 =	vld [tilespmem:s15+$0x1F30]  }
0x26a: {  	v33 =	vld [tilespmem:s15+$0x1F40]  }
0x26b: {  	v5 =	vld [tilespmem:s15+$0x1F50]  }
0x26c: {  	v0 =	vmax.f32 v0, v17;
	v17 =	vld [tilespmem:s15+$0x1F60]  }
0x26d: {  	v3 =	vmax.f32 v3, v18;
	v4 =	vmax.f32 v4, v19;
	v18 =	vld [tilespmem:s15+$0x1F70]  }
0x26e: {  	v19 =	vld [tilespmem:s15+$0x1A20];
	v4 =	vmax.f32 v4, v23  }
0x26f: {  	v16 =	vmax.f32 v16, v20;
	v3 =	vmax.f32 v3, v22;
	v27 =	vmax.f32 v4, v27;
	v4 =	vld [tilespmem:s15+$0x1A30]  }
0x270: {  	v16 =	vmax.f32 v16, v24;
	v3 =	vmax.f32 v3, v26;
	v26 =	vld [tilespmem:$0x1FAB0]  }
0x271: {  	v16 =	vmax.f32 v16, v28;
	v28 =	vld [tilespmem:$0x1FAD0]  }
0x272: {  	v0 =	vmax.f32 v0, v21;
	v24 =	vmax.f32 v3, v30;
	v3 =	vld [tilespmem:s15+$0x1A40]  }
0x273: {  	v0 =	vmax.f32 v0, v25;
	v20 =	vmax.f32 v27, v31;
	v27 =	vld [tilespmem:$0x1FAC0]  }
0x274: {  	v0 =	vmax.f32 v0, v29;
	v29 =	vld [tilespmem:$0x1FAE0]  }
0x275: {  	v30 =	vld [tilespmem:$0x1FAF0]  }
0x276: {  	v31 =	vld [tilespmem:$0x1FB00]  }
0x277: {  	v16 =	vmax.f32 v16, v32;
	v32 =	vld [tilespmem:$0x1FB10]  }
0x278: {  	v25 =	vmax.f32 v0, v33;
	v0 =	vld [tilespmem:s15+$0x1A50]  }
0x279: {  	v5 =	vmax.f32 v24, v5;
	v33 =	vld [tilespmem:$0x1FB20];
	v17 =	vmax.f32 v20, v17;
	v16 =	vmax.f32 v16, v18  }
0x27a: {  	v18 =	vld [tilespmem:s15+$0x1A60];
	v5 =	vmax.f32 v25, v5;
	v16 =	vmax.f32 v17, v16  }
0x27b: {  	v17 =	vld [tilespmem:s15+$0x1A70];
	v16 =	vmax.f32 v5, v16  }
0x27c: {  	v5 =	vld [tilespmem:s15+$0x1A80];
	[tilespmem:$0x1FE80] =	vst v16  }
0x27d: {  	[tilespmem:$0x13D40] =	vst v16;
	v16 =	vld [tilespmem:s15+$0x1A90]  }
0x27e: {  	v22 =	vmax.f32 v28, v29;
	v29 =	vld [tilespmem:$0x1FB40]  }
0x27f: {  	v25 =	vmax.f32 v32, v33;
	v33 =	vld [tilespmem:$0x1FB80]  }
0x280: {  	v28 =	vld [tilespmem:$0x1FB30]  }
0x281: {  	v23 =	vmax.f32 v30, v31;
	v30 =	vld [tilespmem:$0x1FB50]  }
0x282: {  	v32 =	vld [tilespmem:$0x1FB70]  }
0x283: {  	v31 =	vld [tilespmem:$0x1FB60];
	v22 =	vmax.f32 v22, v29  }
0x284: {  	v22 =	vmax.f32 v22, v33;
	v33 =	vld [tilespmem:$0x1FBA0]  }
0x285: {  	v21 =	vmax.f32 v26, v27;
	v20 =	vld [tilespmem:s15+$0x1F80]  }
0x286: {  	v24 =	vld [tilespmem:s15+$0x1F90];
	v21 =	vmax.f32 v21, v28  }
0x287: {  	v21 =	vmax.f32 v21, v32;
	v32 =	vld [tilespmem:$0x1FB90]  }
0x288: {  	v26 =	vld [tilespmem:s15+$0x1FA0];
	v25 =	vmax.f32 v25, v31  }
0x289: {  	v25 =	vmax.f32 v25, v33;
	v33 =	vld [tilespmem:$0x1FBC0]  }
0x28a: {  	v27 =	vld [tilespmem:s15+$0x1FB0]  }
0x28b: {  	v42 =	vld [tilespmem:s15+$0x2030];
	v23 =	vmax.f32 v23, v30  }
0x28c: {  	v23 =	vmax.f32 v23, v32;
	v32 =	vld [tilespmem:$0x1FBB0]  }
0x28d: {  	v47 =	vmax.f32 v43, v47;
	v43 =	vld [tilespmem:s15+$0x2040]  }
0x28e: {  	v22 =	vmax.f32 v22, v33;
	v33 =	vld [tilespmem:$0x1FBE0]  }
0x28f: {  	v46 =	vld [tilespmem:s15+$0x2070]  }
0x290: {  	v55 =	vld [tilespmem:s15+$0x20D0]  }
0x291: {  	v21 =	vmax.f32 v21, v32;
	v32 =	vld [tilespmem:$0x1FBD0]  }
0x292: {  	v10 =	vmax.f32 v61, v10;
	v61 =	vld [tilespmem:s15+$0x20F0]  }
0x293: {  	v25 =	vmax.f32 v25, v33;
	v33 =	vld [tilespmem:$0x1FBF0]  }
0x294: {  	v28 =	vld [tilespmem:s15+$0x1FC0]  }
0x295: {  	v29 =	vld [tilespmem:s15+$0x1FD0]  }
0x296: {  	v23 =	vmax.f32 v23, v32;
	v32 =	vld [tilespmem:s15+$0x1FF0]  }
0x297: {  	v25 =	vmax.f32 v25, v40;
	v40 =	vld [tilespmem:$0x1FC10]  }
0x298: {  	v21 =	vmax.f32 v21, v33;
	v33 =	vld [tilespmem:$0x1FC00]  }
0x299: {  	v6 =	vmax.f32 v10, v6;
	v23 =	vmax.f32 v23, v39;
	v39 =	vld [tilespmem:$0x1FC20]  }
0x29a: {  	v0 =	vmax.f32 v6, v0;
	v30 =	vld [tilespmem:s15+$0x1FE0]  }
0x29b: {  	v11 =	vmax.f32 v60, v11;
	v0 =	vmax.f32 v0, v16;
	v60 =	vmax.f32 v27, v32;
	v32 =	vld [tilespmem:s15+$0x1AC0]  }
0x29c: {  	v0 =	vmax.f32 v0, v38;
	v38 =	vld [tilespmem:s15+$0x2530]  }
0x29d: {  	v7 =	vmax.f32 v11, v7;
	v22 =	vmax.f32 v22, v33;
	v33 =	vld [tilespmem:$0x1FC30]  }
0x29e: {  	v3 =	vmax.f32 v7, v3;
	v31 =	vmax.f32 v40, v39;
	v40 =	vmax.f32 v23, v25;
	v25 =	vld [tilespmem:s15+$0x2000]  }
0x29f: {  	v3 =	vmax.f32 v3, v5;
	v39 =	vld [tilespmem:$0x1FC40]  }
0x2a0: {  	v3 =	vmax.f32 v3, v32;
	v32 =	vld [tilespmem:s15+$0x2510];
	v21 =	vmax.f32 v21, v22  }
0x2a1: {  	v21 =	vmax.f32 v21, v40;
	v40 =	vld [tilespmem:$0x1FC50]  }
0x2a2: {  	v23 =	vmax.f32 v31, v33;
	v31 =	vld [tilespmem:s15+$0x2010]  }
0x2a3: {  	v33 =	vmax.f32 v45, v49;
	v45 =	vld [tilespmem:s15+$0x2060]  }
0x2a4: {  	v49 =	vld [tilespmem:s15+$0x2090]  }
0x2a5: {  	v22 =	vmax.f32 v23, v39;
	v39 =	vmax.f32 v47, v52;
	v47 =	vld [tilespmem:s15+$0x2080]  }
0x2a6: {  	v52 =	vld [tilespmem:s15+$0x20A0]  }
0x2a7: {  	v33 =	vmax.f32 v33, v54;
	v54 =	vld [tilespmem:s15+$0x20C0]  }
0x2a8: {  	v23 =	vmax.f32 v40, v44;
	v40 =	vld [tilespmem:s15+$0x2020]  }
0x2a9: {  	v44 =	vld [tilespmem:s15+$0x2050]  }
0x2aa: {  	v33 =	vmax.f32 v33, v58;
	v58 =	vld [tilespmem:s15+$0x20E0]  }
0x2ab: {  	v39 =	vmax.f32 v39, v56;
	v22 =	vmax.f32 v22, v51;
	v51 =	vld [tilespmem:s15+$0x2440]  }
0x2ac: {  	v39 =	vmax.f32 v39, v62;
	v62 =	vld [tilespmem:$0x1FC70]  }
0x2ad: {  	v56 =	vmax.f32 v20, v28;
	v23 =	vmax.f32 v23, v48;
	v48 =	vld [tilespmem:$0x1FC90]  }
0x2ae: {  	v11 =	vmax.f32 v56, v25;
	v56 =	vld [tilespmem:s15+$0x2490]  }
0x2af: {  	v23 =	vmax.f32 v23, v53;
	v53 =	vld [tilespmem:s15+$0x20B0]  }
0x2b0: {  	v14 =	vmax.f32 v39, v14;
	v39 =	vld [tilespmem:s15+$0x1AE0];
	v23 =	vmax.f32 v23, v57  }
0x2b1: {  	v11 =	vmax.f32 v11, v43;
	v23 =	vmax.f32 v23, v63;
	v63 =	vld [tilespmem:$0x1FC80]  }
0x2b2: {  	v57 =	vmax.f32 v24, v29;
	v11 =	vmax.f32 v11, v47;
	v47 =	vld [tilespmem:s15+$0x2400]  }
0x2b3: {  	v8 =	vmax.f32 v12, v8;
	v12 =	vmax.f32 v57, v31;
	v57 =	vld [tilespmem:s15+$0x24A0]  }
0x2b4: {  	v11 =	vmax.f32 v11, v54;
	v54 =	vld [tilespmem:s15+$0x2470]  }
0x2b5: {  	v33 =	vmax.f32 v33, v34;
	v12 =	vmax.f32 v12, v44;
	v34 =	vmax.f32 v59, v62;
	v62 =	vld [tilespmem:s15+$0x1AA0]  }
0x2b6: {  	v12 =	vmax.f32 v12, v49;
	v49 =	vld [tilespmem:s15+$0x2420]  }
0x2b7: {  	v59 =	vmax.f32 v26, v30;
	v10 =	vmax.f32 v12, v55;
	v55 =	vld [tilespmem:s15+$0x2480]  }
0x2b8: {  	v20 =	vmax.f32 v59, v40;
	v59 =	vld [tilespmem:s15+$0x24C0]  }
0x2b9: {  	v9 =	vmax.f32 v13, v9;
	v20 =	vmax.f32 v20, v45;
	v34 =	vmax.f32 v34, v63;
	v63 =	vld [tilespmem:s15+$0x1AB0]  }
0x2ba: {  	v9 =	vmax.f32 v9, v19;
	v20 =	vmax.f32 v20, v52;
	v52 =	vld [tilespmem:s15+$0x2450]  }
0x2bb: {  	v14 =	vmax.f32 v15, v14;
	v45 =	vmax.f32 v9, v18;
	v18 =	vmax.f32 v47, v51;
	v47 =	vld [tilespmem:s15+$0x2570]  }
0x2bc: {  	v15 =	vmax.f32 v34, v48;
	v34 =	vmax.f32 v22, v21;
	v22 =	vmax.f32 v60, v42;
	v42 =	vld [tilespmem:s15+$0x1AF0]  }
0x2bd: {  	v48 =	vld [tilespmem:s15+$0x2410]  }
0x2be: {  	v40 =	vmax.f32 v20, v58;
	v58 =	vld [tilespmem:s15+$0x24B0]  }
0x2bf: {  	v60 =	vld [tilespmem:s15+$0x24D0]  }
0x2c0: {  	v22 =	vmax.f32 v22, v46;
	v46 =	vld [tilespmem:$0x1FCB0]  }
0x2c1: {  	v23 =	vmax.f32 v23, v33;
	v5 =	vmax.f32 v45, v62;
	v62 =	vld [tilespmem:s15+$0x24F0]  }
0x2c2: {  	v14 =	vmax.f32 v23, v14;
	v15 =	vmax.f32 v15, v35;
	v45 =	vld [tilespmem:s15+$0x2550]  }
0x2c3: {  	v35 =	vmax.f32 v15, v14;
	v15 =	vmax.f32 v22, v53;
	v53 =	vld [tilespmem:s15+$0x2460]  }
0x2c4: {  	v5 =	vmax.f32 v5, v39;
	v39 =	vld [tilespmem:s15+$0x2540]  }
0x2c5: {  	v4 =	vmax.f32 v8, v4;
	[tilespmem:$0x1FCD0] =	vst v35;
	v15 =	vmax.f32 v15, v61;
	v61 =	vld [tilespmem:s15+$0x24E0]  }
0x2c6: {  	v4 =	vmax.f32 v4, v17;
	v10 =	vmax.f32 v11, v10;
	[tilespmem:$0x13F10] =	vst v35;
	v35 =	vld [tilespmem:s15+$0x2520];
	v43 =	vmax.f32 v40, v15  }
0x2c7: {  	v4 =	vmax.f32 v4, v63;
	v63 =	vld [tilespmem:s15+$0x2500];
	v44 =	vmax.f32 v10, v43  }
0x2c8: {  	[tilespmem:$0x13D50] =	vst v44;
	v7 =	vmax.f32 v46, v37;
	v46 =	vld [tilespmem:s15+$0x2560]  }
0x2c9: {  	v6 =	vld [tilespmem:s15+$0x2100]  }
0x2ca: {  	v9 =	vld [tilespmem:s15+$0x2110]  }
0x2cb: {  	v4 =	vmax.f32 v4, v42;
	v8 =	vld [tilespmem:s15+$0x2120]  }
0x2cc: {  	v0 =	vmax.f32 v3, v0;
	v3 =	vmax.f32 v5, v4;
	v5 =	vld [tilespmem:s15+$0x2130]  }
0x2cd: {  	v10 =	vld [tilespmem:s15+$0x2180]  }
0x2ce: {  	v11 =	vld [tilespmem:s15+$0x2190]  }
0x2cf: {  	v12 =	vld [tilespmem:s15+$0x21A0]  }
0x2d0: {  	v13 =	vld [tilespmem:s15+$0x21B0]  }
0x2d1: {  	[tilespmem:$0x13CB0] =	vst v14;
	v14 =	vld [tilespmem:s15+$0x21C0]  }
0x2d2: {  	v15 =	vld [tilespmem:s15+$0x21D0]  }
0x2d3: {  	v7 =	vmax.f32 v7, v36;
	v16 =	vld [tilespmem:s15+$0x21E0]  }
0x2d4: {  	v17 =	vld [tilespmem:s15+$0x21F0];
	v4 =	vmax.f32 v7, v41  }
0x2d5: {  	v0 =	vmax.f32 v0, v3;
	v3 =	vmax.f32 v4, v50;
	v50 =	vld [tilespmem:s15+$0x2430]  }
0x2d6: {  	v24 =	vld [tilespmem:s15+$0x2200]  }
0x2d7: {  	v25 =	vld [tilespmem:s15+$0x2210]  }
0x2d8: {  	v18 =	vmax.f32 v18, v55;
	v19 =	vmax.f32 v48, v52;
	v26 =	vld [tilespmem:s15+$0x2220]  }
0x2d9: {  	v18 =	vmax.f32 v18, v59;
	v19 =	vmax.f32 v19, v56;
	v20 =	vmax.f32 v49, v53;
	v27 =	vld [tilespmem:s15+$0x2230]  }
0x2da: {  	[tilespmem:$0x13C50] =	vst v21;
	v19 =	vmax.f32 v19, v60;
	v48 =	vld [tilespmem:s15+$0x2240];
	v20 =	vmax.f32 v20, v57;
	v21 =	vmax.f32 v50, v54  }
0x2db: {  	v49 =	vld [tilespmem:s15+$0x2250];
	v19 =	vmax.f32 v19, v32;
	v20 =	vmax.f32 v20, v61;
	v21 =	vmax.f32 v21, v58  }
0x2dc: {  	v51 =	vld [tilespmem:s15+$0x2260];
	v18 =	vmax.f32 v18, v63;
	v19 =	vmax.f32 v19, v45;
	v21 =	vmax.f32 v21, v62  }
0x2dd: {  	v52 =	vld [tilespmem:s15+$0x2270];
	v3 =	vmax.f32 v3, v0;
	v20 =	vmax.f32 v20, v35;
	v21 =	vmax.f32 v21, v38  }
0x2de: {  	[tilespmem:$0x13D10] =	vst v0;
	v7 =	vld [tilespmem:s15+$0x2170];
	v18 =	vmax.f32 v18, v39;
	v20 =	vmax.f32 v20, v46;
	v21 =	vmax.f32 v21, v47  }
0x2df: {  	v4 =	vld [tilespmem:s15+$0x2140];
	[tilespmem:$0x1FE90] =	vst v3;
	v18 =	vmax.f32 v18, v19;
	v50 =	vmax.f32 v20, v21  }
0x2e0: {  	v0 =	vld [tilespmem:s15+$0x2150];
	[tilespmem:$0x13F20] =	vst v3;
	v19 =	vmax.f32 v18, v50  }
0x2e1: {  	v3 =	vld [tilespmem:s15+$0x2160];
	[tilespmem:$0x13D80] =	vst v19  }
0x2e2: {  	[tilespmem:$0x1FFB0] =	vst v19;
	v19 =	vld [tilespmem:s15+$0x2580]  }
0x2e3: {  	v53 =	vld [tilespmem:s15+$0x2590]  }
0x2e4: {  	v54 =	vld [tilespmem:s15+$0x25A0]  }
0x2e5: {  	v55 =	vld [tilespmem:s15+$0x25B0]  }
0x2e6: {  	v56 =	vld [tilespmem:s15+$0x25C0]  }
0x2e7: {  	v57 =	vld [tilespmem:s15+$0x25D0]  }
0x2e8: {  	v58 =	vld [tilespmem:s15+$0x25E0]  }
0x2e9: {  	v59 =	vld [tilespmem:s15+$0x25F0]  }
0x2ea: {  	v60 =	vld [tilespmem:s15+$0x2600]  }
0x2eb: {  	v61 =	vld [tilespmem:s15+$0x2610]  }
0x2ec: {  	v62 =	vld [tilespmem:s15+$0x2620]  }
0x2ed: {  	v63 =	vld [tilespmem:s15+$0x2630]  }
0x2ee: {  	v30 =	vld [tilespmem:s15+$0x2640]  }
0x2ef: {  	v31 =	vld [tilespmem:s15+$0x2650]  }
0x2f0: {  	v5 =	vmax.f32 v5, v7;
	v4 =	vmax.f32 v6, v4;
	v32 =	vld [tilespmem:s15+$0x2660]  }
0x2f1: {  	v5 =	vmax.f32 v5, v13;
	v0 =	vmax.f32 v9, v0;
	v4 =	vmax.f32 v4, v10;
	v35 =	vld [tilespmem:s15+$0x2670]  }
0x2f2: {  	v5 =	vmax.f32 v5, v17;
	v3 =	vmax.f32 v8, v3;
	v0 =	vmax.f32 v0, v11;
	v38 =	vld [tilespmem:s15+$0x2680]  }
0x2f3: {  	v4 =	vmax.f32 v4, v14;
	v5 =	vmax.f32 v5, v27;
	v3 =	vmax.f32 v3, v12;
	v39 =	vld [tilespmem:s15+$0x2690]  }
0x2f4: {  	v0 =	vmax.f32 v0, v15;
	v4 =	vmax.f32 v4, v24;
	v3 =	vmax.f32 v3, v16;
	v46 =	vld [tilespmem:s15+$0x26A0]  }
0x2f5: {  	v5 =	vmax.f32 v5, v52;
	v0 =	vmax.f32 v0, v25;
	v3 =	vmax.f32 v3, v26;
	v47 =	vld [tilespmem:s15+$0x26B0]  }
0x2f6: {  	v4 =	vmax.f32 v4, v48;
	v0 =	vmax.f32 v0, v49;
	v3 =	vmax.f32 v3, v51;
	v48 =	vld [tilespmem:s15+$0x26C0]  }
0x2f7: {  	v0 =	vmax.f32 v4, v0;
	v3 =	vmax.f32 v3, v5;
	v4 =	vld [tilespmem:s15+$0x26D0]  }
0x2f8: {  	v49 =	vmax.f32 v0, v3;
	v5 =	vld [tilespmem:s15+$0x26E0];
	v0 =	vmax.f32 v19, v56;
	v3 =	vmax.f32 v53, v57  }
0x2f9: {  	v52 =	vld [tilespmem:s15+$0x26F0];
	[tilespmem:$0x13D60] =	vst v49;
	v50 =	vmax.f32 v54, v58;
	v51 =	vmax.f32 v55, v59;
	v0 =	vmax.f32 v0, v60  }
0x2fa: {  	v53 =	vld [tilespmem:s15+$0x2280];
	v3 =	vmax.f32 v3, v61;
	v13 =	vmax.f32 v50, v62;
	v14 =	vmax.f32 v51, v63  }
0x2fb: {  	v54 =	vld [tilespmem:s15+$0x2290];
	v0 =	vmax.f32 v0, v30;
	v3 =	vmax.f32 v3, v31;
	v6 =	vmax.f32 v13, v32  }
0x2fc: {  	v55 =	vld [tilespmem:s15+$0x22A0];
	v7 =	vmax.f32 v14, v35;
	v0 =	vmax.f32 v0, v38;
	v3 =	vmax.f32 v3, v39  }
0x2fd: {  	v56 =	vld [tilespmem:s15+$0x22B0];
	v6 =	vmax.f32 v6, v46;
	v7 =	vmax.f32 v7, v47;
	v0 =	vmax.f32 v0, v48  }
0x2fe: {  	v57 =	vld [tilespmem:s15+$0x22C0];
	v3 =	vmax.f32 v3, v4;
	v4 =	vmax.f32 v6, v5;
	v5 =	vmax.f32 v7, v52  }
0x2ff: {  	v58 =	vld [tilespmem:s15+$0x22D0];
	v0 =	vmax.f32 v0, v3;
	v3 =	vmax.f32 v4, v5  }
0x300: {  	[tilespmem:$0x1FCC0] =	vst v34;
	v4 =	vld [tilespmem:s15+$0x22E0];
	v0 =	vmax.f32 v0, v3  }
0x301: {  	v3 =	vld [tilespmem:s15+$0x22F0];
	[tilespmem:$0x13D90] =	vst v0  }
0x302: {  	[tilespmem:$0x1FFC0] =	vst v0;
	v0 =	vld [tilespmem:s15+$0x2700]  }
0x303: {  	[tilespmem:$0x13F00] =	vst v34;
	v5 =	vld [tilespmem:s15+$0x2730]  }
0x304: {  	[tilespmem:$0x1FEA0] =	vst v44;
	v59 =	vld [tilespmem:s15+$0x2740]  }
0x305: {  	[tilespmem:$0x1FFE0] =	vst v49;
	v60 =	vld [tilespmem:s15+$0x2750]  }
0x306: {  	[tilespmem:$0x1FCE0] =	vst v53;
	v61 =	vld [tilespmem:s15+$0x2760]  }
0x307: {  	[tilespmem:$0x1FD00] =	vst v54;
	v62 =	vld [tilespmem:s15+$0x2770]  }
0x308: {  	[tilespmem:$0x1FD20] =	vst v55;
	v63 =	vld [tilespmem:s15+$0x2780]  }
0x309: {  	[tilespmem:$0x1FD40] =	vst v56;
	v24 =	vld [tilespmem:s15+$0x2790]  }
0x30a: {  	[tilespmem:$0x1FCF0] =	vst v57;
	v25 =	vld [tilespmem:s15+$0x27A0]  }
0x30b: {  	[tilespmem:$0x1FD10] =	vst v58;
	v26 =	vld [tilespmem:s15+$0x27B0]  }
0x30c: {  	[tilespmem:$0x1FD30] =	vst v4;
	v4 =	vld [tilespmem:s15+$0x2720]  }
0x30d: {  	[tilespmem:$0x1FD50] =	vst v3;
	v3 =	vld [tilespmem:s15+$0x2710]  }
0x30e: {  	v27 =	vld [tilespmem:s15+$0x27C0]  }
0x30f: {  	v28 =	vld [tilespmem:s15+$0x27D0]  }
0x310: {  	v29 =	vld [tilespmem:s15+$0x27E0]  }
0x311: {  	v30 =	vld [tilespmem:s15+$0x27F0]  }
0x312: {  	v31 =	vld [tilespmem:s15+$0x2800]  }
0x313: {  	v32 =	vld [tilespmem:s15+$0x2810]  }
0x314: {  	v33 =	vld [tilespmem:s15+$0x2820]  }
0x315: {  	v34 =	vld [tilespmem:s15+$0x2830]  }
0x316: {  	v35 =	vld [tilespmem:s15+$0x2840]  }
0x317: {  	v36 =	vld [tilespmem:s15+$0x2850]  }
0x318: {  	v37 =	vld [tilespmem:s15+$0x2860]  }
0x319: {  	v38 =	vld [tilespmem:s15+$0x2870]  }
0x31a: {  	v39 =	vld [tilespmem:s15+$0x2300]  }
0x31b: {  	v40 =	vld [tilespmem:s15+$0x2310]  }
0x31c: {  	v41 =	vld [tilespmem:s15+$0x2320]  }
0x31d: {  	v42 =	vld [tilespmem:s15+$0x2330]  }
0x31e: {  	v43 =	vld [tilespmem:s15+$0x2340]  }
0x31f: {  	v44 =	vld [tilespmem:s15+$0x2350]  }
0x320: {  	v18 =	vld [tilespmem:s15+$0x2D00]  }
0x321: {  	v19 =	vld [tilespmem:s15+$0x2D10]  }
0x322: {  	v20 =	vld [tilespmem:s15+$0x2D20]  }
0x323: {  	v21 =	vld [tilespmem:s15+$0x2D30]  }
0x324: {  	v22 =	vld [tilespmem:s15+$0x2D40];
	v5 =	vmax.f32 v5, v62  }
0x325: {  	v0 =	vmax.f32 v0, v59;
	v5 =	vmax.f32 v5, v26;
	v26 =	vld [tilespmem:s15+$0x2390];
	v4 =	vmax.f32 v4, v61  }
0x326: {  	v0 =	vmax.f32 v0, v63;
	v4 =	vmax.f32 v4, v25;
	v25 =	vld [tilespmem:s15+$0x2380]  }
0x327: {  	v0 =	vmax.f32 v0, v27;
	v27 =	vld [tilespmem:s15+$0x23A0]  }
0x328: {  	v3 =	vmax.f32 v3, v60;
	v4 =	vmax.f32 v4, v29;
	v29 =	vld [tilespmem:s15+$0x23C0]  }
0x329: {  	v3 =	vmax.f32 v3, v24;
	v5 =	vmax.f32 v5, v30;
	v30 =	vld [tilespmem:s15+$0x23D0]  }
0x32a: {  	v3 =	vmax.f32 v3, v28;
	v0 =	vmax.f32 v0, v31;
	v4 =	vmax.f32 v4, v33;
	v28 =	vld [tilespmem:s15+$0x23B0]  }
0x32b: {  	v5 =	vmax.f32 v5, v34;
	v31 =	vld [tilespmem:s15+$0x2D50];
	v3 =	vmax.f32 v3, v32;
	v0 =	vmax.f32 v0, v35  }
0x32c: {  	v4 =	vmax.f32 v4, v37;
	v5 =	vmax.f32 v5, v38;
	v3 =	vmax.f32 v3, v36;
	v36 =	vld [tilespmem:s15+$0x2E70]  }
0x32d: {  	v0 =	vmax.f32 v0, v3;
	v3 =	vmax.f32 v4, v5;
	v4 =	vld [tilespmem:s15+$0x2360]  }
0x32e: {  	v0 =	vmax.f32 v0, v3;
	v3 =	vld [tilespmem:s15+$0x2370]  }
0x32f: {  	[tilespmem:$0x1FE20] =	vst v29;
	v29 =	vld [tilespmem:s15+$0x2E40]  }
0x330: {  	[tilespmem:$0x1FE30] =	vst v30;
	v30 =	vld [tilespmem:s15+$0x2E50]  }
0x331: {  	[tilespmem:$0x1FE10] =	vst v28;
	v28 =	vld [tilespmem:s15+$0x2E30]  }
0x332: {  	[tilespmem:$0x13DA0] =	vst v0;
	v19 =	vmax.f32 v19, v31;
	v31 =	vld [tilespmem:s15+$0x2E60]  }
0x333: {  	[tilespmem:$0x1FFD0] =	vst v0;
	v0 =	vld [tilespmem:s15+$0x2880]  }
0x334: {  	v5 =	vld [tilespmem:s15+$0x28B0]  }
0x335: {  	v45 =	vld [tilespmem:s15+$0x28C0]  }
0x336: {  	v46 =	vld [tilespmem:s15+$0x28D0]  }
0x337: {  	v47 =	vld [tilespmem:s15+$0x28E0]  }
0x338: {  	v48 =	vld [tilespmem:s15+$0x28F0]  }
0x339: {  	v49 =	vld [tilespmem:s15+$0x2900]  }
0x33a: {  	v50 =	vld [tilespmem:s15+$0x2910]  }
0x33b: {  	v51 =	vld [tilespmem:s15+$0x2920]  }
0x33c: {  	v52 =	vld [tilespmem:s15+$0x2930]  }
0x33d: {  	v53 =	vld [tilespmem:s15+$0x2940]  }
0x33e: {  	v54 =	vld [tilespmem:s15+$0x2950]  }
0x33f: {  	v55 =	vld [tilespmem:s15+$0x2960]  }
0x340: {  	v56 =	vld [tilespmem:s15+$0x2970]  }
0x341: {  	v57 =	vld [tilespmem:s15+$0x2980]  }
0x342: {  	v58 =	vld [tilespmem:s15+$0x2990]  }
0x343: {  	v59 =	vld [tilespmem:s15+$0x29A0]  }
0x344: {  	v60 =	vld [tilespmem:s15+$0x29B0]  }
0x345: {  	v61 =	vld [tilespmem:s15+$0x29C0]  }
0x346: {  	v62 =	vld [tilespmem:s15+$0x29D0]  }
0x347: {  	v63 =	vld [tilespmem:s15+$0x29E0]  }
0x348: {  	v24 =	vld [tilespmem:s15+$0x29F0]  }
0x349: {  	[tilespmem:$0x1FDC0] =	vst v4;
	v4 =	vld [tilespmem:s15+$0x28A0]  }
0x34a: {  	[tilespmem:$0x1FDD0] =	vst v3;
	v3 =	vld [tilespmem:s15+$0x2890];
	v0 =	vmax.f32 v0, v45;
	v5 =	vmax.f32 v5, v48  }
0x34b: {  	v0 =	vmax.f32 v0, v49;
	v5 =	vmax.f32 v5, v52;
	v52 =	vld [tilespmem:s15+$0x2D70]  }
0x34c: {  	v0 =	vmax.f32 v0, v53;
	v53 =	vld [tilespmem:s15+$0x2D80]  }
0x34d: {  	v5 =	vmax.f32 v5, v56;
	v56 =	vld [tilespmem:s15+$0x2DB0]  }
0x34e: {  	v0 =	vmax.f32 v0, v57;
	v57 =	vld [tilespmem:s15+$0x2DC0]  }
0x34f: {  	v4 =	vmax.f32 v4, v47;
	v5 =	vmax.f32 v5, v60;
	v60 =	vld [tilespmem:s15+$0x2DF0]  }
0x350: {  	v4 =	vmax.f32 v4, v51;
	v5 =	vmax.f32 v5, v24;
	v24 =	vld [tilespmem:s15+$0x2D60]  }
0x351: {  	v3 =	vmax.f32 v3, v46;
	v4 =	vmax.f32 v4, v55;
	v55 =	vld [tilespmem:s15+$0x2DA0]  }
0x352: {  	v3 =	vmax.f32 v3, v50;
	v0 =	vmax.f32 v0, v61;
	v61 =	vld [tilespmem:s15+$0x2E00]  }
0x353: {  	v3 =	vmax.f32 v3, v54;
	v54 =	vld [tilespmem:s15+$0x2D90]  }
0x354: {  	v4 =	vmax.f32 v4, v59;
	v59 =	vld [tilespmem:s15+$0x2DE0]  }
0x355: {  	v3 =	vmax.f32 v3, v58;
	v58 =	vld [tilespmem:s15+$0x2DD0]  }
0x356: {  	v4 =	vmax.f32 v4, v63;
	v63 =	vld [tilespmem:s15+$0x2E20];
	v3 =	vmax.f32 v3, v62  }
0x357: {  	v62 =	vld [tilespmem:s15+$0x2E10];
	v0 =	vmax.f32 v0, v3;
	v3 =	vmax.f32 v4, v5  }
0x358: {  	v4 =	vld [tilespmem:s15+$0x23E0];
	v0 =	vmax.f32 v0, v3  }
0x359: {  	v3 =	vld [tilespmem:s15+$0x23F0];
	[tilespmem:$0x13DB0] =	vst v0  }
0x35a: {  	[tilespmem:$0x1FFF0] =	vst v0;
	v0 =	vld [tilespmem:s15+$0x2A00]  }
0x35b: {  	v5 =	vld [tilespmem:s15+$0x2A30]  }
0x35c: {  	v6 =	vld [tilespmem:s15+$0x2A40]  }
0x35d: {  	v7 =	vld [tilespmem:s15+$0x2A50]  }
0x35e: {  	v8 =	vld [tilespmem:s15+$0x2A60]  }
0x35f: {  	v9 =	vld [tilespmem:s15+$0x2A70]  }
0x360: {  	v10 =	vld [tilespmem:s15+$0x2A80]  }
0x361: {  	v11 =	vld [tilespmem:s15+$0x2A90]  }
0x362: {  	v12 =	vld [tilespmem:s15+$0x2AA0]  }
0x363: {  	v13 =	vld [tilespmem:s15+$0x2AB0]  }
0x364: {  	v14 =	vld [tilespmem:s15+$0x2AC0]  }
0x365: {  	v15 =	vld [tilespmem:s15+$0x2AD0]  }
0x366: {  	v16 =	vld [tilespmem:s15+$0x2AE0]  }
0x367: {  	v17 =	vld [tilespmem:s15+$0x2AF0]  }
0x368: {  	v18 =	vmax.f32 v18, v22;
	v21 =	vmax.f32 v21, v52;
	v20 =	vmax.f32 v20, v24;
	v24 =	vld [tilespmem:s15+$0x2B00]  }
0x369: {  	v18 =	vmax.f32 v18, v53;
	v21 =	vmax.f32 v21, v56;
	v38 =	vld [tilespmem:s15+$0x2B10]  }
0x36a: {  	[tilespmem:$0x1FDF0] =	vst v26;
	v18 =	vmax.f32 v18, v57;
	v21 =	vmax.f32 v21, v60;
	v26 =	vld [tilespmem:s15+$0x2B20]  }
0x36b: {  	v18 =	vmax.f32 v18, v61;
	v19 =	vmax.f32 v19, v54;
	v20 =	vmax.f32 v20, v55;
	v33 =	vld [tilespmem:s15+$0x2B30]  }
0x36c: {  	[tilespmem:$0x1FD70] =	vst v40;
	v21 =	vmax.f32 v21, v28;
	v19 =	vmax.f32 v19, v58;
	v20 =	vmax.f32 v20, v59;
	v40 =	vld [tilespmem:s15+$0x2B40]  }
0x36d: {  	v18 =	vmax.f32 v18, v29;
	v22 =	vld [tilespmem:s15+$0x2B50];
	v19 =	vmax.f32 v19, v62;
	v20 =	vmax.f32 v20, v63  }
0x36e: {  	v21 =	vmax.f32 v21, v36;
	v54 =	vld [tilespmem:s15+$0x2B60];
	v19 =	vmax.f32 v19, v30;
	v20 =	vmax.f32 v20, v31  }
0x36f: {  	v55 =	vld [tilespmem:s15+$0x2B70];
	[tilespmem:$0x1FE40] =	vst v4;
	v18 =	vmax.f32 v18, v19;
	v53 =	vmax.f32 v20, v21  }
0x370: {  	v4 =	vld [tilespmem:s15+$0x2A20];
	[tilespmem:$0x1FE50] =	vst v3;
	v58 =	vmax.f32 v18, v53  }
0x371: {  	v3 =	vld [tilespmem:s15+$0x2A10];
	[tilespmem:$0x13DE0] =	vst v58  }
0x372: {  	v19 =	vld [tilespmem:s15+$0x2E80]  }
0x373: {  	v56 =	vld [tilespmem:s15+$0x2E90]  }
0x374: {  	v57 =	vld [tilespmem:s15+$0x2EA0]  }
0x375: {  	v59 =	vld [tilespmem:s15+$0x2EB0]  }
0x376: {  	v60 =	vld [tilespmem:s15+$0x2EC0]  }
0x377: {  	v61 =	vld [tilespmem:s15+$0x2ED0]  }
0x378: {  	v62 =	vld [tilespmem:s15+$0x2EE0]  }
0x379: {  	v63 =	vld [tilespmem:s15+$0x2EF0]  }
0x37a: {  	[tilespmem:$0x1FE00] =	vst v27;
	v27 =	vld [tilespmem:s15+$0x2F00]  }
0x37b: {  	v28 =	vld [tilespmem:s15+$0x2F10]  }
0x37c: {  	v29 =	vld [tilespmem:s15+$0x2F20]  }
0x37d: {  	v30 =	vld [tilespmem:s15+$0x2F30]  }
0x37e: {  	v31 =	vld [tilespmem:s15+$0x2F40]  }
0x37f: {  	v32 =	vld [tilespmem:s15+$0x2F50]  }
0x380: {  	v34 =	vld [tilespmem:s15+$0x2F60]  }
0x381: {  	v0 =	vmax.f32 v0, v6;
	v5 =	vmax.f32 v5, v9;
	v35 =	vld [tilespmem:s15+$0x2F70]  }
0x382: {  	v0 =	vmax.f32 v0, v10;
	v5 =	vmax.f32 v5, v13;
	v36 =	vld [tilespmem:s15+$0x2F80];
	v4 =	vmax.f32 v4, v8  }
0x383: {  	v37 =	vld [tilespmem:s15+$0x2F90];
	v0 =	vmax.f32 v0, v14;
	v5 =	vmax.f32 v5, v17;
	v3 =	vmax.f32 v3, v7  }
0x384: {  	[tilespmem:$0x1FD60] =	vst v39;
	v39 =	vld [tilespmem:s15+$0x2FB0];
	v4 =	vmax.f32 v4, v12;
	v0 =	vmax.f32 v0, v24;
	v3 =	vmax.f32 v3, v11  }
0x385: {  	v45 =	vld [tilespmem:s15+$0x2FF0];
	v5 =	vmax.f32 v5, v33;
	v4 =	vmax.f32 v4, v16;
	v3 =	vmax.f32 v3, v15  }
0x386: {  	v10 =	vld [tilespmem:s15+$0x3600];
	v0 =	vmax.f32 v0, v40;
	v4 =	vmax.f32 v4, v26;
	v3 =	vmax.f32 v3, v38  }
0x387: {  	v5 =	vmax.f32 v5, v55;
	v40 =	vld [tilespmem:s15+$0x2FC0];
	v4 =	vmax.f32 v4, v54;
	v3 =	vmax.f32 v3, v22  }
0x388: {  	v38 =	vld [tilespmem:s15+$0x2FA0];
	v0 =	vmax.f32 v0, v3;
	v3 =	vmax.f32 v4, v5  }
0x389: {  	v4 =	vld [tilespmem:s15+$0x2FD0];
	v52 =	vmax.f32 v0, v3  }
0x38a: {  	v5 =	vld [tilespmem:s15+$0x2FE0];
	[tilespmem:$0x13DC0] =	vst v52  }
0x38b: {  	v46 =	vld [tilespmem:s15+$0x2B80]  }
0x38c: {  	v47 =	vld [tilespmem:s15+$0x2B90]  }
0x38d: {  	v48 =	vld [tilespmem:s15+$0x2BA0]  }
0x38e: {  	[tilespmem:$0x1FDA0] =	vst v43;
	v49 =	vld [tilespmem:s15+$0x2BB0]  }
0x38f: {  	[tilespmem:$0x1FDB0] =	vst v44;
	v43 =	vmax.f32 v57, v62;
	v44 =	vmax.f32 v59, v63;
	v50 =	vld [tilespmem:s15+$0x2BC0]  }
0x390: {  	v13 =	vmax.f32 v43, v29;
	v14 =	vmax.f32 v44, v30;
	v0 =	vmax.f32 v19, v60;
	v51 =	vld [tilespmem:s15+$0x2BD0]  }
0x391: {  	v6 =	vmax.f32 v13, v34;
	v3 =	vmax.f32 v56, v61;
	v0 =	vmax.f32 v0, v27;
	v34 =	vld [tilespmem:s15+$0x2C00]  }
0x392: {  	v7 =	vmax.f32 v14, v35;
	v3 =	vmax.f32 v3, v28;
	v0 =	vmax.f32 v0, v31;
	v35 =	vld [tilespmem:s15+$0x2C10]  }
0x393: {  	v3 =	vmax.f32 v3, v32;
	v6 =	vmax.f32 v6, v38;
	v38 =	vld [tilespmem:s15+$0x2C40];
	v0 =	vmax.f32 v0, v36  }
0x394: {  	v7 =	vmax.f32 v7, v39;
	v39 =	vld [tilespmem:s15+$0x2C50];
	v3 =	vmax.f32 v3, v37;
	v0 =	vmax.f32 v0, v40  }
0x395: {  	v36 =	vld [tilespmem:s15+$0x2C20];
	v3 =	vmax.f32 v3, v4;
	v4 =	vmax.f32 v6, v5;
	v5 =	vmax.f32 v7, v45  }
0x396: {  	v37 =	vld [tilespmem:s15+$0x2C30];
	v0 =	vmax.f32 v0, v3;
	v3 =	vmax.f32 v4, v5  }
0x397: {  	v4 =	vld [tilespmem:s15+$0x2BE0];
	[tilespmem:$0x1FEC0] =	vst v50;
	v50 =	vmax.f32 v0, v3  }
0x398: {  	v0 =	vld [tilespmem:s15+$0x2BF0];
	[tilespmem:$0x13DF0] =	vst v50  }
0x399: {  	v3 =	vld [tilespmem:s15+$0x3010]  }
0x39a: {  	v5 =	vld [tilespmem:s15+$0x3030]  }
0x39b: {  	v53 =	vld [tilespmem:s15+$0x3040]  }
0x39c: {  	v54 =	vld [tilespmem:s15+$0x3050]  }
0x39d: {  	v55 =	vld [tilespmem:s15+$0x3060]  }
0x39e: {  	v56 =	vld [tilespmem:s15+$0x3070]  }
0x39f: {  	v57 =	vld [tilespmem:s15+$0x3080]  }
0x3a0: {  	v59 =	vld [tilespmem:s15+$0x3090]  }
0x3a1: {  	v60 =	vld [tilespmem:s15+$0x30A0]  }
0x3a2: {  	v61 =	vld [tilespmem:s15+$0x30B0]  }
0x3a3: {  	v62 =	vld [tilespmem:s15+$0x30C0]  }
0x3a4: {  	v63 =	vld [tilespmem:s15+$0x30D0]  }
0x3a5: {  	v24 =	vld [tilespmem:s15+$0x30E0]  }
0x3a6: {  	[tilespmem:$0x1FDE0] =	vst v25;
	v25 =	vld [tilespmem:s15+$0x30F0]  }
0x3a7: {  	v26 =	vld [tilespmem:s15+$0x3100]  }
0x3a8: {  	v27 =	vld [tilespmem:s15+$0x3110]  }
0x3a9: {  	v28 =	vld [tilespmem:s15+$0x3120]  }
0x3aa: {  	v29 =	vld [tilespmem:s15+$0x3130]  }
0x3ab: {  	[tilespmem:$0x1FF00] =	vst v4;
	v4 =	vld [tilespmem:s15+$0x3020]  }
0x3ac: {  	[tilespmem:$0x1FF20] =	vst v0;
	v0 =	vld [tilespmem:s15+$0x3000]  }
0x3ad: {  	v30 =	vld [tilespmem:s15+$0x3140]  }
0x3ae: {  	v31 =	vld [tilespmem:s15+$0x3150]  }
0x3af: {  	v32 =	vld [tilespmem:s15+$0x3160];
	v3 =	vmax.f32 v3, v54;
	v5 =	vmax.f32 v5, v56  }
0x3b0: {  	v33 =	vld [tilespmem:s15+$0x3170];
	v4 =	vmax.f32 v4, v55;
	v3 =	vmax.f32 v3, v59;
	v5 =	vmax.f32 v5, v61  }
0x3b1: {  	v61 =	vld [tilespmem:s15+$0x2C90];
	v4 =	vmax.f32 v4, v60;
	v3 =	vmax.f32 v3, v63;
	v0 =	vmax.f32 v0, v53  }
0x3b2: {  	v5 =	vmax.f32 v5, v25;
	v60 =	vld [tilespmem:s15+$0x2C80];
	v4 =	vmax.f32 v4, v24;
	v0 =	vmax.f32 v0, v57  }
0x3b3: {  	v63 =	vld [tilespmem:s15+$0x2CA0];
	v3 =	vmax.f32 v3, v27;
	v5 =	vmax.f32 v5, v29;
	v0 =	vmax.f32 v0, v62  }
0x3b4: {  	v29 =	vld [tilespmem:s15+$0x3620];
	v4 =	vmax.f32 v4, v28;
	v3 =	vmax.f32 v3, v31;
	v0 =	vmax.f32 v0, v26  }
0x3b5: {  	v5 =	vmax.f32 v5, v33;
	v28 =	vld [tilespmem:s15+$0x3610];
	v4 =	vmax.f32 v4, v32;
	v0 =	vmax.f32 v0, v30  }
0x3b6: {  	v30 =	vld [tilespmem:s15+$0x3630];
	v0 =	vmax.f32 v0, v3;
	v3 =	vmax.f32 v4, v5  }
0x3b7: {  	[tilespmem:$0x1FF10] =	vst v49;
	v4 =	vld [tilespmem:s15+$0x2C60];
	v49 =	vmax.f32 v0, v3  }
0x3b8: {  	v0 =	vld [tilespmem:s15+$0x2C70];
	[tilespmem:$0x13E00] =	vst v49  }
0x3b9: {  	v3 =	vld [tilespmem:s15+$0x3190]  }
0x3ba: {  	v5 =	vld [tilespmem:s15+$0x31B0]  }
0x3bb: {  	v40 =	vld [tilespmem:s15+$0x31C0]  }
0x3bc: {  	[tilespmem:$0x1FD80] =	vst v41;
	v41 =	vld [tilespmem:s15+$0x31D0]  }
0x3bd: {  	[tilespmem:$0x1FD90] =	vst v42;
	v42 =	vld [tilespmem:s15+$0x31E0]  }
0x3be: {  	v43 =	vld [tilespmem:s15+$0x31F0]  }
0x3bf: {  	v44 =	vld [tilespmem:s15+$0x3200]  }
0x3c0: {  	v45 =	vld [tilespmem:s15+$0x3210]  }
0x3c1: {  	[tilespmem:$0x1FEB0] =	vst v46;
	v46 =	vld [tilespmem:s15+$0x3220]  }
0x3c2: {  	[tilespmem:$0x1FED0] =	vst v47;
	v47 =	vld [tilespmem:s15+$0x3230]  }
0x3c3: {  	[tilespmem:$0x1FEF0] =	vst v48;
	v48 =	vld [tilespmem:s15+$0x3240]  }
0x3c4: {  	[tilespmem:$0x1FEE0] =	vst v51;
	v51 =	vld [tilespmem:s15+$0x3250]  }
0x3c5: {  	v53 =	vld [tilespmem:s15+$0x3260]  }
0x3c6: {  	v54 =	vld [tilespmem:s15+$0x3270]  }
0x3c7: {  	v55 =	vld [tilespmem:s15+$0x3280]  }
0x3c8: {  	v56 =	vld [tilespmem:s15+$0x3290]  }
0x3c9: {  	v57 =	vld [tilespmem:s15+$0x32A0]  }
0x3ca: {  	v59 =	vld [tilespmem:s15+$0x32B0]  }
0x3cb: {  	v24 =	vld [tilespmem:s15+$0x32C0]  }
0x3cc: {  	v25 =	vld [tilespmem:s15+$0x32D0]  }
0x3cd: {  	v26 =	vld [tilespmem:s15+$0x32E0]  }
0x3ce: {  	v27 =	vld [tilespmem:s15+$0x32F0]  }
0x3cf: {  	[tilespmem:$0x1FF90] =	vst v4;
	v4 =	vld [tilespmem:s15+$0x31A0]  }
0x3d0: {  	[tilespmem:$0x1FFA0] =	vst v0;
	v0 =	vld [tilespmem:s15+$0x3180]  }
0x3d1: {  	v3 =	vmax.f32 v3, v41;
	v41 =	vld [tilespmem:s15+$0x3720]  }
0x3d2: {  	v5 =	vmax.f32 v5, v43;
	v43 =	vld [tilespmem:s15+$0x3740]  }
0x3d3: {  	v3 =	vmax.f32 v3, v45;
	v45 =	vld [tilespmem:s15+$0x3640]  }
0x3d4: {  	v5 =	vmax.f32 v5, v47;
	v47 =	vld [tilespmem:s15+$0x3660]  }
0x3d5: {  	v5 =	vmax.f32 v5, v54;
	v54 =	vld [tilespmem:s15+$0x2CE0]  }
0x3d6: {  	v3 =	vmax.f32 v3, v51;
	v51 =	vld [tilespmem:s15+$0x2CF0]  }
0x3d7: {  	v4 =	vmax.f32 v4, v42;
	v42 =	vld [tilespmem:s15+$0x3730]  }
0x3d8: {  	v3 =	vmax.f32 v3, v56;
	v56 =	vld [tilespmem:s15+$0x2CB0]  }
0x3d9: {  	v4 =	vmax.f32 v4, v46;
	v46 =	vld [tilespmem:s15+$0x3650]  }
0x3da: {  	v5 =	vmax.f32 v5, v59;
	v59 =	vld [tilespmem:s15+$0x3680]  }
0x3db: {  	v0 =	vmax.f32 v0, v40;
	v40 =	vld [tilespmem:s15+$0x36D0]  }
0x3dc: {  	v4 =	vmax.f32 v4, v53;
	v53 =	vld [tilespmem:s15+$0x2CD0]  }
0x3dd: {  	v3 =	vmax.f32 v3, v25;
	v25 =	vld [tilespmem:s15+$0x36A0]  }
0x3de: {  	v5 =	vmax.f32 v5, v27;
	v27 =	vld [tilespmem:s15+$0x36C0]  }
0x3df: {  	v0 =	vmax.f32 v0, v44;
	v44 =	vld [tilespmem:s15+$0x3750]  }
0x3e0: {  	v0 =	vmax.f32 v0, v48;
	v48 =	vld [tilespmem:s15+$0x3670]  }
0x3e1: {  	v4 =	vmax.f32 v4, v57;
	v0 =	vmax.f32 v0, v55;
	v55 =	vld [tilespmem:s15+$0x2CC0]  }
0x3e2: {  	v4 =	vmax.f32 v4, v26;
	v26 =	vld [tilespmem:s15+$0x36B0]  }
0x3e3: {  	v10 =	vmax.f32 v10, v45;
	v45 =	vld [tilespmem:s15+$0x3760]  }
0x3e4: {  	v0 =	vmax.f32 v0, v24;
	v24 =	vld [tilespmem:s15+$0x3690]  }
0x3e5: {  	v0 =	vmax.f32 v0, v3;
	v3 =	vmax.f32 v4, v5;
	v4 =	vld [tilespmem:s15+$0x3700]  }
0x3e6: {  	v5 =	vld [tilespmem:s15+$0x3710]  }
0x3e7: {  	v11 =	vmax.f32 v28, v46;
	v46 =	vld [tilespmem:s15+$0x3770]  }
0x3e8: {  	v57 =	vmax.f32 v0, v3;
	v0 =	vld [tilespmem:s15+$0x36E0]  }
0x3e9: {  	v3 =	vld [tilespmem:s15+$0x36F0];
	[tilespmem:$0x13E10] =	vst v57  }
0x3ea: {  	[tilespmem:$0x1FF60] =	vst v37;
	v37 =	vld [tilespmem:s15+$0x3300]  }
0x3eb: {  	[tilespmem:$0x1FF50] =	vst v36;
	v36 =	vld [tilespmem:s15+$0x3310]  }
0x3ec: {  	[tilespmem:$0x1FF80] =	vst v39;
	v39 =	vld [tilespmem:s15+$0x3320]  }
0x3ed: {  	[tilespmem:$0x1FF70] =	vst v38;
	v38 =	vld [tilespmem:s15+$0x3330]  }
0x3ee: {  	v32 =	vld [tilespmem:s15+$0x3340]  }
0x3ef: {  	v31 =	vld [tilespmem:s15+$0x3350]  }
0x3f0: {  	[tilespmem:$0x1FF40] =	vst v35;
	v12 =	vmax.f32 v29, v47;
	v35 =	vld [tilespmem:s15+$0x3360]  }
0x3f1: {  	[tilespmem:$0x1FF30] =	vst v34;
	v10 =	vmax.f32 v10, v59;
	v12 =	vmax.f32 v12, v25;
	v34 =	vld [tilespmem:s15+$0x3370]  }
0x3f2: {  	v10 =	vmax.f32 v10, v27;
	v13 =	vmax.f32 v30, v48;
	v30 =	vld [tilespmem:s15+$0x3380];
	v11 =	vmax.f32 v11, v24  }
0x3f3: {  	v13 =	vmax.f32 v13, v26;
	v29 =	vld [tilespmem:s15+$0x3390];
	v11 =	vmax.f32 v11, v40;
	v4 =	vmax.f32 v10, v4  }
0x3f4: {  	v28 =	vld [tilespmem:s15+$0x33A0];
	v0 =	vmax.f32 v12, v0;
	v3 =	vmax.f32 v13, v3;
	v5 =	vmax.f32 v11, v5  }
0x3f5: {  	v27 =	vld [tilespmem:s15+$0x33B0];
	v4 =	vmax.f32 v4, v43;
	v0 =	vmax.f32 v0, v41;
	v3 =	vmax.f32 v3, v42  }
0x3f6: {  	v26 =	vld [tilespmem:s15+$0x33C0];
	v5 =	vmax.f32 v5, v44;
	v0 =	vmax.f32 v0, v45;
	v3 =	vmax.f32 v3, v46  }
0x3f7: {  	v25 =	vld [tilespmem:s15+$0x33D0];
	v4 =	vmax.f32 v4, v5;
	v0 =	vmax.f32 v0, v3  }
0x3f8: {  	v23 =	vld [tilespmem:s15+$0x33E0];
	v62 =	vmax.f32 v4, v0  }
0x3f9: {  	v21 =	vld [tilespmem:s15+$0x3400];
	[tilespmem:$0x13E40] =	vst v62  }
0x3fa: {  	v5 =	vld [tilespmem:s15+$0x3780]  }
0x3fb: {  	v8 =	vld [tilespmem:s15+$0x3790]  }
0x3fc: {  	v9 =	vld [tilespmem:s15+$0x37A0]  }
0x3fd: {  	v11 =	vld [tilespmem:s15+$0x37B0]  }
0x3fe: {  	v13 =	vld [tilespmem:s15+$0x37C0]  }
0x3ff: {  	v47 =	vld [tilespmem:s15+$0x37D0]  }
0x400: {  	v15 =	vld [tilespmem:s15+$0x37E0]  }
0x401: {  	v17 =	vld [tilespmem:s15+$0x37F0]  }
0x402: {  	v48 =	vld [tilespmem:s15+$0x3800]  }
0x403: {  	v19 =	vld [tilespmem:s15+$0x3810]  }
0x404: {  	v20 =	vld [tilespmem:s15+$0x3820]  }
0x405: {  	v59 =	vld [tilespmem:s15+$0x3830]  }
0x406: {  	v40 =	vld [tilespmem:s15+$0x3840]  }
0x407: {  	v0 =	vld [tilespmem:s15+$0x3850]  }
0x408: {  	v3 =	vld [tilespmem:s15+$0x3860]  }
0x409: {  	v4 =	vld [tilespmem:s15+$0x3870]  }
0x40a: {  	v41 =	vld [tilespmem:s15+$0x3880]  }
0x40b: {  	v42 =	vld [tilespmem:s15+$0x3890]  }
0x40c: {  	v43 =	vld [tilespmem:s15+$0x38A0]  }
0x40d: {  	v44 =	vld [tilespmem:s15+$0x38B0]  }
0x40e: {  	v45 =	vld [tilespmem:s15+$0x38C0]  }
0x40f: {  	v46 =	vld [tilespmem:s15+$0x38D0]  }
0x410: {  	v5 =	vmax.f32 v5, v13;
	v8 =	vmax.f32 v8, v47;
	v47 =	vld [tilespmem:s15+$0x38E0]  }
0x411: {  	v9 =	vmax.f32 v9, v15;
	v11 =	vmax.f32 v11, v17;
	v5 =	vmax.f32 v5, v48;
	v48 =	vld [tilespmem:s15+$0x38F0]  }
0x412: {  	v7 =	vld [tilespmem:s15+$0x3430];
	v8 =	vmax.f32 v8, v19;
	v9 =	vmax.f32 v9, v20;
	v11 =	vmax.f32 v11, v59  }
0x413: {  	v24 =	vld [tilespmem:s15+$0x33F0];
	v5 =	vmax.f32 v5, v40;
	v0 =	vmax.f32 v8, v0;
	v3 =	vmax.f32 v9, v3  }
0x414: {  	v59 =	vld [tilespmem:s15+$0x3410];
	v4 =	vmax.f32 v11, v4;
	v5 =	vmax.f32 v5, v41;
	v0 =	vmax.f32 v0, v42  }
0x415: {  	v8 =	vld [tilespmem:s15+$0x3420];
	v3 =	vmax.f32 v3, v43;
	v4 =	vmax.f32 v4, v44;
	v5 =	vmax.f32 v5, v45  }
0x416: {  	v9 =	vld [tilespmem:s15+$0x3440];
	v0 =	vmax.f32 v0, v46;
	v3 =	vmax.f32 v3, v47;
	v4 =	vmax.f32 v4, v48  }
0x417: {  	v0 =	vmax.f32 v5, v0;
	v3 =	vmax.f32 v3, v4;
	v4 =	vld [tilespmem:s15+$0x3450]  }
0x418: {  	v48 =	vmax.f32 v0, v3;
	v0 =	vld [tilespmem:s15+$0x3460]  }
0x419: {  	v3 =	vld [tilespmem:s15+$0x3470];
	[tilespmem:$0x13E50] =	vst v48  }
0x41a: {  	v5 =	vld [tilespmem:s15+$0x3900]  }
0x41b: {  	v10 =	vld [tilespmem:s15+$0x3910]  }
0x41c: {  	v11 =	vld [tilespmem:s15+$0x3920]  }
0x41d: {  	v13 =	vld [tilespmem:s15+$0x3930]  }
0x41e: {  	v14 =	vld [tilespmem:s15+$0x3940]  }
0x41f: {  	v16 =	vld [tilespmem:s15+$0x3950]  }
0x420: {  	v17 =	vld [tilespmem:s15+$0x3960]  }
0x421: {  	v18 =	vld [tilespmem:s15+$0x3970]  }
0x422: {  	v44 =	vld [tilespmem:s15+$0x3980]  }
0x423: {  	v45 =	vld [tilespmem:s15+$0x3990]  }
0x424: {  	v46 =	vld [tilespmem:s15+$0x39A0]  }
0x425: {  	v47 =	vld [tilespmem:s15+$0x39B0]  }
0x426: {  	v12 =	vld [tilespmem:s15+$0x39C0]  }
0x427: {  	v6 =	vld [tilespmem:s15+$0x39D0]  }
0x428: {  	v32 =	vmax.f32 v37, v32;
	v31 =	vmax.f32 v36, v31;
	v40 =	vld [tilespmem:s15+$0x39E0]  }
0x429: {  	v35 =	vmax.f32 v39, v35;
	v34 =	vmax.f32 v38, v34;
	v30 =	vmax.f32 v32, v30;
	v41 =	vld [tilespmem:s15+$0x39F0]  }
0x42a: {  	v29 =	vmax.f32 v31, v29;
	v28 =	vmax.f32 v35, v28;
	v27 =	vmax.f32 v34, v27;
	v42 =	vld [tilespmem:s15+$0x3A00]  }
0x42b: {  	v26 =	vmax.f32 v30, v26;
	v25 =	vmax.f32 v29, v25;
	v23 =	vmax.f32 v28, v23;
	v43 =	vld [tilespmem:s15+$0x3A10]  }
0x42c: {  	v24 =	vmax.f32 v27, v24;
	v21 =	vmax.f32 v26, v21;
	v15 =	vmax.f32 v25, v59;
	v59 =	vld [tilespmem:s15+$0x3A20]  }
0x42d: {  	v7 =	vmax.f32 v24, v7;
	v8 =	vmax.f32 v23, v8;
	v9 =	vmax.f32 v21, v9;
	v27 =	vld [tilespmem:s15+$0x3A30]  }
0x42e: {  	v29 =	vld [tilespmem:s15+$0x3A40];
	v4 =	vmax.f32 v15, v4;
	v0 =	vmax.f32 v8, v0;
	v3 =	vmax.f32 v7, v3  }
0x42f: {  	v35 =	vld [tilespmem:s15+$0x3A70];
	v4 =	vmax.f32 v9, v4;
	v0 =	vmax.f32 v0, v3  }
0x430: {  	v3 =	vld [tilespmem:s15+$0x3A50];
	v23 =	vmax.f32 v4, v0;
	v0 =	vmax.f32 v5, v14;
	v4 =	vmax.f32 v10, v16  }
0x431: {  	v5 =	vld [tilespmem:s15+$0x3A60];
	v30 =	vmax.f32 v11, v17;
	v34 =	vmax.f32 v13, v18;
	v0 =	vmax.f32 v0, v44;
	[tilespmem:$0x13E20] =	vst v23  }
0x432: {  	v4 =	vmax.f32 v4, v45;
	v8 =	vmax.f32 v30, v46;
	v9 =	vmax.f32 v34, v47;
	v47 =	vld [tilespmem:s15+$0x3480]  }
0x433: {  	v0 =	vmax.f32 v0, v12;
	v4 =	vmax.f32 v4, v6;
	v36 =	vmax.f32 v8, v40;
	v46 =	vld [tilespmem:s15+$0x3490]  }
0x434: {  	v37 =	vmax.f32 v9, v41;
	v45 =	vld [tilespmem:s15+$0x34A0];
	v0 =	vmax.f32 v0, v42;
	v4 =	vmax.f32 v4, v43  }
0x435: {  	v44 =	vld [tilespmem:s15+$0x34B0];
	v6 =	vmax.f32 v36, v59;
	v8 =	vmax.f32 v37, v27;
	v0 =	vmax.f32 v0, v29  }
0x436: {  	v40 =	vld [tilespmem:s15+$0x34E0];
	v3 =	vmax.f32 v4, v3;
	v4 =	vmax.f32 v6, v5;
	v5 =	vmax.f32 v8, v35  }
0x437: {  	v41 =	vld [tilespmem:s15+$0x34F0];
	v0 =	vmax.f32 v0, v3;
	v3 =	vmax.f32 v4, v5  }
0x438: {  	v43 =	vld [tilespmem:s15+$0x34C0];
	v20 =	vmax.f32 v0, v3  }
0x439: {  	v42 =	vld [tilespmem:s15+$0x34D0];
	[tilespmem:$0x13E60] =	vst v20  }
0x43a: {  	v0 =	vld [tilespmem:s15+$0x3A80]  }
0x43b: {  	v3 =	vld [tilespmem:s15+$0x3A90]  }
0x43c: {  	v4 =	vld [tilespmem:s15+$0x3AA0]  }
0x43d: {  	v5 =	vld [tilespmem:s15+$0x3AB0]  }
0x43e: {  	v6 =	vld [tilespmem:s15+$0x3AC0]  }
0x43f: {  	v38 =	vld [tilespmem:s15+$0x3AD0]  }
0x440: {  	v8 =	vld [tilespmem:s15+$0x3AE0]  }
0x441: {  	v39 =	vld [tilespmem:s15+$0x3AF0]  }
0x442: {  	v16 =	vld [tilespmem:s15+$0x3B00]  }
0x443: {  	v17 =	vld [tilespmem:s15+$0x3B10]  }
0x444: {  	v18 =	vld [tilespmem:s15+$0x3B20]  }
0x445: {  	v19 =	vld [tilespmem:s15+$0x3B30]  }
0x446: {  	v24 =	vld [tilespmem:s15+$0x3B40]  }
0x447: {  	v25 =	vld [tilespmem:s15+$0x3B50]  }
0x448: {  	v26 =	vld [tilespmem:s15+$0x3B60]  }
0x449: {  	v15 =	vld [tilespmem:s15+$0x3B70]  }
0x44a: {  	v59 =	vld [tilespmem:s15+$0x3B80]  }
0x44b: {  	v11 =	vld [tilespmem:s15+$0x3B90]  }
0x44c: {  	v13 =	vld [tilespmem:s15+$0x3BA0]  }
0x44d: {  	v14 =	vld [tilespmem:s15+$0x3BB0]  }
0x44e: {  	v36 =	vld [tilespmem:s15+$0x3BC0]  }
0x44f: {  	v37 =	vld [tilespmem:s15+$0x3BD0]  }
0x450: {  	v3 =	vmax.f32 v3, v38;
	v38 =	vld [tilespmem:s15+$0x3BE0]  }
0x451: {  	v5 =	vmax.f32 v5, v39;
	v39 =	vld [tilespmem:s15+$0x3BF0]  }
0x452: {  	v4 =	vmax.f32 v4, v8;
	v5 =	vmax.f32 v5, v19;
	v19 =	vld [tilespmem:s15+$0x3500]  }
0x453: {  	v4 =	vmax.f32 v4, v18;
	v18 =	vld [tilespmem:s15+$0x3510]  }
0x454: {  	v0 =	vmax.f32 v0, v6;
	v3 =	vmax.f32 v3, v17;
	v17 =	vld [tilespmem:s15+$0x3520]  }
0x455: {  	v0 =	vmax.f32 v0, v16;
	v16 =	vld [tilespmem:s15+$0x3530]  }
0x456: {  	v5 =	vmax.f32 v5, v15;
	v15 =	vld [tilespmem:s15+$0x3540]  }
0x457: {  	v0 =	vmax.f32 v0, v24;
	v4 =	vmax.f32 v4, v26;
	v5 =	vmax.f32 v5, v14;
	v14 =	vld [tilespmem:s15+$0x3550]  }
0x458: {  	v3 =	vmax.f32 v3, v25;
	v0 =	vmax.f32 v0, v59;
	v4 =	vmax.f32 v4, v13;
	v13 =	vld [tilespmem:s15+$0x3560]  }
0x459: {  	v3 =	vmax.f32 v3, v11;
	v11 =	vld [tilespmem:s15+$0x3570];
	v0 =	vmax.f32 v0, v36  }
0x45a: {  	v59 =	vld [tilespmem:$0x1FD50];
	v3 =	vmax.f32 v3, v37;
	v4 =	vmax.f32 v4, v38;
	v5 =	vmax.f32 v5, v39  }
0x45b: {  	v0 =	vmax.f32 v0, v3;
	v3 =	vmax.f32 v4, v5;
	v4 =	vld [tilespmem:$0x1FD10]  }
0x45c: {  	v10 =	vmax.f32 v0, v3;
	v0 =	vld [tilespmem:$0x1FCC0]  }
0x45d: {  	v3 =	vld [tilespmem:$0x1FCD0];
	[tilespmem:$0x13E70] =	vst v10  }
0x45e: {  	v12 =	vld [tilespmem:s15+$0x3C00]  }
0x45f: {  	v21 =	vld [tilespmem:s15+$0x3C10]  }
0x460: {  	v22 =	vld [tilespmem:s15+$0x3C20]  }
0x461: {  	v24 =	vld [tilespmem:s15+$0x3C30]  }
0x462: {  	v25 =	vld [tilespmem:s15+$0x3C40]  }
0x463: {  	v26 =	vld [tilespmem:s15+$0x3C50]  }
0x464: {  	v9 =	vmax.f32 v0, v3;
	v0 =	vld [tilespmem:$0x1FCE0]  }
0x465: {  	v3 =	vld [tilespmem:$0x1FCF0]  }
0x466: {  	v27 =	vld [tilespmem:s15+$0x3C60]  }
0x467: {  	v28 =	vld [tilespmem:s15+$0x3C70]  }
0x468: {  	v29 =	vld [tilespmem:s15+$0x3C80]  }
0x469: {  	v30 =	vld [tilespmem:s15+$0x3C90]  }
0x46a: {  	v0 =	vmax.f32 v0, v3;
	v3 =	vld [tilespmem:$0x1FD00]  }
0x46b: {  	v31 =	vld [tilespmem:s15+$0x3CA0]  }
0x46c: {  	v32 =	vld [tilespmem:s15+$0x3CB0]  }
0x46d: {  	v33 =	vld [tilespmem:s15+$0x3CC0]  }
0x46e: {  	v34 =	vld [tilespmem:s15+$0x3CD0]  }
0x46f: {  	v5 =	vmax.f32 v3, v4;
	v3 =	vld [tilespmem:$0x1FD20]  }
0x470: {  	v4 =	vld [tilespmem:$0x1FD30]  }
0x471: {  	v35 =	vld [tilespmem:s15+$0x3CE0]  }
0x472: {  	v36 =	vld [tilespmem:s15+$0x3CF0]  }
0x473: {  	v37 =	vld [tilespmem:s15+$0x3D00]  }
0x474: {  	v38 =	vld [tilespmem:s15+$0x3D10]  }
0x475: {  	v3 =	vmax.f32 v3, v4;
	v4 =	vld [tilespmem:$0x1FD40]  }
0x476: {  	v39 =	vld [tilespmem:s15+$0x3D20]  }
0x477: {  	v7 =	vld [tilespmem:s15+$0x3D30]  }
0x478: {  	v6 =	vld [tilespmem:s15+$0x3D40]  }
0x479: {  	v12 =	vmax.f32 v12, v25;
	v25 =	vld [tilespmem:s15+$0x3D60]  }
0x47a: {  	v4 =	vmax.f32 v4, v59;
	v59 =	vld [tilespmem:$0x1FD60]  }
0x47b: {  	v22 =	vmax.f32 v22, v27;
	v27 =	vld [tilespmem:s15+$0x3580]  }
0x47c: {  	v24 =	vmax.f32 v24, v28;
	v28 =	vld [tilespmem:s15+$0x3590]  }
0x47d: {  	v21 =	vmax.f32 v21, v26;
	v26 =	vld [tilespmem:$0x1FDD0]  }
0x47e: {  	v12 =	vmax.f32 v12, v29;
	v29 =	vld [tilespmem:s15+$0x35A0]  }
0x47f: {  	v0 =	vmax.f32 v0, v59;
	v59 =	vld [tilespmem:$0x1FD70]  }
0x480: {  	v21 =	vmax.f32 v21, v30;
	v30 =	vld [tilespmem:$0x1FDE0]  }
0x481: {  	v22 =	vmax.f32 v22, v31;
	v31 =	vld [tilespmem:$0x1FDF0]  }
0x482: {  	v24 =	vmax.f32 v24, v32;
	v32 =	vld [tilespmem:$0x1FE00]  }
0x483: {  	v21 =	vmax.f32 v21, v34;
	v34 =	vld [tilespmem:$0x1FE10]  }
0x484: {  	v5 =	vmax.f32 v5, v59;
	v59 =	vld [tilespmem:$0x1FD80]  }
0x485: {  	v22 =	vmax.f32 v22, v35;
	v35 =	vld [tilespmem:$0x1FE20]  }
0x486: {  	v12 =	vmax.f32 v12, v33;
	v24 =	vmax.f32 v24, v36;
	v36 =	vld [tilespmem:$0x1FE30]  }
0x487: {  	v12 =	vmax.f32 v12, v37;
	v37 =	vld [tilespmem:$0x1FE40]  }
0x488: {  	v21 =	vmax.f32 v21, v38;
	v38 =	vld [tilespmem:$0x1FE50]  }
0x489: {  	v8 =	vmax.f32 v3, v59;
	v3 =	vld [tilespmem:$0x1FD90]  }
0x48a: {  	v59 =	vld [tilespmem:$0x1FDA0]  }
0x48b: {  	v22 =	vmax.f32 v22, v39;
	v6 =	vmax.f32 v12, v6;
	v12 =	vld [tilespmem:s15+$0x35B0]  }
0x48c: {  	v39 =	vmax.f32 v22, v25;
	v22 =	vld [tilespmem:s15+$0x35C0]  }
0x48d: {  	v25 =	vld [tilespmem:$0x1FDC0]  }
0x48e: {  	v4 =	vmax.f32 v4, v3;
	v3 =	vld [tilespmem:s15+$0x3D50]  }
0x48f: {  	v0 =	vmax.f32 v0, v59;
	v59 =	vld [tilespmem:s15+$0x3D70]  }
0x490: {  	v4 =	vmax.f32 v4, v26;
	v0 =	vmax.f32 v0, v30;
	v30 =	vld [tilespmem:$0x1FE90]  }
0x491: {  	v4 =	vmax.f32 v4, v34;
	v34 =	vld [tilespmem:$0x1FED0]  }
0x492: {  	v0 =	vmax.f32 v0, v35;
	v35 =	vld [tilespmem:$0x1FEE0]  }
0x493: {  	v7 =	vmax.f32 v24, v7;
	v4 =	vmax.f32 v4, v38;
	v38 =	vld [tilespmem:$0x1FF10]  }
0x494: {  	v7 =	vmax.f32 v7, v59;
	v59 =	vld [tilespmem:$0x1FDB0]  }
0x495: {  	v8 =	vmax.f32 v8, v25;
	v3 =	vmax.f32 v21, v3;
	v24 =	vmax.f32 v39, v7;
	v7 =	vld [tilespmem:s15+$0x35D0]  }
0x496: {  	v3 =	vmax.f32 v6, v3;
	v6 =	vmax.f32 v8, v32;
	v8 =	vld [tilespmem:s15+$0x35F0]  }
0x497: {  	v39 =	vld [tilespmem:$0x1FE60]  }
0x498: {  	v32 =	vld [tilespmem:$0x1FEC0]  }
0x499: {  	v33 =	vmax.f32 v3, v24;
	v3 =	vld [tilespmem:s15+$0x35E0]  }
0x49a: {  	v6 =	vmax.f32 v6, v37;
	v37 =	vld [tilespmem:$0x1FF00];
	[tilespmem:$0x13E80] =	vst v33  }
0x49b: {  	v21 =	vld [tilespmem:s15+$0x3D80]  }
0x49c: {  	v25 =	vld [tilespmem:s15+$0x3D90]  }
0x49d: {  	v4 =	vmax.f32 v6, v4;
	v6 =	vld [tilespmem:s15+$0x3DA0]  }
0x49e: {  	v26 =	vmax.f32 v34, v35;
	v34 =	vld [tilespmem:s15+$0x3DD0]  }
0x49f: {  	v40 =	vmax.f32 v45, v40;
	v35 =	vld [tilespmem:s15+$0x3DE0]  }
0x4a0: {  	v41 =	vmax.f32 v44, v41;
	v17 =	vmax.f32 v40, v17;
	v40 =	vld [tilespmem:s15+$0x3E70]  }
0x4a1: {  	v42 =	vmax.f32 v46, v42;
	v16 =	vmax.f32 v41, v16;
	v41 =	vld [tilespmem:s15+$0x3E80]  }
0x4a2: {  	v18 =	vmax.f32 v42, v18;
	v42 =	vld [tilespmem:s15+$0x3E90]  }
0x4a3: {  	v45 =	vld [tilespmem:s15+$0x3EA0]  }
0x4a4: {  	v46 =	vmax.f32 v58, v50;
	v50 =	vld [tilespmem:s15+$0x3EC0]  }
0x4a5: {  	v5 =	vmax.f32 v5, v59;
	v59 =	vld [tilespmem:$0x1FE70]  }
0x4a6: {  	v58 =	vld [tilespmem:s15+$0x3EF0]  }
0x4a7: {  	v5 =	vmax.f32 v5, v31;
	v31 =	vld [tilespmem:$0x1FEB0]  }
0x4a8: {  	v5 =	vmax.f32 v5, v36;
	v36 =	vld [tilespmem:$0x1FEF0]  }
0x4a9: {  	v0 =	vmax.f32 v0, v5;
	v5 =	vld [tilespmem:$0x1FE80]  }
0x4aa: {  	v24 =	vmax.f32 v39, v59;
	v59 =	vld [tilespmem:$0x1FF30]  }
0x4ab: {  	v0 =	vmax.f32 v0, v4;
	v4 =	vld [tilespmem:$0x1FEA0]  }
0x4ac: {  	v39 =	vld [tilespmem:$0x1FF20]  }
0x4ad: {  	v9 =	vmax.f32 v9, v30;
	v30 =	vmax.f32 v36, v37;
	v36 =	vld [tilespmem:$0x1FF40]  }
0x4ae: {  	v37 =	vld [tilespmem:$0x1FF50];
	v5 =	vmax.f32 v24, v5;
	v24 =	vmax.f32 v31, v32  }
0x4af: {  	v24 =	vmax.f32 v24, v59;
	v59 =	vld [tilespmem:$0x1FF80]  }
0x4b0: {  	v31 =	vld [tilespmem:s15+$0x3DC0]  }
0x4b1: {  	v4 =	vmax.f32 v5, v4;
	v5 =	vld [tilespmem:s15+$0x3DB0]  }
0x4b2: {  	v32 =	vmax.f32 v38, v39;
	v38 =	vld [tilespmem:$0x1FF60]  }
0x4b3: {  	v39 =	vld [tilespmem:$0x1FF70];
	v26 =	vmax.f32 v26, v36  }
0x4b4: {  	v26 =	vmax.f32 v26, v59;
	v59 =	vld [tilespmem:$0x1FF90]  }
0x4b5: {  	v36 =	vld [tilespmem:s15+$0x3DF0]  }
0x4b6: {  	v30 =	vmax.f32 v30, v37;
	v37 =	vld [tilespmem:s15+$0x3E00]  }
0x4b7: {  	v49 =	vmax.f32 v46, v49;
	v14 =	vmax.f32 v18, v14;
	v32 =	vmax.f32 v32, v38;
	v38 =	vld [tilespmem:s15+$0x3E10]  }
0x4b8: {  	v13 =	vmax.f32 v17, v13;
	v11 =	vmax.f32 v16, v11;
	v26 =	vmax.f32 v26, v61;
	v61 =	vld [tilespmem:$0x1FFB0]  }
0x4b9: {  	v14 =	vmax.f32 v14, v28;
	v24 =	vmax.f32 v24, v39;
	v30 =	vmax.f32 v30, v59;
	v59 =	vld [tilespmem:$0x1FFA0]  }
0x4ba: {  	v13 =	vmax.f32 v13, v29;
	v24 =	vmax.f32 v24, v60;
	v60 =	vmax.f32 v47, v43;
	v47 =	vld [tilespmem:s15+$0x3EB0]  }
0x4bb: {  	v11 =	vmax.f32 v11, v12;
	v7 =	vmax.f32 v14, v7;
	v30 =	vmax.f32 v30, v63;
	v63 =	vld [tilespmem:$0x1FFC0]  }
0x4bc: {  	v8 =	vmax.f32 v11, v8;
	v3 =	vmax.f32 v13, v3;
	v24 =	vmax.f32 v24, v55;
	v55 =	vld [tilespmem:$0x1FFE0]  }
0x4bd: {  	v3 =	vmax.f32 v3, v8;
	v19 =	vmax.f32 v60, v19;
	v30 =	vmax.f32 v30, v54;
	v54 =	vld [tilespmem:$0x1FFD0]  }
0x4be: {  	v6 =	vmax.f32 v6, v35;
	v15 =	vmax.f32 v19, v15;
	v32 =	vmax.f32 v32, v59;
	v59 =	vld [tilespmem:s15+$0x3E40]  }
0x4bf: {  	v26 =	vmax.f32 v26, v53;
	v15 =	vmax.f32 v15, v27;
	v32 =	vmax.f32 v32, v56;
	v56 =	vld [tilespmem:$0x1FFF0]  }
0x4c0: {  	v5 =	vmax.f32 v5, v36;
	v44 =	vmax.f32 v15, v22;
	v39 =	vmax.f32 v61, v63;
	v61 =	vld [tilespmem:s15+$0x3E50]  }
0x4c1: {  	v60 =	vmax.f32 v62, v48;
	v7 =	vmax.f32 v44, v7;
	v32 =	vmax.f32 v32, v51;
	v51 =	vld [tilespmem:s15+$0x3E20]  }
0x4c2: {  	v7 =	vmax.f32 v7, v3;
	v3 =	vmax.f32 v49, v57;
	v53 =	vmax.f32 v30, v32;
	v32 =	vld [tilespmem:s15+$0x3E30]  }
0x4c3: {  	v4 =	vmax.f32 v4, v55;
	v55 =	vmax.f32 v3, v23;
	v3 =	vmax.f32 v21, v31;
	v63 =	vld [tilespmem:s15+$0x3E60]  }
0x4c4: {  	v24 =	vmax.f32 v24, v26;
	v57 =	vld [tilespmem:s15+$0x3EE0];
	v3 =	vmax.f32 v3, v37;
	v30 =	vmax.f32 v39, v54  }
0x4c5: {  	v54 =	vld [tilespmem:s15+$0x3ED0];
	v3 =	vmax.f32 v3, v59;
	v26 =	vmax.f32 v30, v56;
	v56 =	vmax.f32 v25, v34  }
0x4c6: {  	v4 =	vmax.f32 v4, v0;
	v3 =	vmax.f32 v3, v41;
	v18 =	vmax.f32 v56, v38  }
0x4c7: {  	v6 =	vmax.f32 v6, v51;
	v3 =	vmax.f32 v3, v50;
	v5 =	vmax.f32 v5, v32  }
0x4c8: {  	v18 =	vmax.f32 v18, v61;
	v6 =	vmax.f32 v6, v63;
	v5 =	vmax.f32 v5, v40  }
0x4c9: {  	v59 =	vmax.f32 v18, v42;
	v6 =	vmax.f32 v6, v45;
	v5 =	vmax.f32 v5, v47  }
0x4ca: {  	v8 =	vmax.f32 v59, v54;
	v6 =	vmax.f32 v6, v57;
	v5 =	vmax.f32 v5, v58  }
0x4cb: {  	v24 =	vmax.f32 v24, v53;
	v3 =	vmax.f32 v3, v8;
	v5 =	vmax.f32 v6, v5  }
0x4cc: {  	v53 =	vmax.f32 v26, v52;
	v6 =	vmax.f32 v60, v20;
	v5 =	vmax.f32 v3, v5;
	v3 =	vld [tilespmem:$0x13B80]  }
0x4cd: {  	v61 =	vmax.f32 v9, v4;
	v62 =	vmax.f32 v53, v24;
	v6 =	vmax.f32 v6, v10  }
0x4ce: {  	v63 =	vmax.f32 v55, v7;
	v8 =	vmax.f32 v61, v62;
	v6 =	vmax.f32 v6, v33  }
0x4cf: {  	v8 =	vmax.f32 v8, v63;
	v6 =	vmax.f32 v6, v5  }
0x4d0: {  	v8 =	vmax.f32 v8, v6  }
0x4d1: {  	vm0 =	vgt.f32 v8, v3  }
0x4d2: {  	v8 =	vmpcnt.ones.xlane vm0;
	_ =	sdelay $0x1  }
0x4d3: {  	(v2sf) =	vpush v8, $0x0;
	_ =	sdelay $0xb  }
0x4d4: {  	s21 =	sld [smem:$0x7FA];
	_ =	sdelay $0x1  }
0x4d5: {  	[tilespmem:$0x13D70] =	vst v0  }
0x4d6: {  	p2 =	seq.s32 s21, $0x1;
	[tilespmem:$0x13E30] =	vst v7;
	s23 =	spop (v2sf)  }
0x4d7: {  	p0 =	por @!p0 p2, p6;
	[tilespmem:$0x13F30] =	vst v4;
	p2 =	slt.s32 s23, $0x1  }
.Ltmp7:
0x4d8: {  	s25 =	sld [smem:$0x7FB];
	[tilespmem:$0x13DD0] =	vst v24;
	(pc) =	sbr.rel @p2 .LBB2_14-.Ltmp7, $4  }
0x4d9: {  	[tilespmem:$0x13F40] =	vst v62  }
0x4da: {  	[tilespmem:$0x13F50] =	vst v63  }
0x4db: {  	p6 =	seq.s32 s25, $0x1;
	p1 =	por @!p4 p0, p1;
	[tilespmem:$0x13E90] =	vst v5  }
0x4dc: {  	p6 =	por p6, p4;
	p3 =	por p1, p4;
	[tilespmem:$0x13F60] =	vst v6  }
0x4dd: {  	s6 =	sand.u32 $0xFF, s0  }
0x4de: {  	s7 =	smulhi.u32 $0x33333334, s6  }
0x4df: {  	s9 =	smul.u32 $0xFC00, s6  }
0x4e0: {  	s10 =	smul.u32 $0x4EC00, s7  }
.Ltmp8:
0x4e1: {  	_ = 	snop;
	(pc) =	sbr.rel .LBB2_6-.Ltmp8, $4  }
0x4e2: {  	s6 =	smul.u32 $0x3F00, s6  }
0x4e3: {  	s7 =	smul.u32 $0x13B00, s7;
	s9 =	ssub.s32 s9, s10  }
0x4e4: {  	s10 =	sshra.s32 s9, $0x2  }
0x4e5: {  	s23 =	simm.s32 $0x0;
	s9 =	ssub.s32 s6, s7;
	s10 =	sor.u32 $0x30, s10  }
.LBB2_13:
0x4e6: {  	s23 =	sadd.s32 $0x1, s23  }
0x4e7: {  	p2 =	sne.s32 s23, $0x7  }
.Ltmp9:
0x4e8: {  	_ = 	snop;
	(pc) =	sbr.rel @!p2 .LBB2_14-.Ltmp9, $2  }
0x4e9: {  	_ =	sdelay $0x2  }
0x4ea: {  	s9 =	sadd.s32 $0x900, s9;
	s10 =	sadd.s32 $0x900, s10  }
.LBB2_6:
0x4eb: {  	s6 =	sshll.u32 s23, $0x4  }
0x4ec: {  	s6 =	sand.u32 $0x3FFFFFF0, s6  }
0x4ed: {  	v0 =	vld [tilespmem:s6+$0x13F00];
	_ =	sdelay $0x4  }
0x4ee: {  	vm0 =	vgt.f32 v0, v3  }
0x4ef: {  	v0 =	vmpcnt.ones.xlane vm0;
	_ =	sdelay $0x1  }
0x4f0: {  	(v2sf) =	vpush v0, $0x0;
	_ =	sdelay $0xe  }
0x4f1: {  	s25 =	spop (v2sf)  }
0x4f2: {  	p2 =	slt.s32 s25, $0x1  }
.Ltmp10:
0x4f3: {  	_ = 	snop;
	(pc) =	sbr.rel @p2 .LBB2_13-.Ltmp10, $1  }
0x4f4: {  	_ =	sdelay $0x3  }
.Ltmp11:
0x4f5: {  	(pc) =	sbr.rel .LBB2_8-.Ltmp11, $3  }
0x4f6: {  	_ =	sdelay $0x1  }
0x4f7: {  	s21 =	smul.u32 $0x6, s23  }
0x4f8: {  	s6 =	simm.s32 $0x0;
	s7 =	smov.u32 s10;
	s15 =	smov.u32 s9  }
.LBB2_12:
0x4f9: {  	s6 =	sadd.s32 $0x1, s6  }
0x4fa: {  	p2 =	sne.s32 s6, $0x6  }
.Ltmp12:
0x4fb: {  	_ = 	snop;
	(pc) =	sbr.rel @!p2 .LBB2_13-.Ltmp12, $2  }
0x4fc: {  	_ =	sdelay $0x2  }
0x4fd: {  	s15 =	sadd.s32 $0x180, s15;
	s7 =	sadd.s32 $0x180, s7  }
.LBB2_8:
0x4fe: {  	s11 =	sadd.s32 s21, s6  }
0x4ff: {  	s11 =	sshll.u32 s11, $0x4  }
0x500: {  	s11 =	sand.u32 $0x3FFFFFF0, s11  }
0x501: {  	v0 =	vld [tilespmem:s11+$0x13C00];
	_ =	sdelay $0x4  }
0x502: {  	vm0 =	vgt.f32 v0, v3  }
0x503: {  	v0 =	vmpcnt.ones.xlane vm0;
	_ =	sdelay $0x1  }
0x504: {  	(v2sf) =	vpush v0, $0x0;
	_ =	sdelay $0xe  }
0x505: {  	s25 =	spop (v2sf)  }
0x506: {  	p2 =	slt.s32 s25, $0x1  }
.Ltmp13:
0x507: {  	_ = 	snop;
	(pc) =	sbr.rel @!p2 .LBB2_9-.Ltmp13, $4  }
.Ltmp14:
0x508: {  	_ = 	snop;
	(pc) =	sbr.rel @p2 .LBB2_12-.Ltmp14, $4  }
0x509: {  	_ = 	snop  }
0x50a: {  	_ = 	snop  }
0x50b: {  	s11 =	simm.s32 $0x0;
	s25 =	smov.u32 s7  }
0x50c: {  	_ = 	snop  }
.LBB2_11:
0x50d: {  	s11 =	sadd.s32 $0x60, s11  }
0x50e: {  	p2 =	sne.s32 s11, $0x180  }
.Ltmp15:
0x50f: {  	_ = 	snop;
	(pc) =	sbr.rel @!p2 .LBB2_12-.Ltmp15, $2  }
0x510: {  	_ =	sdelay $0x2  }
0x511: {  	s25 =	sadd.s32 $0x60, s25  }
.LBB2_9:
0x512: {  	s12 =	sadd.s32 s11, s15  }
0x513: {  	s13 =	sand.u32 $0x60, s11;
	s12 =	sand.u32 $0x7FFFFF80, s12  }
0x514: {  	s12 =	sor.u32 s13, s12  }
0x515: {  	v0 =	vld [tilespmem:s12+$0x0]  }
0x516: {  	v4 =	vld [tilespmem:s12+$0x10]  }
0x517: {  	v5 =	vld [tilespmem:s25+$0xFFFFFFF0]  }
0x518: {  	v6 =	vld [tilespmem:s25+$0x0]  }
0x519: {  	v7 =	vld [tilespmem:s25+$0x10]  }
0x51a: {  	v8 =	vld [tilespmem:s25+$0x20]  }
0x51b: {  	v0 =	vmax.f32 v0, v4  }
0x51c: {  	v0 =	vmax.f32 v0, v5  }
0x51d: {  	v0 =	vmax.f32 v0, v6  }
0x51e: {  	v0 =	vmax.f32 v0, v7  }
0x51f: {  	v0 =	vmax.f32 v0, v8  }
0x520: {  	vm0 =	vgt.f32 v0, v3  }
0x521: {  	v0 =	vmpcnt.ones.xlane vm0;
	_ =	sdelay $0x1  }
0x522: {  	(v2sf) =	vpush v0, $0x0;
	_ =	sdelay $0xe  }
0x523: {  	s13 =	spop (v2sf)  }
0x524: {  	p2 =	slt.s32 s13, $0x1  }
.Ltmp16:
0x525: {  	_ = 	snop;
	(pc) =	sbr.rel @p2 .LBB2_11-.Ltmp16, $1  }
0x526: {  	_ =	sdelay $0x3  }
0x527: {  	v0 =	vld [tilespmem:s25+$0xFFFFFFD0];
	_ =	sdelay $0x4  }
0x528: {  	(xrf1) =	vsort.dscd.msk.f32 $0xffff, v0, v0;
	_ =	sdelay $0xb  }
0x529: {  	v0 =	vld [tilespmem:$0x13B00];
	_ =	sdelay $0x1  }
0x52a: {  	v3, _, _ =	vpop (xrf1)  }
0x52b: {  	v3 =	vperm.xlane v3, v1;
	_ =	sdelay $0x1  }
0x52c: {  	v0 =	vmax.f32 v0, v3  }
0x52d: {  	(xrf1) =	vsort.dscd.msk.f32 $0xffff, v0, v0;
	_ =	sdelay $0xd  }
0x52e: {  	v0, _, _ =	vpop (xrf1)  }
0x52f: {  	v3 =	vperm.xlane v0, v2  }
0x530: {  	[tilespmem:$0x13B00] =	vst v0  }
0x531: {  	[tilespmem:$0x13B80] =	vst v3  }
0x532: {  	v0 =	vld [tilespmem:s25+$0xFFFFFFE0];
	_ =	sdelay $0x4  }
0x533: {  	(xrf1) =	vsort.dscd.msk.f32 $0xffff, v0, v0;
	_ =	sdelay $0xb  }
0x534: {  	v0 =	vld [tilespmem:$0x13B00];
	_ =	sdelay $0x1  }
0x535: {  	v3, _, _ =	vpop (xrf1)  }
0x536: {  	v3 =	vperm.xlane v3, v1;
	_ =	sdelay $0x1  }
0x537: {  	v0 =	vmax.f32 v0, v3  }
0x538: {  	(xrf1) =	vsort.dscd.msk.f32 $0xffff, v0, v0;
	_ =	sdelay $0xd  }
0x539: {  	v0, _, _ =	vpop (xrf1)  }
0x53a: {  	v3 =	vperm.xlane v0, v2  }
0x53b: {  	[tilespmem:$0x13B00] =	vst v0  }
0x53c: {  	[tilespmem:$0x13B80] =	vst v3  }
0x53d: {  	v0 =	vld [tilespmem:s25+$0xFFFFFFF0];
	_ =	sdelay $0x4  }
0x53e: {  	(xrf1) =	vsort.dscd.msk.f32 $0xffff, v0, v0;
	_ =	sdelay $0xb  }
0x53f: {  	v0 =	vld [tilespmem:$0x13B00];
	_ =	sdelay $0x1  }
0x540: {  	v3, _, _ =	vpop (xrf1)  }
0x541: {  	v3 =	vperm.xlane v3, v1;
	_ =	sdelay $0x1  }
0x542: {  	v0 =	vmax.f32 v0, v3  }
0x543: {  	(xrf1) =	vsort.dscd.msk.f32 $0xffff, v0, v0;
	_ =	sdelay $0xd  }
0x544: {  	v0, _, _ =	vpop (xrf1)  }
0x545: {  	v3 =	vperm.xlane v0, v2  }
0x546: {  	[tilespmem:$0x13B00] =	vst v0  }
0x547: {  	[tilespmem:$0x13B80] =	vst v3  }
0x548: {  	v0 =	vld [tilespmem:s25+$0x0];
	_ =	sdelay $0x4  }
0x549: {  	(xrf1) =	vsort.dscd.msk.f32 $0xffff, v0, v0;
	_ =	sdelay $0xb  }
0x54a: {  	v0 =	vld [tilespmem:$0x13B00];
	_ =	sdelay $0x1  }
0x54b: {  	v3, _, _ =	vpop (xrf1)  }
0x54c: {  	v3 =	vperm.xlane v3, v1;
	_ =	sdelay $0x1  }
0x54d: {  	v0 =	vmax.f32 v0, v3  }
0x54e: {  	(xrf1) =	vsort.dscd.msk.f32 $0xffff, v0, v0;
	_ =	sdelay $0xd  }
0x54f: {  	v0, _, _ =	vpop (xrf1)  }
0x550: {  	v3 =	vperm.xlane v0, v2  }
0x551: {  	[tilespmem:$0x13B00] =	vst v0  }
0x552: {  	[tilespmem:$0x13B80] =	vst v3  }
0x553: {  	v0 =	vld [tilespmem:s25+$0x10];
	_ =	sdelay $0x4  }
0x554: {  	(xrf1) =	vsort.dscd.msk.f32 $0xffff, v0, v0;
	_ =	sdelay $0xb  }
0x555: {  	v0 =	vld [tilespmem:$0x13B00];
	_ =	sdelay $0x1  }
0x556: {  	v3, _, _ =	vpop (xrf1)  }
0x557: {  	v3 =	vperm.xlane v3, v1;
	_ =	sdelay $0x1  }
0x558: {  	v0 =	vmax.f32 v0, v3  }
0x559: {  	(xrf1) =	vsort.dscd.msk.f32 $0xffff, v0, v0;
	_ =	sdelay $0xd  }
0x55a: {  	v0, _, _ =	vpop (xrf1)  }
0x55b: {  	v3 =	vperm.xlane v0, v2  }
0x55c: {  	[tilespmem:$0x13B00] =	vst v0  }
0x55d: {  	[tilespmem:$0x13B80] =	vst v3  }
0x55e: {  	v0 =	vld [tilespmem:s25+$0x20];
	_ =	sdelay $0x4  }
0x55f: {  	(xrf1) =	vsort.dscd.msk.f32 $0xffff, v0, v0;
	_ =	sdelay $0xb  }
0x560: {  	v0 =	vld [tilespmem:$0x13B00];
	_ =	sdelay $0x1  }
0x561: {  	v3, _, _ =	vpop (xrf1)  }
0x562: {  	v3 =	vperm.xlane v3, v1;
	_ =	sdelay $0x1  }
0x563: {  	v0 =	vmax.f32 v0, v3  }
0x564: {  	(xrf1) =	vsort.dscd.msk.f32 $0xffff, v0, v0;
	_ =	sdelay $0xc  }
.Ltmp17:
0x565: {  	_ = 	snop;
	(pc) =	sbr.rel .LBB2_11-.Ltmp17, $4  }
0x566: {  	v0, _, _ =	vpop (xrf1)  }
0x567: {  	v3 =	vperm.xlane v0, v2  }
0x568: {  	[tilespmem:$0x13B00] =	vst v0  }
0x569: {  	[tilespmem:$0x13B80] =	vst v3  }
.LBB2_14:
0x56a: {  	p2 =	sgt.u32 s31, $0x38  }
.Ltmp18:
0x56b: {  	_ = 	snop;
	(pc) =	sbr.rel @p2 .LBB2_33-.Ltmp18, $1  }
0x56c: {  	_ =	sdelay $0x3  }
0x56d: {  	p0 =	por p4, p4;
	s13 =	sld [smem:$0x7F7]  }
0x56e: {  	p4 =	por @!p3 $0x0, $0x0;
	s6 =	simm.s32 @!p6 $0x0;
	s15 =	sld [smem:$0x7F8]  }
0x56f: {  	p1 =	por @!p6 $0x0, $0x0;
	s21 =	sld [smem:$0x7F9];
	s6 =	simm.s32 @p6 $0x1  }
0x570: {  	p3 =	por @!p3 $0x1, $0x1;
	[smem:$0x7F4] =	sst s6;
	s6 =	simm.s32 @!p4 $0x0  }
0x571: {  	s25 =	sld [smem:$0x7F7];
	p6 =	seq.s32 s13, $0x1;
	s6 =	simm.s32 @p4 $0x1  }
0x572: {  	s23 =	sld [smem:$0x7F4];
	p2 =	por @!p6 $0x0, $0x0;
	p6 =	seq.s32 s15, $0x1  }
0x573: {  	[smem:$0x7F1] =	sst s6;
	s6 =	simm.s32 @!p1 $0x0;
	p3 =	por @!p6 p2, p2  }
0x574: {  	p4 =	por @!p6 p2, p2;
	p2 =	por p1, p1;
	s6 =	simm.s32 @p1 $0x1  }
0x575: {  	p6 =	por p1, p1;
	[smem:$0x7F2] =	sst s6;
	p2 =	por @!p5 p3, p3  }
0x576: {  	p6 =	por @!p5 p4, p4;
	p3 =	seq.s32 s21, $0x1;
	s6 =	simm.s32 @!p2 $0x0  }
0x577: {  	p1 =	seq.s32 s23, $0x1;
	s6 =	simm.s32 @p2 $0x1;
	p2 =	por @!p0 $0x1, $0x1  }
0x578: {  	[smem:$0x7F3] =	sst s6;
	p6 =	por @!p3 p2, p2;
	p2 =	por $0x0, $0x0  }
0x579: {  	p3 =	por @!p1 $0x1, $0x1;
	p2 =	por @!p0 p6, p6;
	p6 =	sne.s32 s4, $0x0  }
.Ltmp19:
0x57a: {  	s6 =	simm.s32 @!p5 $0x0;
	p1 =	seq.s32 s25, $0x1;
	(pc) =	sbr.rel @!p6 .LBB2_16-.Ltmp19, $4  }
0x57b: {  	s6 =	simm.s32 @p5 $0x1;
	p3 =	por @!p5 p4, p4;
	p5 =	por @!p1 $0x1, $0x1  }
0x57c: {  	[smem:$0x7F5] =	sst s6;
	s6 =	simm.s32 @!p5 $0x0  }
0x57d: {  	s4 =	sadd.s32 $0x5, s31;
	s6 =	simm.s32 @p5 $0x1  }
0x57e: {  	p4 =	por p0, p0;
	p1 =	por @!p0 $0x0, $0x0;
	[smem:$0x7F6] =	sst s6  }
.Ltmp20:
0x57f: {  	s6 =	sld [smem:$0x7F9];
	(pc) =	sbr.rel @!p2 .LBB2_23-.Ltmp20, $2  }
0x580: {  	s25 =	sld [smem:$0x7F3];
	_ =	sdelay $0x2  }
0x581: {  	p0 =	seq.s32 s6, $0x1;
	p5 =	seq.s32 s25, $0x1  }
0x582: {  	s7 =	sld [smem:$0x7FD];
	_ =	sdelay $0x2  }
0x583: {  	p2 =	seq.s32 s7, $0x1  }
.Ltmp21:
0x584: {  	_ = 	snop;
	(pc) =	sbr.rel @p2 .LBB2_22-.Ltmp21, $4  }
.Ltmp22:
0x585: {  	_ = 	snop;
	(pc) =	sbr.rel @!p2 .LBB2_21-.Ltmp22, $4  }
0x586: {  	_ = 	snop  }
0x587: {  	_ = 	snop  }
0x588: {  	s6 =	smov.u32 s1  }
0x589: {  	_ = 	snop  }
.LBB2_16:
0x58a: {  	s7 =	sld [smem:$0x7FC];
	_ =	sdelay $0x2  }
0x58b: {  	p6 =	seq.s32 s7, $0x1  }
.Ltmp23:
0x58c: {  	_ = 	snop;
	(pc) =	sbr.rel @!p6 .LBB2_18-.Ltmp23, $3  }
0x58d: {  	s6 =	smul.u32 $0x1F800, s4;
	_ =	sdelay $0x1  }
0x58e: {  	s6 =	sadd.s32 s29, s6  }
0x58f: {  	s6 =	sshrl.u32 s6, $0x3  }
.Ltmp24:
0x590: {  	s23 =	sld [smem:$0x7F9];
	(pc) =	sbr.rel @!p2 .LBB2_23-.Ltmp24, $4  }
0x591: {  	s25 =	sld [smem:$0x7F3]  }
0x592: {  	s6 =	sadd.s32 s2, s6  }
0x593: {  	[tilespmem:s3], [sflag:$0x1] =	stream.strided.gather [hbm4b:s6+s16], $0x3F00, s17, s16, $0x38;
	[tilespmem:$0x13F80] =	vst v63  }
0x594: {  	p0 =	seq.s32 s23, $0x1;
	p5 =	seq.s32 s25, $0x1  }
.LBB2_21:
.Ltmp25:
0x595: {  	(pc) =	sbr.rel .LBB2_22-.Ltmp25, $2  }
0x596: {  	_ =	sdelay $0x2  }
0x597: {  	s6 =	smov.u32 s2  }
.LBB2_18:
.Ltmp26:
0x598: {  	s7 =	sld [smem:$0x7F9];
	(pc) =	sbr.rel @!p2 .LBB2_23-.Ltmp26, $4  }
0x599: {  	s25 =	sld [smem:$0x7F3]  }
0x59a: {  	s6 =	sadd.s32 s1, s6  }
0x59b: {  	[tilespmem:s3], [sflag:$0x1] =	stream.strided.gather [hbm4b:s6+s16], $0x3F00, s17, s16, $0x38;
	[tilespmem:$0x13F80] =	vst v63  }
0x59c: {  	s6 =	smov.u32 s1;
	p0 =	seq.s32 s7, $0x1;
	p5 =	seq.s32 s25, $0x1  }
.LBB2_22:
0x59d: {  	s7 =	smul.u32 $0x1F800, s4;
	_ =	sdelay $0x1  }
0x59e: {  	s7 =	sadd.s32 s29, s7  }
0x59f: {  	s7 =	sshrl.u32 s7, $0x3  }
0x5a0: {  	s6 =	sadd.s32 s6, s7  }
0x5a1: {  	[tilespmem:s18], [sflag:$0x2] =	stream.strided.gather [hbm4b:s6+s16], $0x3F00, s17, s16, $0x38;
	[tilespmem:$0x13F80] =	vst v63  }
.LBB2_23:
0x5a2: {  	s21 =	sld [smem:$0x7F8]  }
0x5a3: {  	p5 =	por @!p0 p1, p1;
	p2 =	por $0x0, $0x0;
	s23 =	sld [smem:$0x7F1]  }
0x5a4: {  	s25 =	sld [smem:$0x7F6];
	p2 =	por @!p4 p5, p5  }
.Ltmp27:
0x5a5: {  	_ = 	snop;
	(pc) =	sbr.rel @!p2 .LBB2_27-.Ltmp27, $4  }
0x5a6: {  	s6 =	simm.s32 @!p1 $0x0;
	p3 =	por @!p0 p1, p1  }
0x5a7: {  	p6 =	seq.s32 s21, $0x1;
	p5 =	seq.s32 s23, $0x1;
	p0 =	seq.s32 s25, $0x1  }
0x5a8: {  	s6 =	simm.s32 @p1 $0x1;
	p1 =	por $0x0, $0x0;
	p5 =	por @!p6 p0, p0  }
0x5a9: {  	[smem:$0x7F0] =	sst s6;
	p1 =	por @!p4 p3, p3;
	p6 =	por p5, p5  }
0x5aa: {  	s7 =	sld [smem:$0x7FC];
	_ =	sdelay $0x2  }
0x5ab: {  	p2 =	seq.s32 s7, $0x1  }
.Ltmp28:
0x5ac: {  	_ = 	snop;
	(pc) =	sbr.rel @!p2 .LBB2_26-.Ltmp28, $3  }
0x5ad: {  	s6 =	smul.u32 $0x1F800, s4;
	_ =	sdelay $0x1  }
0x5ae: {  	s6 =	sadd.s32 s29, s6  }
0x5af: {  	s6 =	sshrl.u32 s6, $0x3  }
0x5b0: {  	s21 =	sld [smem:$0x7F0]  }
.Ltmp29:
0x5b1: {  	s23 =	sld [smem:$0x7F5];
	(pc) =	sbr.rel @p1 .LBB2_29-.Ltmp29, $4  }
.Ltmp30:
0x5b2: {  	s25 =	sld [smem:$0x7F9];
	(pc) =	sbr.rel @!p1 .LBB2_31-.Ltmp30, $4  }
0x5b3: {  	s6 =	sadd.s32 s2, s6  }
0x5b4: {  	[tilespmem:s19], [sflag:$0x3] =	stream.strided.gather [hbm4b:s6+s16], $0x3F00, s17, s16, $0x38;
	[tilespmem:$0x13F80] =	vst v63  }
0x5b5: {  	p3 =	seq.s32 s21, $0x1;
	p5 =	seq.s32 s23, $0x1;
	p0 =	seq.s32 s25, $0x1  }
0x5b6: {  	_ = 	snop  }
.LBB2_27:
0x5b7: {  	s6 =	sld [smem:$0x7F0]  }
.Ltmp31:
0x5b8: {  	s23 =	sld [smem:$0x7F5];
	(pc) =	sbr.rel @!p1 .LBB2_31-.Ltmp31, $2  }
0x5b9: {  	s25 =	sld [smem:$0x7F9];
	_ =	sdelay $0x2  }
0x5ba: {  	p3 =	seq.s32 s6, $0x1;
	p5 =	seq.s32 s23, $0x1;
	p0 =	seq.s32 s25, $0x1  }
0x5bb: {  	s7 =	sld [smem:$0x7FD];
	_ =	sdelay $0x2  }
0x5bc: {  	p1 =	seq.s32 s7, $0x1  }
.Ltmp32:
0x5bd: {  	_ = 	snop;
	(pc) =	sbr.rel @p1 .LBB2_30-.Ltmp32, $4  }
.Ltmp33:
0x5be: {  	_ = 	snop;
	(pc) =	sbr.rel @!p1 .LBB2_29-.Ltmp33, $4  }
0x5bf: {  	_ = 	snop  }
0x5c0: {  	_ = 	snop  }
0x5c1: {  	s6 =	smov.u32 s1  }
0x5c2: {  	_ = 	snop  }
.LBB2_26:
0x5c3: {  	s7 =	sld [smem:$0x7F0]  }
.Ltmp34:
0x5c4: {  	s23 =	sld [smem:$0x7F5];
	(pc) =	sbr.rel @p1 .LBB2_30-.Ltmp34, $4  }
.Ltmp35:
0x5c5: {  	s6 =	sadd.s32 s1, s6;
	s25 =	sld [smem:$0x7F9];
	(pc) =	sbr.rel @!p1 .LBB2_31-.Ltmp35, $4  }
0x5c6: {  	[tilespmem:s19], [sflag:$0x3] =	stream.strided.gather [hbm4b:s6+s16], $0x3F00, s17, s16, $0x38;
	[tilespmem:$0x13F80] =	vst v63  }
0x5c7: {  	s6 =	smov.u32 s1  }
0x5c8: {  	p3 =	seq.s32 s7, $0x1;
	p5 =	seq.s32 s23, $0x1;
	p0 =	seq.s32 s25, $0x1  }
0x5c9: {  	_ = 	snop  }
.LBB2_32:
.Ltmp36:
0x5ca: {  	(pc) =	sbr.rel .LBB2_3-.Ltmp36, $3  }
0x5cb: {  	_ = 	snop  }
0x5cc: {  	s0 =	smul.u32 $0x1F800, s4;
	_ =	sdelay $0x1  }
0x5cd: {  	s4 =	sadd.s32 s29, s0;
	s0 =	sadd.s32 $0x1, s31  }
.LBB2_34:
0x5ce: {  	s7 =	sld [smem:$0x7FC];
	_ =	sdelay $0x2  }
0x5cf: {  	s0 =	smov.u32 s5;
	s6 =	rddreg [dreg:$0x4];
	p0 =	seq.s32 s7, $0x1  }
0x5d0: {  	s4 =	sshll.u32 s28, $0x4;
	s0 =	smov.u32 @p0 s6  }
0x5d1: {  	s4 =	sand.u32 $0x70, s4;
	s0 =	sadd.s32 s0, s14  }
0x5d2: {  	s0 =	sadd.s32 s4, s0  }
0x5d3: {  	[tilespmem:s3], [sflag:$0x1] =	stream.linear.gather [hbm4b:s0+s3], $0x80, $0x38;
	[tilespmem:$0x13F80] =	vst v63  }
0x5d4: {  	_ =	swait.ge [sflag:s22], $0x80  }
0x5d5: {  	[sflag:s22] =	ssyncset.done $0x0  }
0x5d6: {  	[sflag:s22] =	ssyncadd.s32 $0xFFFFFF80  }
0x5d7: {  	v0 =	vld [tilespmem:$0x0]  }
0x5d8: {  	v3 =	vld [tilespmem:$0x10]  }
0x5d9: {  	v4 =	vld [tilespmem:$0x20]  }
0x5da: {  	v5 =	vld [tilespmem:$0x30]  }
0x5db: {  	v6 =	vld [tilespmem:$0x40]  }
0x5dc: {  	v7 =	vld [tilespmem:$0x50]  }
0x5dd: {  	v8 =	vld [tilespmem:$0x60]  }
0x5de: {  	v9 =	vld [tilespmem:$0x70];
	_ =	sdelay $0x2  }
0x5df: {  	v10 =	vld [tilespmem:$0x13B80]  }
0x5e0: {  	v3 =	vmax.f32 v3, v7  }
0x5e1: {  	v4 =	vmax.f32 v4, v8;
	v5 =	vmax.f32 v5, v9;
	v6 =	vmax.f32 v0, v6  }
0x5e2: {  	v3 =	vmax.f32 v6, v3;
	v4 =	vmax.f32 v4, v5  }
0x5e3: {  	v3 =	vmax.f32 v3, v4  }
0x5e4: {  	vm0 =	vgt.f32 v3, v10  }
0x5e5: {  	v3 =	vmpcnt.ones.xlane vm0;
	_ =	sdelay $0x1  }
0x5e6: {  	(v2sf) =	vpush v3, $0x0;
	_ =	sdelay $0xe  }
0x5e7: {  	s31 =	spop (v2sf)  }
0x5e8: {  	p0 =	slt.s32 s31, $0x1  }
.Ltmp37:
0x5e9: {  	_ = 	snop;
	(pc) =	sbr.rel @p0 .LBB2_36-.Ltmp37, $1  }
0x5ea: {  	_ =	sdelay $0x3  }
0x5eb: {  	(xrf1) =	vsort.dscd.msk.f32 $0xffff, v0, v0;
	_ =	sdelay $0xb  }
0x5ec: {  	v0 =	vld [tilespmem:$0x13B00];
	_ =	sdelay $0x1  }
0x5ed: {  	v3, _, _ =	vpop (xrf1)  }
0x5ee: {  	v3 =	vperm.xlane v3, v1;
	_ =	sdelay $0x1  }
0x5ef: {  	v0 =	vmax.f32 v0, v3;
	v3 =	vld [tilespmem:$0x10]  }
0x5f0: {  	(xrf1) =	vsort.dscd.msk.f32 $0xffff, v0, v0;
	_ =	sdelay $0x3  }
0x5f1: {  	(xrf1) =	vsort.dscd.msk.f32 $0xffff, v3, v3;
	_ =	sdelay $0x9  }
0x5f2: {  	v0, _, _ =	vpop (xrf1)  }
0x5f3: {  	[tilespmem:$0x13B00] =	vst v0  }
0x5f4: {  	v3 =	vld [tilespmem:$0x13B00];
	_ =	sdelay $0x1  }
0x5f5: {  	v4, _, _ =	vpop (xrf1)  }
0x5f6: {  	v4 =	vperm.xlane v4, v1;
	_ =	sdelay $0x1  }
0x5f7: {  	v52 =	vld [tilespmem:$0x20];
	v3 =	vmax.f32 v3, v4  }
0x5f8: {  	(xrf1) =	vsort.dscd.msk.f32 $0xffff, v3, v3;
	_ =	sdelay $0x3  }
0x5f9: {  	(xrf1) =	vsort.dscd.msk.f32 $0xffff, v52, v52;
	_ =	sdelay $0x9  }
0x5fa: {  	v3, _, _ =	vpop (xrf1)  }
0x5fb: {  	[tilespmem:$0x13B00] =	vst v3  }
0x5fc: {  	v53 =	vld [tilespmem:$0x13B00];
	_ =	sdelay $0x1  }
0x5fd: {  	v5, _, _ =	vpop (xrf1)  }
0x5fe: {  	v5 =	vperm.xlane v5, v1;
	_ =	sdelay $0x1  }
0x5ff: {  	v54 =	vld [tilespmem:$0x30];
	v4 =	vmax.f32 v53, v5  }
0x600: {  	(xrf1) =	vsort.dscd.msk.f32 $0xffff, v4, v4;
	_ =	sdelay $0x3  }
0x601: {  	(xrf1) =	vsort.dscd.msk.f32 $0xffff, v54, v54;
	_ =	sdelay $0x9  }
0x602: {  	v4, _, _ =	vpop (xrf1)  }
0x603: {  	[tilespmem:$0x13B00] =	vst v4  }
0x604: {  	v55 =	vld [tilespmem:$0x13B00];
	_ =	sdelay $0x1  }
0x605: {  	v6, _, _ =	vpop (xrf1)  }
0x606: {  	v6 =	vperm.xlane v6, v1;
	_ =	sdelay $0x1  }
0x607: {  	v56 =	vld [tilespmem:$0x40];
	v5 =	vmax.f32 v55, v6  }
0x608: {  	(xrf1) =	vsort.dscd.msk.f32 $0xffff, v5, v5;
	_ =	sdelay $0x3  }
0x609: {  	(xrf1) =	vsort.dscd.msk.f32 $0xffff, v56, v56;
	_ =	sdelay $0x9  }
0x60a: {  	v5, _, _ =	vpop (xrf1)  }
0x60b: {  	[tilespmem:$0x13B00] =	vst v5  }
0x60c: {  	v57 =	vld [tilespmem:$0x13B00];
	_ =	sdelay $0x1  }
0x60d: {  	v7, _, _ =	vpop (xrf1)  }
0x60e: {  	v7 =	vperm.xlane v7, v1;
	_ =	sdelay $0x1  }
0x60f: {  	v58 =	vld [tilespmem:$0x50];
	v6 =	vmax.f32 v57, v7  }
0x610: {  	(xrf1) =	vsort.dscd.msk.f32 $0xffff, v6, v6;
	_ =	sdelay $0x3  }
0x611: {  	(xrf1) =	vsort.dscd.msk.f32 $0xffff, v58, v58;
	_ =	sdelay $0x9  }
0x612: {  	v6, _, _ =	vpop (xrf1)  }
0x613: {  	[tilespmem:$0x13B00] =	vst v6  }
0x614: {  	v59 =	vld [tilespmem:$0x13B00];
	_ =	sdelay $0x1  }
0x615: {  	v8, _, _ =	vpop (xrf1)  }
0x616: {  	v8 =	vperm.xlane v8, v1;
	_ =	sdelay $0x1  }
0x617: {  	v60 =	vld [tilespmem:$0x60];
	v7 =	vmax.f32 v59, v8  }
0x618: {  	(xrf1) =	vsort.dscd.msk.f32 $0xffff, v7, v7;
	_ =	sdelay $0x3  }
0x619: {  	(xrf1) =	vsort.dscd.msk.f32 $0xffff, v60, v60;
	_ =	sdelay $0x9  }
0x61a: {  	v7, _, _ =	vpop (xrf1)  }
0x61b: {  	[tilespmem:$0x13B00] =	vst v7  }
0x61c: {  	v61 =	vld [tilespmem:$0x13B00];
	_ =	sdelay $0x1  }
0x61d: {  	v9, _, _ =	vpop (xrf1)  }
0x61e: {  	v9 =	vperm.xlane v9, v1;
	_ =	sdelay $0x1  }
0x61f: {  	v62 =	vld [tilespmem:$0x70];
	v8 =	vmax.f32 v61, v9  }
0x620: {  	(xrf1) =	vsort.dscd.msk.f32 $0xffff, v8, v8;
	_ =	sdelay $0x3  }
0x621: {  	(xrf1) =	vsort.dscd.msk.f32 $0xffff, v62, v62;
	_ =	sdelay $0x9  }
0x622: {  	v8, _, _ =	vpop (xrf1)  }
0x623: {  	[tilespmem:$0x13B00] =	vst v8  }
0x624: {  	v63 =	vld [tilespmem:$0x13B00];
	_ =	sdelay $0x1  }
0x625: {  	v10, _, _ =	vpop (xrf1)  }
0x626: {  	v10 =	vperm.xlane v10, v1;
	_ =	sdelay $0x1  }
0x627: {  	v9 =	vmax.f32 v63, v10  }
0x628: {  	(xrf1) =	vsort.dscd.msk.f32 $0xffff, v9, v9;
	_ =	sdelay $0x4  }
0x629: {  	v0 =	vperm.xlane v0, v2  }
0x62a: {  	v3 =	vperm.xlane v3, v2  }
0x62b: {  	[tilespmem:$0x13B80] =	vst v0;
	v0 =	vperm.xlane v4, v2  }
0x62c: {  	[tilespmem:$0x13B80] =	vst v3;
	v3 =	vperm.xlane v5, v2  }
0x62d: {  	[tilespmem:$0x13B80] =	vst v0  }
0x62e: {  	[tilespmem:$0x13B80] =	vst v3;
	v3 =	vperm.xlane v7, v2  }
0x62f: {  	v0 =	vperm.xlane v6, v2;
	_ =	sdelay $0x1  }
.Ltmp38:
0x630: {  	[tilespmem:$0x13B80] =	vst v0;
	v0 =	vperm.xlane v8, v2;
	(pc) =	sbr.rel .LBB2_36-.Ltmp38, $4  }
0x631: {  	[tilespmem:$0x13B80] =	vst v3;
	v3, _, _ =	vpop (xrf1)  }
0x632: {  	[tilespmem:$0x13B80] =	vst v0;
	v0 =	vperm.xlane v3, v2  }
0x633: {  	[tilespmem:$0x13B00] =	vst v3  }
0x634: {  	[tilespmem:$0x13B80] =	vst v0  }
.LBB2_38:
0x635: {  	_ =	sfence.sel $0x180000  }
0x636: {  	[bflag:$0x0] =	sbarrier.arrive $0xFFFF  }
0x637: {  	_ =	strace $0x90000047  }
0x638: {  	s0 =	stileid.u32;
	[bflag:$0x2] =	sbarrier.arrive $0xFFFF  }
0x639: {  	p0 =	sne.s32 s0, $0x0;
	s0 =	rddreg [dreg:$0x3]  }
0x63a: {  	s0 =	sadd.s32 @!p0 $0x100000, s0  }
0x63b: {  	[sflag:s0] =	ssyncadd.tile.s32 @!p0 $0x1;
	_ =	shalt  }
.Lfunc_end2:
_tile_overlayer_lowered:
.L_overlay_start_2:
0x63c: {  	(tag) =	ssettag $0x2  }
0x63d: {  	s0 =	rddreg [dreg:$0x0];
	s2 =	stileid.u32  }
0x63e: {  	s1 =	rddreg [dreg:$0x1];
	p0 =	sne.s32 s2, $0x0  }
0x63f: {  	s3 =	rddreg [dreg:$0x2];
	[bflag:$0x3] =	sbarrier.arrive $0xFFFF;
	s2 =	simm.s32 @!p0 $0x1C06  }
0x640: {  	[timem:s3], [sflag:s2] =	dma.local @!p0 [hbm:s0], s1  }
0x641: {  	s0 =	simm.s32 @!p0 $0x6  }
0x642: {  	_ =	swait.ge @!p0 [sflag:s0], s1  }
0x643: {  	s1 =	ssub.s32 @!p0 $0x0, s1;
	[sflag:s0] =	ssyncset.done @!p0 $0x0  }
0x644: {  	[sflag:s0] =	ssyncadd.s32 @!p0 s1  }
0x645: {  	[bflag:$0x3] =	sbarrier.arrive $0xFFFF  }
0x646: {  	_ =	shalt  }

</sc_bundles>
